<compile_context>
chip_gen: v7x
topology: tpu7x:2x2x1
jax: 0.10.2.dev20260603
libtpu: 0.0.44.dev20260713+nightly
codegen_flags: <defaults>
</compile_context>

<pallas_src>
import functools

import jax
import jax.numpy as jnp
from jax import lax
from jax.experimental import pallas as pl
from jax.experimental.pallas import tpu as pltpu
from jax.experimental.pallas import tpu_sc as plsc

N = 10000
E = 320000
D_IN = 128
D_H = 128
D_OUT = 64

NC = 2
NS = 16
NW = NC * NS
CH = 128
NCH = 80
E_PAD = NW * NCH * CH
N_PAD = 10240
RPS = N_PAD // NS
DEG_W = 128
BR = 1024
GRID = N_PAD // BR

_mesh = plsc.VectorSubcoreMesh(
    core_axis_name="c", subcore_axis_name="s", num_cores=NC, num_subcores=NS)


def _wid():
  return lax.axis_index("c") * NS + lax.axis_index("s")


def _deg_body(dst_hbm, ones_hbm, zeros_hbm, out_hbm, acc, ones_v, idx_v, sem):
  del sem
  c = lax.axis_index("c")
  s = lax.axis_index("s")
  wid = c * NS + s
  pltpu.sync_copy(zeros_hbm, acc.at[pl.ds(s * RPS, RPS)])
  pltpu.sync_copy(ones_hbm, ones_v)
  pltpu.sync_copy(dst_hbm.at[wid], idx_v)
  plsc.subcore_barrier()

  def body(j, carry):
    pltpu.sync_copy(ones_v, acc.at[idx_v.at[j]], add=True)
    return carry

  lax.fori_loop(0, NCH, body, 0)
  plsc.subcore_barrier()
  pltpu.sync_copy(acc.at[pl.ds(s * RPS, RPS)],
                  out_hbm.at[c].at[pl.ds(s * RPS, RPS)])


_deg_pass = pl.kernel(
    _deg_body,
    out_type=jax.ShapeDtypeStruct((NC, N_PAD, DEG_W), jnp.float32),
    mesh=_mesh,
    scratch_types=[
        pltpu.VMEM_SHARED((N_PAD, DEG_W), jnp.float32),
        pltpu.VMEM((CH, DEG_W), jnp.float32),
        pltpu.VMEM((NCH, CH), jnp.int32),
        pltpu.SemaphoreType.DMA,
    ],
)


NBUF = 2
DRING = 4


def _scatter_body(D, g_hbm, src_hbm, dst_hbm, zeros_hbm, out_hbm,
                  acc, src_v, dst_r, rows, gsems, dsems):
  c = lax.axis_index("c")
  s = lax.axis_index("s")
  wid = c * NS + s
  pltpu.sync_copy(zeros_hbm, acc.at[pl.ds(s * RPS, RPS)])
  pltpu.sync_copy(src_hbm.at[wid], src_v)
  for k in range(DRING - 1):
    pltpu.async_copy(dst_hbm.at[wid].at[k], dst_r.at[k], dsems[k])
  plsc.subcore_barrier()

  for k in range(NBUF - 1):
    pltpu.async_copy(g_hbm.at[src_v.at[k]], rows[k], gsems[k])

  def body(jj, carry):
    for k in range(DRING):
      j = jj * DRING + k
      kb = k % NBUF
      kn = (k + 1) % NBUF

      @pl.when(j + 1 < NCH)
      def _():
        pltpu.async_copy(g_hbm.at[src_v.at[j + 1]], rows[kn], gsems[kn])

      pltpu.make_async_copy(dst_hbm.at[wid].at[j], dst_r.at[k],
                            dsems[k]).wait()
      pltpu.make_async_copy(g_hbm.at[src_v.at[j]], rows[kb], gsems[kb]).wait()
      pltpu.sync_copy(rows[kb], acc.at[dst_r.at[k]], add=True)
      ks = (k + DRING - 1) % DRING

      @pl.when(j + DRING - 1 < NCH)
      def _():
        pltpu.async_copy(dst_hbm.at[wid].at[j + DRING - 1], dst_r.at[ks],
                         dsems[ks])
    return carry

  lax.fori_loop(0, NCH // DRING, body, 0)
  plsc.subcore_barrier()
  pltpu.sync_copy(acc.at[pl.ds(s * RPS, RPS)],
                  out_hbm.at[c].at[pl.ds(s * RPS, RPS)])


def _make_scatter(D):
  def wrapped(D, g_hbm, src_hbm, dst_hbm, zeros_hbm, out_hbm, acc,
              src_v, dst_r, r0, r1, g0, g1, d0, d1, d2, d3):
    _scatter_body(D, g_hbm, src_hbm, dst_hbm, zeros_hbm, out_hbm, acc,
                  src_v, dst_r, [r0, r1], [g0, g1], [d0, d1, d2, d3])

  return pl.kernel(
      functools.partial(wrapped, D),
      out_type=jax.ShapeDtypeStruct((NC, N_PAD, D), jnp.float32),
      mesh=_mesh,
      scratch_types=[
          pltpu.VMEM_SHARED((N_PAD, D), jnp.float32),
          pltpu.VMEM((NCH, CH), jnp.int32),
          pltpu.VMEM((DRING, CH), jnp.int32),
      ] + [pltpu.VMEM((CH, D), jnp.float32)] * NBUF
        + [pltpu.SemaphoreType.DMA] * (NBUF + DRING),
  )


_scatter128 = _make_scatter(D_H)


def _dinv_block(deg_ref, pid):
  deg = deg_ref[...]
  total = deg[0, :, 0:1] + deg[1, :, 0:1] + 1.0
  dinv = lax.rsqrt(total)
  rows = pid * BR + lax.broadcasted_iota(jnp.int32, (BR, 1), 0)
  return jnp.where(rows < N, dinv, 0.0)


def _l1_body(x_ref, deg_ref, w_ref, g_ref):
  dinv = _dinv_block(deg_ref, pl.program_id(0))
  g_ref[...] = dinv * jnp.dot(x_ref[...], w_ref[...],
                              preferred_element_type=jnp.float32)


def _mid_body(agg_ref, gprev_ref, deg_ref, w_ref, b_ref, g_ref):
  dinv = _dinv_block(deg_ref, pl.program_id(0))
  agg = agg_ref[...]
  z = dinv * (agg[0] + agg[1] + gprev_ref[...]) + b_ref[...]
  z = jnp.maximum(z, 0.0)
  g_ref[...] = dinv * jnp.dot(z, w_ref[...],
                              preferred_element_type=jnp.float32)


def _fin_body(agg_ref, gprev_ref, deg_ref, b_ref, o_ref):
  dinv = _dinv_block(deg_ref, pl.program_id(0))
  agg = agg_ref[...]
  z = (dinv * (agg[0] + agg[1] + gprev_ref[...]))[:, :D_OUT] + b_ref[...]
  z = jnp.maximum(z, 0.0)
  m = jnp.max(z, axis=1, keepdims=True)
  lse = m + jnp.log(jnp.sum(jnp.exp(z - m), axis=1, keepdims=True))
  o_ref[...] = z - lse


def _row_spec(d):
  return pl.BlockSpec((BR, d), lambda i: (i, 0))


def _pair_spec(d):
  return pl.BlockSpec((NC, BR, d), lambda i: (0, i, 0))


def _full_spec(shape):
  return pl.BlockSpec(shape, lambda i: tuple(0 for _ in shape))


def _l1_call(x, deg, w):
  return pl.pallas_call(
      _l1_body,
      grid=(GRID,),
      in_specs=[_row_spec(D_IN), _pair_spec(DEG_W), _full_spec((D_IN, D_H))],
      out_specs=_row_spec(D_H),
      out_shape=jax.ShapeDtypeStruct((N_PAD, D_H), jnp.float32),
  )(x, deg, w)


def _mid_call(agg, gprev, deg, w, b, d_out):
  d_in = gprev.shape[1]
  return pl.pallas_call(
      _mid_body,
      grid=(GRID,),
      in_specs=[_pair_spec(d_in), _row_spec(d_in), _pair_spec(DEG_W),
                _full_spec((d_in, d_out)), _full_spec((1, d_in))],
      out_specs=_row_spec(d_out),
      out_shape=jax.ShapeDtypeStruct((N_PAD, d_out), jnp.float32),
  )(agg, gprev, deg, w, b)


def _fin_call(agg, gprev, deg, b):
  return pl.pallas_call(
      _fin_body,
      grid=(GRID,),
      in_specs=[_pair_spec(D_H), _row_spec(D_H), _pair_spec(DEG_W),
                _full_spec((1, D_OUT))],
      out_specs=_row_spec(D_OUT),
      out_shape=jax.ShapeDtypeStruct((N, D_OUT), jnp.float32),
  )(agg, gprev, deg, b)


@jax.jit
def _run(x, edge_index, W1, b1, W2, b2, W3, b3):
  src = edge_index[0]
  dst = edge_index[1]
  pad = jnp.full((E_PAD - E,), N, dtype=jnp.int32)
  srcp = jnp.concatenate([src, pad]).reshape(NW, NCH, CH)
  dstp = jnp.concatenate([dst, pad]).reshape(NW, NCH, CH)
  xp = jnp.pad(x, ((0, N_PAD - N), (0, 0)))

  z128 = jnp.zeros((RPS, D_H), jnp.float32)
  ones_deg = jnp.ones((CH, DEG_W), jnp.float32)
  z_deg = z128
  W3p = jnp.pad(W3, ((0, 0), (0, D_H - D_OUT)))

  deg = _deg_pass(dstp, ones_deg, z_deg)
  g1 = _l1_call(xp, deg, W1)
  a1 = _scatter128(g1, srcp, dstp, z128)
  g2 = _mid_call(a1, g1, deg, W2, b1.reshape(1, D_H), D_H)
  a2 = _scatter128(g2, srcp, dstp, z128)
  g3 = _mid_call(a2, g2, deg, W3p, b2.reshape(1, D_H), D_H)
  a3 = _scatter128(g3, srcp, dstp, z128)
  return _fin_call(a3, g3, deg, b3.reshape(1, D_OUT))


def kernel(x, edge_index, W1, b1, W2, b2, W3, b3):
  return _run(x, edge_index, W1, b1, W2, b2, W3, b3)

# --- scband reference (transcript-rebuilt; emitter-appended) ---
"""Pipeline reference for scband-net-37194416783911 (READ-ONLY COPY).

The authoritative reference and input builder live on the scoring server;
editing this copy changes nothing except your own understanding.
"""

import jax, jax.numpy as jnp
import numpy as np

N = 10000
E = 320000
IN_DIM = 128
H_DIM = 128
OUT_DIM = 64


def setup_inputs(seed: int = 0) -> dict:
    key = jax.random.key(seed)
    ks = jax.random.split(key, 8)
    x = jax.random.normal(ks[0], (N, IN_DIM), dtype=jnp.float32)
    edge_index = jax.random.randint(ks[1], (2, E), 0, N, dtype=jnp.int32)
    W1 = jax.random.normal(ks[2], (IN_DIM, H_DIM), dtype=jnp.float32) * 0.05
    b1 = jnp.zeros((H_DIM,), dtype=jnp.float32)
    W2 = jax.random.normal(ks[3], (H_DIM, H_DIM), dtype=jnp.float32) * 0.05
    b2 = jnp.zeros((H_DIM,), dtype=jnp.float32)
    W3 = jax.random.normal(ks[4], (H_DIM, OUT_DIM), dtype=jnp.float32) * 0.05
    b3 = jnp.zeros((OUT_DIM,), dtype=jnp.float32)
    return {"x": x, "edge_index": edge_index, "W1": W1, "b1": b1, "W2": W2, "b2": b2, "W3": W3, "b3": b3}


def _gcn_conv(x, W, b, src, dst):
    # Faithful GCNConv: linear transform, add self-loops, symmetric normalization,
    # scatter-add aggregation at destination nodes, then bias.
    n = x.shape[0]
    loop = jnp.arange(n, dtype=src.dtype)
    s = jnp.concatenate([src, loop])
    d = jnp.concatenate([dst, loop])
    deg = jnp.zeros((n,), dtype=x.dtype).at[d].add(1.0)
    deg_inv_sqrt = jnp.where(deg > 0, jax.lax.rsqrt(jnp.maximum(deg, 1e-12)), 0.0)
    norm = deg_inv_sqrt[s] * deg_inv_sqrt[d]
    h = x @ W
    msg = h[s] * norm[:, None]
    out = jnp.zeros((n, W.shape[1]), dtype=x.dtype).at[d].add(msg)
    return out + b


def reference(x, edge_index, W1, b1, W2, b2, W3, b3):
    src = edge_index[0]
    dst = edge_index[1]
    h = jax.nn.relu(_gcn_conv(x, W1, b1, src, dst))
    # dropout p=0 in eval path -> identity
    h = jax.nn.relu(_gcn_conv(h, W2, b2, src, dst))
    h = jax.nn.relu(_gcn_conv(h, W3, b3, src, dst))
    return jax.nn.log_softmax(h, axis=1)

if __name__ == "__main__":
    import jax
    _d = setup_inputs()
    print(jax.jit(kernel)(*tuple(_d.values())))

</pallas_src>

<mosaic_0001>
#map = affine_map<(d0, d1) -> (0, 0)>
#map1 = affine_map<(d0, d1) -> (0, 0, 0)>
module attributes {stable_mosaic.version = 14 : i64} {
  func.func @wrapped(%arg0: i32, %arg1: i32, %arg2: memref<10240x128xf32, #tpu.memory_space<hbm>>, %arg3: memref<32x80x128xi32, #tpu.memory_space<hbm>>, %arg4: memref<32x80x128xi32, #tpu.memory_space<hbm>>, %arg5: memref<640x128xf32, #tpu.memory_space<hbm>>, %arg6: memref<2x10240x128xf32, #tpu.memory_space<hbm>>, %arg7: memref<10240x128xf32, #tpu.memory_space<vmem_shared>>, %arg8: memref<80x128xi32, #tpu.memory_space<vmem>>, %arg9: memref<4x128xi32, #tpu.memory_space<vmem>>, %arg10: memref<128x128xf32, #tpu.memory_space<vmem>>, %arg11: memref<128x128xf32, #tpu.memory_space<vmem>>, %arg12: memref<!tpu.dma_semaphore, #tpu.memory_space<semaphore_mem>>, %arg13: memref<!tpu.dma_semaphore, #tpu.memory_space<semaphore_mem>>, %arg14: memref<!tpu.dma_semaphore, #tpu.memory_space<semaphore_mem>>, %arg15: memref<!tpu.dma_semaphore, #tpu.memory_space<semaphore_mem>>, %arg16: memref<!tpu.dma_semaphore, #tpu.memory_space<semaphore_mem>>, %arg17: memref<!tpu.dma_semaphore, #tpu.memory_space<semaphore_mem>>) attributes {dimension_semantics = [#tpu.dimension_semantics<core_parallel>, #tpu.dimension_semantics<subcore_parallel>], iteration_bounds = array<i64: 2, 16>, scalar_prefetch = 0 : i64, scratch_operands = 11 : i64, tpu.core_type = #tpu.core_type<sc_vector_subcore>, window_params = [{transform_indices = #map}, {transform_indices = #map1}, {transform_indices = #map1}, {transform_indices = #map}, {transform_indices = #map1}]} {
    %mul3A = arith.constant 16 : i32
    %mul3A_0 = arith.muli %arg0, %mul3A : i32
    %add3A = arith.addi %mul3A_0, %arg1 : i32
    %mul3A_1 = arith.constant 640 : i32
    %mul3A_2 = arith.muli %arg1, %mul3A_1 : i32
    "tpu.region"() ({
      %run_scoped3A = tpu.sem_alloc : memref<!tpu.dma_semaphore, #tpu.memory_space<semaphore_mem>>
      %dma_start3A_85 = arith.constant 0 : i32
      %dma_start3A_86 = tpu.memref_slice %arg7[%mul3A_2, %dma_start3A_85] : memref<10240x128xf32, #tpu.memory_space<vmem_shared>> -> memref<640x128xf32, #tpu.memory_space<vmem_shared>>
      tpu.enqueue_dma source(%arg5 : memref<640x128xf32, #tpu.memory_space<hbm>>) target(%dma_start3A_86 : memref<640x128xf32, #tpu.memory_space<vmem_shared>>) target_semaphore(%run_scoped3A : memref<!tpu.dma_semaphore, #tpu.memory_space<semaphore_mem>>)
      %dma_wait3A = arith.constant 0 : i32
      %dma_wait3A_87 = tpu.memref_slice %arg7[%mul3A_2, %dma_wait3A] : memref<10240x128xf32, #tpu.memory_space<vmem_shared>> -> memref<640x128xf32, #tpu.memory_space<vmem_shared>>
      tpu.wait_dma2 semaphore(%run_scoped3A : memref<!tpu.dma_semaphore, #tpu.memory_space<semaphore_mem>>) src(%arg5 : memref<640x128xf32, #tpu.memory_space<hbm>>) dst(%dma_wait3A_87 : memref<640x128xf32, #tpu.memory_space<vmem_shared>>)
      tpu.yield
    }) : () -> ()
    "tpu.region"() ({
      %run_scoped3A = tpu.sem_alloc : memref<!tpu.dma_semaphore, #tpu.memory_space<semaphore_mem>>
      %dma_start3A_85 = arith.constant 0 : i32
      %dma_start3A_86 = arith.constant 0 : i32
      %dma_start3A_87 = tpu.memref_slice %arg3[%add3A, %dma_start3A_85, %dma_start3A_86] : memref<32x80x128xi32, #tpu.memory_space<hbm>> -> memref<1x80x128xi32, #tpu.memory_space<hbm>>
      %dma_start3A_88 = tpu.memref_squeeze %dma_start3A_87 : memref<1x80x128xi32, #tpu.memory_space<hbm>> -> memref<80x128xi32, #tpu.memory_space<hbm>>
      %dma_start3A_89 = arith.constant 0 : i32
      %dma_start3A_90 = arith.constant 0 : i32
      %dma_start3A_91 = tpu.memref_slice %arg3[%add3A, %dma_start3A_89, %dma_start3A_90] : memref<32x80x128xi32, #tpu.memory_space<hbm>> -> memref<1x80x128xi32, #tpu.memory_space<hbm>>
      %dma_start3A_92 = tpu.memref_squeeze %dma_start3A_91 : memref<1x80x128xi32, #tpu.memory_space<hbm>> -> memref<80x128xi32, #tpu.memory_space<hbm>>
      tpu.enqueue_dma source(%dma_start3A_92 : memref<80x128xi32, #tpu.memory_space<hbm>>) target(%arg8 : memref<80x128xi32, #tpu.memory_space<vmem>>) target_semaphore(%run_scoped3A : memref<!tpu.dma_semaphore, #tpu.memory_space<semaphore_mem>>)
      %dma_wait3A = arith.constant 0 : i32
      %dma_wait3A_93 = arith.constant 0 : i32
      %dma_wait3A_94 = tpu.memref_slice %arg3[%add3A, %dma_wait3A, %dma_wait3A_93] : memref<32x80x128xi32, #tpu.memory_space<hbm>> -> memref<1x80x128xi32, #tpu.memory_space<hbm>>
      %dma_wait3A_95 = tpu.memref_squeeze %dma_wait3A_94 : memref<1x80x128xi32, #tpu.memory_space<hbm>> -> memref<80x128xi32, #tpu.memory_space<hbm>>
      %dma_wait3A_96 = arith.constant 0 : i32
      %dma_wait3A_97 = arith.constant 0 : i32
      %dma_wait3A_98 = tpu.memref_slice %arg3[%add3A, %dma_wait3A_96, %dma_wait3A_97] : memref<32x80x128xi32, #tpu.memory_space<hbm>> -> memref<1x80x128xi32, #tpu.memory_space<hbm>>
      %dma_wait3A_99 = tpu.memref_squeeze %dma_wait3A_98 : memref<1x80x128xi32, #tpu.memory_space<hbm>> -> memref<80x128xi32, #tpu.memory_space<hbm>>
      tpu.wait_dma2 semaphore(%run_scoped3A : memref<!tpu.dma_semaphore, #tpu.memory_space<semaphore_mem>>) src(%dma_wait3A_99 : memref<80x128xi32, #tpu.memory_space<hbm>>) dst(%arg8 : memref<80x128xi32, #tpu.memory_space<vmem>>)
      tpu.yield
    }) : () -> ()
    %dma_start3A = arith.constant 0 : i32
    %dma_start3A_3 = arith.constant 0 : i32
    %dma_start3A_4 = arith.constant 0 : i32
    %dma_start3A_5 = tpu.memref_slice %arg9[%dma_start3A_3, %dma_start3A_4] : memref<4x128xi32, #tpu.memory_space<vmem>> -> memref<1x128xi32, #tpu.memory_space<vmem>>
    %dma_start3A_6 = tpu.memref_squeeze %dma_start3A_5 : memref<1x128xi32, #tpu.memory_space<vmem>> -> memref<128xi32, #tpu.memory_space<vmem>>
    %dma_start3A_7 = arith.constant 0 : i32
    %dma_start3A_8 = arith.constant 0 : i32
    %dma_start3A_9 = tpu.memref_slice %arg4[%add3A, %dma_start3A_7, %dma_start3A_8] : memref<32x80x128xi32, #tpu.memory_space<hbm>> -> memref<1x80x128xi32, #tpu.memory_space<hbm>>
    %dma_start3A_10 = tpu.memref_squeeze %dma_start3A_9 : memref<1x80x128xi32, #tpu.memory_space<hbm>> -> memref<80x128xi32, #tpu.memory_space<hbm>>
    %dma_start3A_11 = arith.constant 0 : i32
    %dma_start3A_12 = tpu.memref_slice %dma_start3A_10[%dma_start3A, %dma_start3A_11] : memref<80x128xi32, #tpu.memory_space<hbm>> -> memref<1x128xi32, #tpu.memory_space<hbm>>
    %dma_start3A_13 = tpu.memref_squeeze %dma_start3A_12 : memref<1x128xi32, #tpu.memory_space<hbm>> -> memref<128xi32, #tpu.memory_space<hbm>>
    %dma_start3A_14 = arith.constant 0 : i32
    %dma_start3A_15 = tpu.memref_slice %arg9[%dma_start3A_3, %dma_start3A_14] : memref<4x128xi32, #tpu.memory_space<vmem>> -> memref<1x128xi32, #tpu.memory_space<vmem>>
    %dma_start3A_16 = tpu.memref_squeeze %dma_start3A_15 : memref<1x128xi32, #tpu.memory_space<vmem>> -> memref<128xi32, #tpu.memory_space<vmem>>
    %dma_start3A_17 = arith.constant 0 : i32
    %dma_start3A_18 = arith.constant 0 : i32
    %dma_start3A_19 = tpu.memref_slice %arg4[%add3A, %dma_start3A_17, %dma_start3A_18] : memref<32x80x128xi32, #tpu.memory_space<hbm>> -> memref<1x80x128xi32, #tpu.memory_space<hbm>>
    %dma_start3A_20 = tpu.memref_squeeze %dma_start3A_19 : memref<1x80x128xi32, #tpu.memory_space<hbm>> -> memref<80x128xi32, #tpu.memory_space<hbm>>
    %dma_start3A_21 = arith.constant 0 : i32
    %dma_start3A_22 = tpu.memref_slice %dma_start3A_20[%dma_start3A, %dma_start3A_21] : memref<80x128xi32, #tpu.memory_space<hbm>> -> memref<1x128xi32, #tpu.memory_space<hbm>>
    %dma_start3A_23 = tpu.memref_squeeze %dma_start3A_22 : memref<1x128xi32, #tpu.memory_space<hbm>> -> memref<128xi32, #tpu.memory_space<hbm>>
    tpu.enqueue_dma source(%dma_start3A_23 : memref<128xi32, #tpu.memory_space<hbm>>) target(%dma_start3A_16 : memref<128xi32, #tpu.memory_space<vmem>>) target_semaphore(%arg14 : memref<!tpu.dma_semaphore, #tpu.memory_space<semaphore_mem>>)
    %dma_start3A_24 = arith.constant 1 : i32
    %dma_start3A_25 = arith.constant 1 : i32
    %dma_start3A_26 = arith.constant 0 : i32
    %dma_start3A_27 = tpu.memref_slice %arg9[%dma_start3A_25, %dma_start3A_26] : memref<4x128xi32, #tpu.memory_space<vmem>> -> memref<1x128xi32, #tpu.memory_space<vmem>>
    %dma_start3A_28 = tpu.memref_squeeze %dma_start3A_27 : memref<1x128xi32, #tpu.memory_space<vmem>> -> memref<128xi32, #tpu.memory_space<vmem>>
    %dma_start3A_29 = arith.constant 0 : i32
    %dma_start3A_30 = arith.constant 0 : i32
    %dma_start3A_31 = tpu.memref_slice %arg4[%add3A, %dma_start3A_29, %dma_start3A_30] : memref<32x80x128xi32, #tpu.memory_space<hbm>> -> memref<1x80x128xi32, #tpu.memory_space<hbm>>
    %dma_start3A_32 = tpu.memref_squeeze %dma_start3A_31 : memref<1x80x128xi32, #tpu.memory_space<hbm>> -> memref<80x128xi32, #tpu.memory_space<hbm>>
    %dma_start3A_33 = arith.constant 0 : i32
    %dma_start3A_34 = tpu.memref_slice %dma_start3A_32[%dma_start3A_24, %dma_start3A_33] : memref<80x128xi32, #tpu.memory_space<hbm>> -> memref<1x128xi32, #tpu.memory_space<hbm>>
    %dma_start3A_35 = tpu.memref_squeeze %dma_start3A_34 : memref<1x128xi32, #tpu.memory_space<hbm>> -> memref<128xi32, #tpu.memory_space<hbm>>
    %dma_start3A_36 = arith.constant 0 : i32
    %dma_start3A_37 = tpu.memref_slice %arg9[%dma_start3A_25, %dma_start3A_36] : memref<4x128xi32, #tpu.memory_space<vmem>> -> memref<1x128xi32, #tpu.memory_space<vmem>>
    %dma_start3A_38 = tpu.memref_squeeze %dma_start3A_37 : memref<1x128xi32, #tpu.memory_space<vmem>> -> memref<128xi32, #tpu.memory_space<vmem>>
    %dma_start3A_39 = arith.constant 0 : i32
    %dma_start3A_40 = arith.constant 0 : i32
    %dma_start3A_41 = tpu.memref_slice %arg4[%add3A, %dma_start3A_39, %dma_start3A_40] : memref<32x80x128xi32, #tpu.memory_space<hbm>> -> memref<1x80x128xi32, #tpu.memory_space<hbm>>
    %dma_start3A_42 = tpu.memref_squeeze %dma_start3A_41 : memref<1x80x128xi32, #tpu.memory_space<hbm>> -> memref<80x128xi32, #tpu.memory_space<hbm>>
    %dma_start3A_43 = arith.constant 0 : i32
    %dma_start3A_44 = tpu.memref_slice %dma_start3A_42[%dma_start3A_24, %dma_start3A_43] : memref<80x128xi32, #tpu.memory_space<hbm>> -> memref<1x128xi32, #tpu.memory_space<hbm>>
    %dma_start3A_45 = tpu.memref_squeeze %dma_start3A_44 : memref<1x128xi32, #tpu.memory_space<hbm>> -> memref<128xi32, #tpu.memory_space<hbm>>
    tpu.enqueue_dma source(%dma_start3A_45 : memref<128xi32, #tpu.memory_space<hbm>>) target(%dma_start3A_38 : memref<128xi32, #tpu.memory_space<vmem>>) target_semaphore(%arg15 : memref<!tpu.dma_semaphore, #tpu.memory_space<semaphore_mem>>)
    %dma_start3A_46 = arith.constant 2 : i32
    %dma_start3A_47 = arith.constant 2 : i32
    %dma_start3A_48 = arith.constant 0 : i32
    %dma_start3A_49 = tpu.memref_slice %arg9[%dma_start3A_47, %dma_start3A_48] : memref<4x128xi32, #tpu.memory_space<vmem>> -> memref<1x128xi32, #tpu.memory_space<vmem>>
    %dma_start3A_50 = tpu.memref_squeeze %dma_start3A_49 : memref<1x128xi32, #tpu.memory_space<vmem>> -> memref<128xi32, #tpu.memory_space<vmem>>
    %dma_start3A_51 = arith.constant 0 : i32
    %dma_start3A_52 = arith.constant 0 : i32
    %dma_start3A_53 = tpu.memref_slice %arg4[%add3A, %dma_start3A_51, %dma_start3A_52] : memref<32x80x128xi32, #tpu.memory_space<hbm>> -> memref<1x80x128xi32, #tpu.memory_space<hbm>>
    %dma_start3A_54 = tpu.memref_squeeze %dma_start3A_53 : memref<1x80x128xi32, #tpu.memory_space<hbm>> -> memref<80x128xi32, #tpu.memory_space<hbm>>
    %dma_start3A_55 = arith.constant 0 : i32
    %dma_start3A_56 = tpu.memref_slice %dma_start3A_54[%dma_start3A_46, %dma_start3A_55] : memref<80x128xi32, #tpu.memory_space<hbm>> -> memref<1x128xi32, #tpu.memory_space<hbm>>
    %dma_start3A_57 = tpu.memref_squeeze %dma_start3A_56 : memref<1x128xi32, #tpu.memory_space<hbm>> -> memref<128xi32, #tpu.memory_space<hbm>>
    %dma_start3A_58 = arith.constant 0 : i32
    %dma_start3A_59 = tpu.memref_slice %arg9[%dma_start3A_47, %dma_start3A_58] : memref<4x128xi32, #tpu.memory_space<vmem>> -> memref<1x128xi32, #tpu.memory_space<vmem>>
    %dma_start3A_60 = tpu.memref_squeeze %dma_start3A_59 : memref<1x128xi32, #tpu.memory_space<vmem>> -> memref<128xi32, #tpu.memory_space<vmem>>
    %dma_start3A_61 = arith.constant 0 : i32
    %dma_start3A_62 = arith.constant 0 : i32
    %dma_start3A_63 = tpu.memref_slice %arg4[%add3A, %dma_start3A_61, %dma_start3A_62] : memref<32x80x128xi32, #tpu.memory_space<hbm>> -> memref<1x80x128xi32, #tpu.memory_space<hbm>>
    %dma_start3A_64 = tpu.memref_squeeze %dma_start3A_63 : memref<1x80x128xi32, #tpu.memory_space<hbm>> -> memref<80x128xi32, #tpu.memory_space<hbm>>
    %dma_start3A_65 = arith.constant 0 : i32
    %dma_start3A_66 = tpu.memref_slice %dma_start3A_64[%dma_start3A_46, %dma_start3A_65] : memref<80x128xi32, #tpu.memory_space<hbm>> -> memref<1x128xi32, #tpu.memory_space<hbm>>
    %dma_start3A_67 = tpu.memref_squeeze %dma_start3A_66 : memref<1x128xi32, #tpu.memory_space<hbm>> -> memref<128xi32, #tpu.memory_space<hbm>>
    tpu.enqueue_dma source(%dma_start3A_67 : memref<128xi32, #tpu.memory_space<hbm>>) target(%dma_start3A_60 : memref<128xi32, #tpu.memory_space<vmem>>) target_semaphore(%arg16 : memref<!tpu.dma_semaphore, #tpu.memory_space<semaphore_mem>>)
    %barrier3A = arith.constant 0 : index
    tpu.barrier barrier_id(%barrier3A)
    %dma_start3A_68 = arith.constant 0 : i32
    %dma_start3A_69 = arith.constant 0 : i32
    %dma_start3A_70 = tpu.memref_slice %arg8[%dma_start3A_68, %dma_start3A_69] : memref<80x128xi32, #tpu.memory_space<vmem>> -> memref<1x128xi32, #tpu.memory_space<vmem>>
    %dma_start3A_71 = tpu.memref_squeeze %dma_start3A_70 : memref<1x128xi32, #tpu.memory_space<vmem>> -> memref<128xi32, #tpu.memory_space<vmem>>
    %dma_start3A_72 = arith.constant 0 : i32
    %dma_start3A_73 = arith.constant 0 : i32
    %dma_start3A_74 = tpu.memref_slice %arg2[%dma_start3A_72, %dma_start3A_73] : memref<10240x128xf32, #tpu.memory_space<hbm>> -> memref<10240x128xf32, #tpu.memory_space<hbm>>
    tpu.enqueue_indirect_dma source(%dma_start3A_74 : memref<10240x128xf32, #tpu.memory_space<hbm>>) target(%arg10 : memref<128x128xf32, #tpu.memory_space<vmem>>) offsets(%dma_start3A_71 : memref<128xi32, #tpu.memory_space<vmem>>) semaphore(%arg12 : memref<!tpu.dma_semaphore, #tpu.memory_space<semaphore_mem>>)
    %scan3A = arith.constant 0 : i32
    %scan3A_75 = arith.constant 0 : i32
    %scan3A_76 = arith.constant 20 : i32
    %scan3A_77 = arith.addi %scan3A_75, %scan3A_76 : i32
    %scan3A_78 = arith.constant 1 : i32
    scf.for %scan3A_85 = %scan3A_75 to %scan3A_77 step %scan3A_78  : i32 {
      %mul3A_86 = arith.constant 4 : i32
      %mul3A_87 = arith.muli %scan3A_85, %mul3A_86 : i32
      %add3A_88 = arith.constant 0 : i32
      %add3A_89 = arith.addi %mul3A_87, %add3A_88 : i32
      %add3A_90 = arith.constant 1 : i32
      %add3A_91 = arith.addi %add3A_89, %add3A_90 : i32
      %lt3A = arith.constant 80 : i32
      %lt3A_92 = arith.cmpi slt, %add3A_91, %lt3A : i32
      %convert_element_type3A = arith.extui %lt3A_92 : i1 to i32
      %cond3A = arith.constant 0 : i32
      %cond3A_93 = arith.cmpi ne, %convert_element_type3A, %cond3A : i32
      scf.if %cond3A_93 {
        %add3A_272 = arith.constant 1 : i32
        %add3A_273 = arith.addi %add3A_89, %add3A_272 : i32
        %dma_start3A_274 = arith.constant 0 : i32
        %dma_start3A_275 = tpu.memref_slice %arg8[%add3A_273, %dma_start3A_274] : memref<80x128xi32, #tpu.memory_space<vmem>> -> memref<1x128xi32, #tpu.memory_space<vmem>>
        %dma_start3A_276 = tpu.memref_squeeze %dma_start3A_275 : memref<1x128xi32, #tpu.memory_space<vmem>> -> memref<128xi32, #tpu.memory_space<vmem>>
        %dma_start3A_277 = arith.constant 0 : i32
        %dma_start3A_278 = arith.constant 0 : i32
        %dma_start3A_279 = tpu.memref_slice %arg2[%dma_start3A_277, %dma_start3A_278] : memref<10240x128xf32, #tpu.memory_space<hbm>> -> memref<10240x128xf32, #tpu.memory_space<hbm>>
        tpu.enqueue_indirect_dma source(%dma_start3A_279 : memref<10240x128xf32, #tpu.memory_space<hbm>>) target(%arg11 : memref<128x128xf32, #tpu.memory_space<vmem>>) offsets(%dma_start3A_276 : memref<128xi32, #tpu.memory_space<vmem>>) semaphore(%arg13 : memref<!tpu.dma_semaphore, #tpu.memory_space<semaphore_mem>>)
      } else {
      }
      %dma_wait3A = arith.constant 0 : i32
      %dma_wait3A_94 = arith.constant 0 : i32
      %dma_wait3A_95 = tpu.memref_slice %arg9[%dma_wait3A, %dma_wait3A_94] : memref<4x128xi32, #tpu.memory_space<vmem>> -> memref<1x128xi32, #tpu.memory_space<vmem>>
      %dma_wait3A_96 = tpu.memref_squeeze %dma_wait3A_95 : memref<1x128xi32, #tpu.memory_space<vmem>> -> memref<128xi32, #tpu.memory_space<vmem>>
      %dma_wait3A_97 = arith.constant 0 : i32
      %dma_wait3A_98 = arith.constant 0 : i32
      %dma_wait3A_99 = tpu.memref_slice %arg4[%add3A, %dma_wait3A_97, %dma_wait3A_98] : memref<32x80x128xi32, #tpu.memory_space<hbm>> -> memref<1x80x128xi32, #tpu.memory_space<hbm>>
      %dma_wait3A_100 = tpu.memref_squeeze %dma_wait3A_99 : memref<1x80x128xi32, #tpu.memory_space<hbm>> -> memref<80x128xi32, #tpu.memory_space<hbm>>
      %dma_wait3A_101 = arith.constant 0 : i32
      %dma_wait3A_102 = tpu.memref_slice %dma_wait3A_100[%add3A_89, %dma_wait3A_101] : memref<80x128xi32, #tpu.memory_space<hbm>> -> memref<1x128xi32, #tpu.memory_space<hbm>>
      %dma_wait3A_103 = tpu.memref_squeeze %dma_wait3A_102 : memref<1x128xi32, #tpu.memory_space<hbm>> -> memref<128xi32, #tpu.memory_space<hbm>>
      %dma_wait3A_104 = arith.constant 0 : i32
      %dma_wait3A_105 = tpu.memref_slice %arg9[%dma_wait3A, %dma_wait3A_104] : memref<4x128xi32, #tpu.memory_space<vmem>> -> memref<1x128xi32, #tpu.memory_space<vmem>>
      %dma_wait3A_106 = tpu.memref_squeeze %dma_wait3A_105 : memref<1x128xi32, #tpu.memory_space<vmem>> -> memref<128xi32, #tpu.memory_space<vmem>>
      %dma_wait3A_107 = arith.constant 0 : i32
      %dma_wait3A_108 = arith.constant 0 : i32
      %dma_wait3A_109 = tpu.memref_slice %arg4[%add3A, %dma_wait3A_107, %dma_wait3A_108] : memref<32x80x128xi32, #tpu.memory_space<hbm>> -> memref<1x80x128xi32, #tpu.memory_space<hbm>>
      %dma_wait3A_110 = tpu.memref_squeeze %dma_wait3A_109 : memref<1x80x128xi32, #tpu.memory_space<hbm>> -> memref<80x128xi32, #tpu.memory_space<hbm>>
      %dma_wait3A_111 = arith.constant 0 : i32
      %dma_wait3A_112 = tpu.memref_slice %dma_wait3A_110[%add3A_89, %dma_wait3A_111] : memref<80x128xi32, #tpu.memory_space<hbm>> -> memref<1x128xi32, #tpu.memory_space<hbm>>
      %dma_wait3A_113 = tpu.memref_squeeze %dma_wait3A_112 : memref<1x128xi32, #tpu.memory_space<hbm>> -> memref<128xi32, #tpu.memory_space<hbm>>
      tpu.wait_dma2 semaphore(%arg14 : memref<!tpu.dma_semaphore, #tpu.memory_space<semaphore_mem>>) src(%dma_wait3A_113 : memref<128xi32, #tpu.memory_space<hbm>>) dst(%dma_wait3A_106 : memref<128xi32, #tpu.memory_space<vmem>>)
      %dma_wait3A_114 = arith.constant 0 : i32
      %dma_wait3A_115 = tpu.memref_slice %arg8[%add3A_89, %dma_wait3A_114] : memref<80x128xi32, #tpu.memory_space<vmem>> -> memref<1x128xi32, #tpu.memory_space<vmem>>
      %dma_wait3A_116 = tpu.memref_squeeze %dma_wait3A_115 : memref<1x128xi32, #tpu.memory_space<vmem>> -> memref<128xi32, #tpu.memory_space<vmem>>
      %dma_wait3A_117 = arith.constant 0 : i32
      %dma_wait3A_118 = arith.constant 0 : i32
      %dma_wait3A_119 = tpu.memref_slice %arg2[%dma_wait3A_117, %dma_wait3A_118] : memref<10240x128xf32, #tpu.memory_space<hbm>> -> memref<10240x128xf32, #tpu.memory_space<hbm>>
      tpu.wait_indirect_dma semaphore(%arg12 : memref<!tpu.dma_semaphore, #tpu.memory_space<semaphore_mem>>) src(%dma_wait3A_119 : memref<10240x128xf32, #tpu.memory_space<hbm>>) dst(%arg10 : memref<128x128xf32, #tpu.memory_space<vmem>>)
      %run_scoped3A = arith.constant 0 : i32
      "tpu.region"() ({
        %run_scoped3A_272 = tpu.sem_alloc : memref<!tpu.dma_semaphore, #tpu.memory_space<semaphore_mem>>
        %dma_start3A_273 = arith.constant 0 : i32
        %dma_start3A_274 = tpu.memref_slice %arg9[%run_scoped3A, %dma_start3A_273] : memref<4x128xi32, #tpu.memory_space<vmem>> -> memref<1x128xi32, #tpu.memory_space<vmem>>
        %dma_start3A_275 = tpu.memref_squeeze %dma_start3A_274 : memref<1x128xi32, #tpu.memory_space<vmem>> -> memref<128xi32, #tpu.memory_space<vmem>>
        %dma_start3A_276 = arith.constant 0 : i32
        %dma_start3A_277 = arith.constant 0 : i32
        %dma_start3A_278 = tpu.memref_slice %arg7[%dma_start3A_276, %dma_start3A_277] : memref<10240x128xf32, #tpu.memory_space<vmem_shared>> -> memref<10240x128xf32, #tpu.memory_space<vmem_shared>>
        tpu.enqueue_indirect_dma source(%arg10 : memref<128x128xf32, #tpu.memory_space<vmem>>) target(%dma_start3A_278 : memref<10240x128xf32, #tpu.memory_space<vmem_shared>>) offsets(%dma_start3A_275 : memref<128xi32, #tpu.memory_space<vmem>>) semaphore(%run_scoped3A_272 : memref<!tpu.dma_semaphore, #tpu.memory_space<semaphore_mem>>) {add = true}
        %dma_wait3A_279 = arith.constant 0 : i32
        %dma_wait3A_280 = tpu.memref_slice %arg9[%run_scoped3A, %dma_wait3A_279] : memref<4x128xi32, #tpu.memory_space<vmem>> -> memref<1x128xi32, #tpu.memory_space<vmem>>
        %dma_wait3A_281 = tpu.memref_squeeze %dma_wait3A_280 : memref<1x128xi32, #tpu.memory_space<vmem>> -> memref<128xi32, #tpu.memory_space<vmem>>
        %dma_wait3A_282 = arith.constant 0 : i32
        %dma_wait3A_283 = arith.constant 0 : i32
        %dma_wait3A_284 = tpu.memref_slice %arg7[%dma_wait3A_282, %dma_wait3A_283] : memref<10240x128xf32, #tpu.memory_space<vmem_shared>> -> memref<10240x128xf32, #tpu.memory_space<vmem_shared>>
        tpu.wait_indirect_dma semaphore(%run_scoped3A_272 : memref<!tpu.dma_semaphore, #tpu.memory_space<semaphore_mem>>) src(%arg10 : memref<128x128xf32, #tpu.memory_space<vmem>>) dst(%dma_wait3A_284 : memref<10240x128xf32, #tpu.memory_space<vmem_shared>>)
        tpu.yield
      }) : () -> ()
      %add3A_120 = arith.constant 4 : i32
      %add3A_121 = arith.addi %add3A_89, %add3A_120 : i32
      %sub3A = arith.constant 1 : i32
      %sub3A_122 = arith.subi %add3A_121, %sub3A : i32
      %lt3A_123 = arith.constant 80 : i32
      %lt3A_124 = arith.cmpi slt, %sub3A_122, %lt3A_123 : i32
      %convert_element_type3A_125 = arith.extui %lt3A_124 : i1 to i32
      %cond3A_126 = arith.constant 0 : i32
      %cond3A_127 = arith.cmpi ne, %convert_element_type3A_125, %cond3A_126 : i32
      scf.if %cond3A_127 {
        %add3A_272 = arith.constant 4 : i32
        %add3A_273 = arith.addi %add3A_89, %add3A_272 : i32
        %sub3A_274 = arith.constant 1 : i32
        %sub3A_275 = arith.subi %add3A_273, %sub3A_274 : i32
        %dma_start3A_276 = arith.constant 3 : i32
        %dma_start3A_277 = arith.constant 0 : i32
        %dma_start3A_278 = tpu.memref_slice %arg9[%dma_start3A_276, %dma_start3A_277] : memref<4x128xi32, #tpu.memory_space<vmem>> -> memref<1x128xi32, #tpu.memory_space<vmem>>
        %dma_start3A_279 = tpu.memref_squeeze %dma_start3A_278 : memref<1x128xi32, #tpu.memory_space<vmem>> -> memref<128xi32, #tpu.memory_space<vmem>>
        %dma_start3A_280 = arith.constant 0 : i32
        %dma_start3A_281 = arith.constant 0 : i32
        %dma_start3A_282 = tpu.memref_slice %arg4[%add3A, %dma_start3A_280, %dma_start3A_281] : memref<32x80x128xi32, #tpu.memory_space<hbm>> -> memref<1x80x128xi32, #tpu.memory_space<hbm>>
        %dma_start3A_283 = tpu.memref_squeeze %dma_start3A_282 : memref<1x80x128xi32, #tpu.memory_space<hbm>> -> memref<80x128xi32, #tpu.memory_space<hbm>>
        %dma_start3A_284 = arith.constant 0 : i32
        %dma_start3A_285 = tpu.memref_slice %dma_start3A_283[%sub3A_275, %dma_start3A_284] : memref<80x128xi32, #tpu.memory_space<hbm>> -> memref<1x128xi32, #tpu.memory_space<hbm>>
        %dma_start3A_286 = tpu.memref_squeeze %dma_start3A_285 : memref<1x128xi32, #tpu.memory_space<hbm>> -> memref<128xi32, #tpu.memory_space<hbm>>
        %dma_start3A_287 = arith.constant 0 : i32
        %dma_start3A_288 = tpu.memref_slice %arg9[%dma_start3A_276, %dma_start3A_287] : memref<4x128xi32, #tpu.memory_space<vmem>> -> memref<1x128xi32, #tpu.memory_space<vmem>>
        %dma_start3A_289 = tpu.memref_squeeze %dma_start3A_288 : memref<1x128xi32, #tpu.memory_space<vmem>> -> memref<128xi32, #tpu.memory_space<vmem>>
        %dma_start3A_290 = arith.constant 0 : i32
        %dma_start3A_291 = arith.constant 0 : i32
        %dma_start3A_292 = tpu.memref_slice %arg4[%add3A, %dma_start3A_290, %dma_start3A_291] : memref<32x80x128xi32, #tpu.memory_space<hbm>> -> memref<1x80x128xi32, #tpu.memory_space<hbm>>
        %dma_start3A_293 = tpu.memref_squeeze %dma_start3A_292 : memref<1x80x128xi32, #tpu.memory_space<hbm>> -> memref<80x128xi32, #tpu.memory_space<hbm>>
        %dma_start3A_294 = arith.constant 0 : i32
        %dma_start3A_295 = tpu.memref_slice %dma_start3A_293[%sub3A_275, %dma_start3A_294] : memref<80x128xi32, #tpu.memory_space<hbm>> -> memref<1x128xi32, #tpu.memory_space<hbm>>
        %dma_start3A_296 = tpu.memref_squeeze %dma_start3A_295 : memref<1x128xi32, #tpu.memory_space<hbm>> -> memref<128xi32, #tpu.memory_space<hbm>>
        tpu.enqueue_dma source(%dma_start3A_296 : memref<128xi32, #tpu.memory_space<hbm>>) target(%dma_start3A_289 : memref<128xi32, #tpu.memory_space<vmem>>) target_semaphore(%arg17 : memref<!tpu.dma_semaphore, #tpu.memory_space<semaphore_mem>>)
      } else {
      }
      %mul3A_128 = arith.constant 4 : i32
      %mul3A_129 = arith.muli %scan3A_85, %mul3A_128 : i32
      %add3A_130 = arith.constant 1 : i32
      %add3A_131 = arith.addi %mul3A_129, %add3A_130 : i32
      %add3A_132 = arith.constant 1 : i32
      %add3A_133 = arith.addi %add3A_131, %add3A_132 : i32
      %lt3A_134 = arith.constant 80 : i32
      %lt3A_135 = arith.cmpi slt, %add3A_133, %lt3A_134 : i32
      %convert_element_type3A_136 = arith.extui %lt3A_135 : i1 to i32
      %cond3A_137 = arith.constant 0 : i32
      %cond3A_138 = arith.cmpi ne, %convert_element_type3A_136, %cond3A_137 : i32
      scf.if %cond3A_138 {
        %add3A_272 = arith.constant 1 : i32
        %add3A_273 = arith.addi %add3A_131, %add3A_272 : i32
        %dma_start3A_274 = arith.constant 0 : i32
        %dma_start3A_275 = tpu.memref_slice %arg8[%add3A_273, %dma_start3A_274] : memref<80x128xi32, #tpu.memory_space<vmem>> -> memref<1x128xi32, #tpu.memory_space<vmem>>
        %dma_start3A_276 = tpu.memref_squeeze %dma_start3A_275 : memref<1x128xi32, #tpu.memory_space<vmem>> -> memref<128xi32, #tpu.memory_space<vmem>>
        %dma_start3A_277 = arith.constant 0 : i32
        %dma_start3A_278 = arith.constant 0 : i32
        %dma_start3A_279 = tpu.memref_slice %arg2[%dma_start3A_277, %dma_start3A_278] : memref<10240x128xf32, #tpu.memory_space<hbm>> -> memref<10240x128xf32, #tpu.memory_space<hbm>>
        tpu.enqueue_indirect_dma source(%dma_start3A_279 : memref<10240x128xf32, #tpu.memory_space<hbm>>) target(%arg10 : memref<128x128xf32, #tpu.memory_space<vmem>>) offsets(%dma_start3A_276 : memref<128xi32, #tpu.memory_space<vmem>>) semaphore(%arg12 : memref<!tpu.dma_semaphore, #tpu.memory_space<semaphore_mem>>)
      } else {
      }
      %dma_wait3A_139 = arith.constant 1 : i32
      %dma_wait3A_140 = arith.constant 0 : i32
      %dma_wait3A_141 = tpu.memref_slice %arg9[%dma_wait3A_139, %dma_wait3A_140] : memref<4x128xi32, #tpu.memory_space<vmem>> -> memref<1x128xi32, #tpu.memory_space<vmem>>
      %dma_wait3A_142 = tpu.memref_squeeze %dma_wait3A_141 : memref<1x128xi32, #tpu.memory_space<vmem>> -> memref<128xi32, #tpu.memory_space<vmem>>
      %dma_wait3A_143 = arith.constant 0 : i32
      %dma_wait3A_144 = arith.constant 0 : i32
      %dma_wait3A_145 = tpu.memref_slice %arg4[%add3A, %dma_wait3A_143, %dma_wait3A_144] : memref<32x80x128xi32, #tpu.memory_space<hbm>> -> memref<1x80x128xi32, #tpu.memory_space<hbm>>
      %dma_wait3A_146 = tpu.memref_squeeze %dma_wait3A_145 : memref<1x80x128xi32, #tpu.memory_space<hbm>> -> memref<80x128xi32, #tpu.memory_space<hbm>>
      %dma_wait3A_147 = arith.constant 0 : i32
      %dma_wait3A_148 = tpu.memref_slice %dma_wait3A_146[%add3A_131, %dma_wait3A_147] : memref<80x128xi32, #tpu.memory_space<hbm>> -> memref<1x128xi32, #tpu.memory_space<hbm>>
      %dma_wait3A_149 = tpu.memref_squeeze %dma_wait3A_148 : memref<1x128xi32, #tpu.memory_space<hbm>> -> memref<128xi32, #tpu.memory_space<hbm>>
      %dma_wait3A_150 = arith.constant 0 : i32
      %dma_wait3A_151 = tpu.memref_slice %arg9[%dma_wait3A_139, %dma_wait3A_150] : memref<4x128xi32, #tpu.memory_space<vmem>> -> memref<1x128xi32, #tpu.memory_space<vmem>>
      %dma_wait3A_152 = tpu.memref_squeeze %dma_wait3A_151 : memref<1x128xi32, #tpu.memory_space<vmem>> -> memref<128xi32, #tpu.memory_space<vmem>>
      %dma_wait3A_153 = arith.constant 0 : i32
      %dma_wait3A_154 = arith.constant 0 : i32
      %dma_wait3A_155 = tpu.memref_slice %arg4[%add3A, %dma_wait3A_153, %dma_wait3A_154] : memref<32x80x128xi32, #tpu.memory_space<hbm>> -> memref<1x80x128xi32, #tpu.memory_space<hbm>>
      %dma_wait3A_156 = tpu.memref_squeeze %dma_wait3A_155 : memref<1x80x128xi32, #tpu.memory_space<hbm>> -> memref<80x128xi32, #tpu.memory_space<hbm>>
      %dma_wait3A_157 = arith.constant 0 : i32
      %dma_wait3A_158 = tpu.memref_slice %dma_wait3A_156[%add3A_131, %dma_wait3A_157] : memref<80x128xi32, #tpu.memory_space<hbm>> -> memref<1x128xi32, #tpu.memory_space<hbm>>
      %dma_wait3A_159 = tpu.memref_squeeze %dma_wait3A_158 : memref<1x128xi32, #tpu.memory_space<hbm>> -> memref<128xi32, #tpu.memory_space<hbm>>
      tpu.wait_dma2 semaphore(%arg15 : memref<!tpu.dma_semaphore, #tpu.memory_space<semaphore_mem>>) src(%dma_wait3A_159 : memref<128xi32, #tpu.memory_space<hbm>>) dst(%dma_wait3A_152 : memref<128xi32, #tpu.memory_space<vmem>>)
      %dma_wait3A_160 = arith.constant 0 : i32
      %dma_wait3A_161 = tpu.memref_slice %arg8[%add3A_131, %dma_wait3A_160] : memref<80x128xi32, #tpu.memory_space<vmem>> -> memref<1x128xi32, #tpu.memory_space<vmem>>
      %dma_wait3A_162 = tpu.memref_squeeze %dma_wait3A_161 : memref<1x128xi32, #tpu.memory_space<vmem>> -> memref<128xi32, #tpu.memory_space<vmem>>
      %dma_wait3A_163 = arith.constant 0 : i32
      %dma_wait3A_164 = arith.constant 0 : i32
      %dma_wait3A_165 = tpu.memref_slice %arg2[%dma_wait3A_163, %dma_wait3A_164] : memref<10240x128xf32, #tpu.memory_space<hbm>> -> memref<10240x128xf32, #tpu.memory_space<hbm>>
      tpu.wait_indirect_dma semaphore(%arg13 : memref<!tpu.dma_semaphore, #tpu.memory_space<semaphore_mem>>) src(%dma_wait3A_165 : memref<10240x128xf32, #tpu.memory_space<hbm>>) dst(%arg11 : memref<128x128xf32, #tpu.memory_space<vmem>>)
      %run_scoped3A_166 = arith.constant 1 : i32
      "tpu.region"() ({
        %run_scoped3A_272 = tpu.sem_alloc : memref<!tpu.dma_semaphore, #tpu.memory_space<semaphore_mem>>
        %dma_start3A_273 = arith.constant 0 : i32
        %dma_start3A_274 = tpu.memref_slice %arg9[%run_scoped3A_166, %dma_start3A_273] : memref<4x128xi32, #tpu.memory_space<vmem>> -> memref<1x128xi32, #tpu.memory_space<vmem>>
        %dma_start3A_275 = tpu.memref_squeeze %dma_start3A_274 : memref<1x128xi32, #tpu.memory_space<vmem>> -> memref<128xi32, #tpu.memory_space<vmem>>
        %dma_start3A_276 = arith.constant 0 : i32
        %dma_start3A_277 = arith.constant 0 : i32
        %dma_start3A_278 = tpu.memref_slice %arg7[%dma_start3A_276, %dma_start3A_277] : memref<10240x128xf32, #tpu.memory_space<vmem_shared>> -> memref<10240x128xf32, #tpu.memory_space<vmem_shared>>
        tpu.enqueue_indirect_dma source(%arg11 : memref<128x128xf32, #tpu.memory_space<vmem>>) target(%dma_start3A_278 : memref<10240x128xf32, #tpu.memory_space<vmem_shared>>) offsets(%dma_start3A_275 : memref<128xi32, #tpu.memory_space<vmem>>) semaphore(%run_scoped3A_272 : memref<!tpu.dma_semaphore, #tpu.memory_space<semaphore_mem>>) {add = true}
        %dma_wait3A_279 = arith.constant 0 : i32
        %dma_wait3A_280 = tpu.memref_slice %arg9[%run_scoped3A_166, %dma_wait3A_279] : memref<4x128xi32, #tpu.memory_space<vmem>> -> memref<1x128xi32, #tpu.memory_space<vmem>>
        %dma_wait3A_281 = tpu.memref_squeeze %dma_wait3A_280 : memref<1x128xi32, #tpu.memory_space<vmem>> -> memref<128xi32, #tpu.memory_space<vmem>>
        %dma_wait3A_282 = arith.constant 0 : i32
        %dma_wait3A_283 = arith.constant 0 : i32
        %dma_wait3A_284 = tpu.memref_slice %arg7[%dma_wait3A_282, %dma_wait3A_283] : memref<10240x128xf32, #tpu.memory_space<vmem_shared>> -> memref<10240x128xf32, #tpu.memory_space<vmem_shared>>
        tpu.wait_indirect_dma semaphore(%run_scoped3A_272 : memref<!tpu.dma_semaphore, #tpu.memory_space<semaphore_mem>>) src(%arg11 : memref<128x128xf32, #tpu.memory_space<vmem>>) dst(%dma_wait3A_284 : memref<10240x128xf32, #tpu.memory_space<vmem_shared>>)
        tpu.yield
      }) : () -> ()
      %add3A_167 = arith.constant 4 : i32
      %add3A_168 = arith.addi %add3A_131, %add3A_167 : i32
      %sub3A_169 = arith.constant 1 : i32
      %sub3A_170 = arith.subi %add3A_168, %sub3A_169 : i32
      %lt3A_171 = arith.constant 80 : i32
      %lt3A_172 = arith.cmpi slt, %sub3A_170, %lt3A_171 : i32
      %convert_element_type3A_173 = arith.extui %lt3A_172 : i1 to i32
      %cond3A_174 = arith.constant 0 : i32
      %cond3A_175 = arith.cmpi ne, %convert_element_type3A_173, %cond3A_174 : i32
      scf.if %cond3A_175 {
        %add3A_272 = arith.constant 4 : i32
        %add3A_273 = arith.addi %add3A_131, %add3A_272 : i32
        %sub3A_274 = arith.constant 1 : i32
        %sub3A_275 = arith.subi %add3A_273, %sub3A_274 : i32
        %dma_start3A_276 = arith.constant 0 : i32
        %dma_start3A_277 = arith.constant 0 : i32
        %dma_start3A_278 = tpu.memref_slice %arg9[%dma_start3A_276, %dma_start3A_277] : memref<4x128xi32, #tpu.memory_space<vmem>> -> memref<1x128xi32, #tpu.memory_space<vmem>>
        %dma_start3A_279 = tpu.memref_squeeze %dma_start3A_278 : memref<1x128xi32, #tpu.memory_space<vmem>> -> memref<128xi32, #tpu.memory_space<vmem>>
        %dma_start3A_280 = arith.constant 0 : i32
        %dma_start3A_281 = arith.constant 0 : i32
        %dma_start3A_282 = tpu.memref_slice %arg4[%add3A, %dma_start3A_280, %dma_start3A_281] : memref<32x80x128xi32, #tpu.memory_space<hbm>> -> memref<1x80x128xi32, #tpu.memory_space<hbm>>
        %dma_start3A_283 = tpu.memref_squeeze %dma_start3A_282 : memref<1x80x128xi32, #tpu.memory_space<hbm>> -> memref<80x128xi32, #tpu.memory_space<hbm>>
        %dma_start3A_284 = arith.constant 0 : i32
        %dma_start3A_285 = tpu.memref_slice %dma_start3A_283[%sub3A_275, %dma_start3A_284] : memref<80x128xi32, #tpu.memory_space<hbm>> -> memref<1x128xi32, #tpu.memory_space<hbm>>
        %dma_start3A_286 = tpu.memref_squeeze %dma_start3A_285 : memref<1x128xi32, #tpu.memory_space<hbm>> -> memref<128xi32, #tpu.memory_space<hbm>>
        %dma_start3A_287 = arith.constant 0 : i32
        %dma_start3A_288 = tpu.memref_slice %arg9[%dma_start3A_276, %dma_start3A_287] : memref<4x128xi32, #tpu.memory_space<vmem>> -> memref<1x128xi32, #tpu.memory_space<vmem>>
        %dma_start3A_289 = tpu.memref_squeeze %dma_start3A_288 : memref<1x128xi32, #tpu.memory_space<vmem>> -> memref<128xi32, #tpu.memory_space<vmem>>
        %dma_start3A_290 = arith.constant 0 : i32
        %dma_start3A_291 = arith.constant 0 : i32
        %dma_start3A_292 = tpu.memref_slice %arg4[%add3A, %dma_start3A_290, %dma_start3A_291] : memref<32x80x128xi32, #tpu.memory_space<hbm>> -> memref<1x80x128xi32, #tpu.memory_space<hbm>>
        %dma_start3A_293 = tpu.memref_squeeze %dma_start3A_292 : memref<1x80x128xi32, #tpu.memory_space<hbm>> -> memref<80x128xi32, #tpu.memory_space<hbm>>
        %dma_start3A_294 = arith.constant 0 : i32
        %dma_start3A_295 = tpu.memref_slice %dma_start3A_293[%sub3A_275, %dma_start3A_294] : memref<80x128xi32, #tpu.memory_space<hbm>> -> memref<1x128xi32, #tpu.memory_space<hbm>>
        %dma_start3A_296 = tpu.memref_squeeze %dma_start3A_295 : memref<1x128xi32, #tpu.memory_space<hbm>> -> memref<128xi32, #tpu.memory_space<hbm>>
        tpu.enqueue_dma source(%dma_start3A_296 : memref<128xi32, #tpu.memory_space<hbm>>) target(%dma_start3A_289 : memref<128xi32, #tpu.memory_space<vmem>>) target_semaphore(%arg14 : memref<!tpu.dma_semaphore, #tpu.memory_space<semaphore_mem>>)
      } else {
      }
      %mul3A_176 = arith.constant 4 : i32
      %mul3A_177 = arith.muli %scan3A_85, %mul3A_176 : i32
      %add3A_178 = arith.constant 2 : i32
      %add3A_179 = arith.addi %mul3A_177, %add3A_178 : i32
      %add3A_180 = arith.constant 1 : i32
      %add3A_181 = arith.addi %add3A_179, %add3A_180 : i32
      %lt3A_182 = arith.constant 80 : i32
      %lt3A_183 = arith.cmpi slt, %add3A_181, %lt3A_182 : i32
      %convert_element_type3A_184 = arith.extui %lt3A_183 : i1 to i32
      %cond3A_185 = arith.constant 0 : i32
      %cond3A_186 = arith.cmpi ne, %convert_element_type3A_184, %cond3A_185 : i32
      scf.if %cond3A_186 {
        %add3A_272 = arith.constant 1 : i32
        %add3A_273 = arith.addi %add3A_179, %add3A_272 : i32
        %dma_start3A_274 = arith.constant 0 : i32
        %dma_start3A_275 = tpu.memref_slice %arg8[%add3A_273, %dma_start3A_274] : memref<80x128xi32, #tpu.memory_space<vmem>> -> memref<1x128xi32, #tpu.memory_space<vmem>>
        %dma_start3A_276 = tpu.memref_squeeze %dma_start3A_275 : memref<1x128xi32, #tpu.memory_space<vmem>> -> memref<128xi32, #tpu.memory_space<vmem>>
        %dma_start3A_277 = arith.constant 0 : i32
        %dma_start3A_278 = arith.constant 0 : i32
        %dma_start3A_279 = tpu.memref_slice %arg2[%dma_start3A_277, %dma_start3A_278] : memref<10240x128xf32, #tpu.memory_space<hbm>> -> memref<10240x128xf32, #tpu.memory_space<hbm>>
        tpu.enqueue_indirect_dma source(%dma_start3A_279 : memref<10240x128xf32, #tpu.memory_space<hbm>>) target(%arg11 : memref<128x128xf32, #tpu.memory_space<vmem>>) offsets(%dma_start3A_276 : memref<128xi32, #tpu.memory_space<vmem>>) semaphore(%arg13 : memref<!tpu.dma_semaphore, #tpu.memory_space<semaphore_mem>>)
      } else {
      }
      %dma_wait3A_187 = arith.constant 2 : i32
      %dma_wait3A_188 = arith.constant 0 : i32
      %dma_wait3A_189 = tpu.memref_slice %arg9[%dma_wait3A_187, %dma_wait3A_188] : memref<4x128xi32, #tpu.memory_space<vmem>> -> memref<1x128xi32, #tpu.memory_space<vmem>>
      %dma_wait3A_190 = tpu.memref_squeeze %dma_wait3A_189 : memref<1x128xi32, #tpu.memory_space<vmem>> -> memref<128xi32, #tpu.memory_space<vmem>>
      %dma_wait3A_191 = arith.constant 0 : i32
      %dma_wait3A_192 = arith.constant 0 : i32
      %dma_wait3A_193 = tpu.memref_slice %arg4[%add3A, %dma_wait3A_191, %dma_wait3A_192] : memref<32x80x128xi32, #tpu.memory_space<hbm>> -> memref<1x80x128xi32, #tpu.memory_space<hbm>>
      %dma_wait3A_194 = tpu.memref_squeeze %dma_wait3A_193 : memref<1x80x128xi32, #tpu.memory_space<hbm>> -> memref<80x128xi32, #tpu.memory_space<hbm>>
      %dma_wait3A_195 = arith.constant 0 : i32
      %dma_wait3A_196 = tpu.memref_slice %dma_wait3A_194[%add3A_179, %dma_wait3A_195] : memref<80x128xi32, #tpu.memory_space<hbm>> -> memref<1x128xi32, #tpu.memory_space<hbm>>
      %dma_wait3A_197 = tpu.memref_squeeze %dma_wait3A_196 : memref<1x128xi32, #tpu.memory_space<hbm>> -> memref<128xi32, #tpu.memory_space<hbm>>
      %dma_wait3A_198 = arith.constant 0 : i32
      %dma_wait3A_199 = tpu.memref_slice %arg9[%dma_wait3A_187, %dma_wait3A_198] : memref<4x128xi32, #tpu.memory_space<vmem>> -> memref<1x128xi32, #tpu.memory_space<vmem>>
      %dma_wait3A_200 = tpu.memref_squeeze %dma_wait3A_199 : memref<1x128xi32, #tpu.memory_space<vmem>> -> memref<128xi32, #tpu.memory_space<vmem>>
      %dma_wait3A_201 = arith.constant 0 : i32
      %dma_wait3A_202 = arith.constant 0 : i32
      %dma_wait3A_203 = tpu.memref_slice %arg4[%add3A, %dma_wait3A_201, %dma_wait3A_202] : memref<32x80x128xi32, #tpu.memory_space<hbm>> -> memref<1x80x128xi32, #tpu.memory_space<hbm>>
      %dma_wait3A_204 = tpu.memref_squeeze %dma_wait3A_203 : memref<1x80x128xi32, #tpu.memory_space<hbm>> -> memref<80x128xi32, #tpu.memory_space<hbm>>
      %dma_wait3A_205 = arith.constant 0 : i32
      %dma_wait3A_206 = tpu.memref_slice %dma_wait3A_204[%add3A_179, %dma_wait3A_205] : memref<80x128xi32, #tpu.memory_space<hbm>> -> memref<1x128xi32, #tpu.memory_space<hbm>>
      %dma_wait3A_207 = tpu.memref_squeeze %dma_wait3A_206 : memref<1x128xi32, #tpu.memory_space<hbm>> -> memref<128xi32, #tpu.memory_space<hbm>>
      tpu.wait_dma2 semaphore(%arg16 : memref<!tpu.dma_semaphore, #tpu.memory_space<semaphore_mem>>) src(%dma_wait3A_207 : memref<128xi32, #tpu.memory_space<hbm>>) dst(%dma_wait3A_200 : memref<128xi32, #tpu.memory_space<vmem>>)
      %dma_wait3A_208 = arith.constant 0 : i32
      %dma_wait3A_209 = tpu.memref_slice %arg8[%add3A_179, %dma_wait3A_208] : memref<80x128xi32, #tpu.memory_space<vmem>> -> memref<1x128xi32, #tpu.memory_space<vmem>>
      %dma_wait3A_210 = tpu.memref_squeeze %dma_wait3A_209 : memref<1x128xi32, #tpu.memory_space<vmem>> -> memref<128xi32, #tpu.memory_space<vmem>>
      %dma_wait3A_211 = arith.constant 0 : i32
      %dma_wait3A_212 = arith.constant 0 : i32
      %dma_wait3A_213 = tpu.memref_slice %arg2[%dma_wait3A_211, %dma_wait3A_212] : memref<10240x128xf32, #tpu.memory_space<hbm>> -> memref<10240x128xf32, #tpu.memory_space<hbm>>
      tpu.wait_indirect_dma semaphore(%arg12 : memref<!tpu.dma_semaphore, #tpu.memory_space<semaphore_mem>>) src(%dma_wait3A_213 : memref<10240x128xf32, #tpu.memory_space<hbm>>) dst(%arg10 : memref<128x128xf32, #tpu.memory_space<vmem>>)
      %run_scoped3A_214 = arith.constant 2 : i32
      "tpu.region"() ({
        %run_scoped3A_272 = tpu.sem_alloc : memref<!tpu.dma_semaphore, #tpu.memory_space<semaphore_mem>>
        %dma_start3A_273 = arith.constant 0 : i32
        %dma_start3A_274 = tpu.memref_slice %arg9[%run_scoped3A_214, %dma_start3A_273] : memref<4x128xi32, #tpu.memory_space<vmem>> -> memref<1x128xi32, #tpu.memory_space<vmem>>
        %dma_start3A_275 = tpu.memref_squeeze %dma_start3A_274 : memref<1x128xi32, #tpu.memory_space<vmem>> -> memref<128xi32, #tpu.memory_space<vmem>>
        %dma_start3A_276 = arith.constant 0 : i32
        %dma_start3A_277 = arith.constant 0 : i32
        %dma_start3A_278 = tpu.memref_slice %arg7[%dma_start3A_276, %dma_start3A_277] : memref<10240x128xf32, #tpu.memory_space<vmem_shared>> -> memref<10240x128xf32, #tpu.memory_space<vmem_shared>>
        tpu.enqueue_indirect_dma source(%arg10 : memref<128x128xf32, #tpu.memory_space<vmem>>) target(%dma_start3A_278 : memref<10240x128xf32, #tpu.memory_space<vmem_shared>>) offsets(%dma_start3A_275 : memref<128xi32, #tpu.memory_space<vmem>>) semaphore(%run_scoped3A_272 : memref<!tpu.dma_semaphore, #tpu.memory_space<semaphore_mem>>) {add = true}
        %dma_wait3A_279 = arith.constant 0 : i32
        %dma_wait3A_280 = tpu.memref_slice %arg9[%run_scoped3A_214, %dma_wait3A_279] : memref<4x128xi32, #tpu.memory_space<vmem>> -> memref<1x128xi32, #tpu.memory_space<vmem>>
        %dma_wait3A_281 = tpu.memref_squeeze %dma_wait3A_280 : memref<1x128xi32, #tpu.memory_space<vmem>> -> memref<128xi32, #tpu.memory_space<vmem>>
        %dma_wait3A_282 = arith.constant 0 : i32
        %dma_wait3A_283 = arith.constant 0 : i32
        %dma_wait3A_284 = tpu.memref_slice %arg7[%dma_wait3A_282, %dma_wait3A_283] : memref<10240x128xf32, #tpu.memory_space<vmem_shared>> -> memref<10240x128xf32, #tpu.memory_space<vmem_shared>>
        tpu.wait_indirect_dma semaphore(%run_scoped3A_272 : memref<!tpu.dma_semaphore, #tpu.memory_space<semaphore_mem>>) src(%arg10 : memref<128x128xf32, #tpu.memory_space<vmem>>) dst(%dma_wait3A_284 : memref<10240x128xf32, #tpu.memory_space<vmem_shared>>)
        tpu.yield
      }) : () -> ()
      %add3A_215 = arith.constant 4 : i32
      %add3A_216 = arith.addi %add3A_179, %add3A_215 : i32
      %sub3A_217 = arith.constant 1 : i32
      %sub3A_218 = arith.subi %add3A_216, %sub3A_217 : i32
      %lt3A_219 = arith.constant 80 : i32
      %lt3A_220 = arith.cmpi slt, %sub3A_218, %lt3A_219 : i32
      %convert_element_type3A_221 = arith.extui %lt3A_220 : i1 to i32
      %cond3A_222 = arith.constant 0 : i32
      %cond3A_223 = arith.cmpi ne, %convert_element_type3A_221, %cond3A_222 : i32
      scf.if %cond3A_223 {
        %add3A_272 = arith.constant 4 : i32
        %add3A_273 = arith.addi %add3A_179, %add3A_272 : i32
        %sub3A_274 = arith.constant 1 : i32
        %sub3A_275 = arith.subi %add3A_273, %sub3A_274 : i32
        %dma_start3A_276 = arith.constant 1 : i32
        %dma_start3A_277 = arith.constant 0 : i32
        %dma_start3A_278 = tpu.memref_slice %arg9[%dma_start3A_276, %dma_start3A_277] : memref<4x128xi32, #tpu.memory_space<vmem>> -> memref<1x128xi32, #tpu.memory_space<vmem>>
        %dma_start3A_279 = tpu.memref_squeeze %dma_start3A_278 : memref<1x128xi32, #tpu.memory_space<vmem>> -> memref<128xi32, #tpu.memory_space<vmem>>
        %dma_start3A_280 = arith.constant 0 : i32
        %dma_start3A_281 = arith.constant 0 : i32
        %dma_start3A_282 = tpu.memref_slice %arg4[%add3A, %dma_start3A_280, %dma_start3A_281] : memref<32x80x128xi32, #tpu.memory_space<hbm>> -> memref<1x80x128xi32, #tpu.memory_space<hbm>>
        %dma_start3A_283 = tpu.memref_squeeze %dma_start3A_282 : memref<1x80x128xi32, #tpu.memory_space<hbm>> -> memref<80x128xi32, #tpu.memory_space<hbm>>
        %dma_start3A_284 = arith.constant 0 : i32
        %dma_start3A_285 = tpu.memref_slice %dma_start3A_283[%sub3A_275, %dma_start3A_284] : memref<80x128xi32, #tpu.memory_space<hbm>> -> memref<1x128xi32, #tpu.memory_space<hbm>>
        %dma_start3A_286 = tpu.memref_squeeze %dma_start3A_285 : memref<1x128xi32, #tpu.memory_space<hbm>> -> memref<128xi32, #tpu.memory_space<hbm>>
        %dma_start3A_287 = arith.constant 0 : i32
        %dma_start3A_288 = tpu.memref_slice %arg9[%dma_start3A_276, %dma_start3A_287] : memref<4x128xi32, #tpu.memory_space<vmem>> -> memref<1x128xi32, #tpu.memory_space<vmem>>
        %dma_start3A_289 = tpu.memref_squeeze %dma_start3A_288 : memref<1x128xi32, #tpu.memory_space<vmem>> -> memref<128xi32, #tpu.memory_space<vmem>>
        %dma_start3A_290 = arith.constant 0 : i32
        %dma_start3A_291 = arith.constant 0 : i32
        %dma_start3A_292 = tpu.memref_slice %arg4[%add3A, %dma_start3A_290, %dma_start3A_291] : memref<32x80x128xi32, #tpu.memory_space<hbm>> -> memref<1x80x128xi32, #tpu.memory_space<hbm>>
        %dma_start3A_293 = tpu.memref_squeeze %dma_start3A_292 : memref<1x80x128xi32, #tpu.memory_space<hbm>> -> memref<80x128xi32, #tpu.memory_space<hbm>>
        %dma_start3A_294 = arith.constant 0 : i32
        %dma_start3A_295 = tpu.memref_slice %dma_start3A_293[%sub3A_275, %dma_start3A_294] : memref<80x128xi32, #tpu.memory_space<hbm>> -> memref<1x128xi32, #tpu.memory_space<hbm>>
        %dma_start3A_296 = tpu.memref_squeeze %dma_start3A_295 : memref<1x128xi32, #tpu.memory_space<hbm>> -> memref<128xi32, #tpu.memory_space<hbm>>
        tpu.enqueue_dma source(%dma_start3A_296 : memref<128xi32, #tpu.memory_space<hbm>>) target(%dma_start3A_289 : memref<128xi32, #tpu.memory_space<vmem>>) target_semaphore(%arg15 : memref<!tpu.dma_semaphore, #tpu.memory_space<semaphore_mem>>)
      } else {
      }
      %mul3A_224 = arith.constant 4 : i32
      %mul3A_225 = arith.muli %scan3A_85, %mul3A_224 : i32
      %add3A_226 = arith.constant 3 : i32
      %add3A_227 = arith.addi %mul3A_225, %add3A_226 : i32
      %add3A_228 = arith.constant 1 : i32
      %add3A_229 = arith.addi %add3A_227, %add3A_228 : i32
      %lt3A_230 = arith.constant 80 : i32
      %lt3A_231 = arith.cmpi slt, %add3A_229, %lt3A_230 : i32
      %convert_element_type3A_232 = arith.extui %lt3A_231 : i1 to i32
      %cond3A_233 = arith.constant 0 : i32
      %cond3A_234 = arith.cmpi ne, %convert_element_type3A_232, %cond3A_233 : i32
      scf.if %cond3A_234 {
        %add3A_272 = arith.constant 1 : i32
        %add3A_273 = arith.addi %add3A_227, %add3A_272 : i32
        %dma_start3A_274 = arith.constant 0 : i32
        %dma_start3A_275 = tpu.memref_slice %arg8[%add3A_273, %dma_start3A_274] : memref<80x128xi32, #tpu.memory_space<vmem>> -> memref<1x128xi32, #tpu.memory_space<vmem>>
        %dma_start3A_276 = tpu.memref_squeeze %dma_start3A_275 : memref<1x128xi32, #tpu.memory_space<vmem>> -> memref<128xi32, #tpu.memory_space<vmem>>
        %dma_start3A_277 = arith.constant 0 : i32
        %dma_start3A_278 = arith.constant 0 : i32
        %dma_start3A_279 = tpu.memref_slice %arg2[%dma_start3A_277, %dma_start3A_278] : memref<10240x128xf32, #tpu.memory_space<hbm>> -> memref<10240x128xf32, #tpu.memory_space<hbm>>
        tpu.enqueue_indirect_dma source(%dma_start3A_279 : memref<10240x128xf32, #tpu.memory_space<hbm>>) target(%arg10 : memref<128x128xf32, #tpu.memory_space<vmem>>) offsets(%dma_start3A_276 : memref<128xi32, #tpu.memory_space<vmem>>) semaphore(%arg12 : memref<!tpu.dma_semaphore, #tpu.memory_space<semaphore_mem>>)
      } else {
      }
      %dma_wait3A_235 = arith.constant 3 : i32
      %dma_wait3A_236 = arith.constant 0 : i32
      %dma_wait3A_237 = tpu.memref_slice %arg9[%dma_wait3A_235, %dma_wait3A_236] : memref<4x128xi32, #tpu.memory_space<vmem>> -> memref<1x128xi32, #tpu.memory_space<vmem>>
      %dma_wait3A_238 = tpu.memref_squeeze %dma_wait3A_237 : memref<1x128xi32, #tpu.memory_space<vmem>> -> memref<128xi32, #tpu.memory_space<vmem>>
      %dma_wait3A_239 = arith.constant 0 : i32
      %dma_wait3A_240 = arith.constant 0 : i32
      %dma_wait3A_241 = tpu.memref_slice %arg4[%add3A, %dma_wait3A_239, %dma_wait3A_240] : memref<32x80x128xi32, #tpu.memory_space<hbm>> -> memref<1x80x128xi32, #tpu.memory_space<hbm>>
      %dma_wait3A_242 = tpu.memref_squeeze %dma_wait3A_241 : memref<1x80x128xi32, #tpu.memory_space<hbm>> -> memref<80x128xi32, #tpu.memory_space<hbm>>
      %dma_wait3A_243 = arith.constant 0 : i32
      %dma_wait3A_244 = tpu.memref_slice %dma_wait3A_242[%add3A_227, %dma_wait3A_243] : memref<80x128xi32, #tpu.memory_space<hbm>> -> memref<1x128xi32, #tpu.memory_space<hbm>>
      %dma_wait3A_245 = tpu.memref_squeeze %dma_wait3A_244 : memref<1x128xi32, #tpu.memory_space<hbm>> -> memref<128xi32, #tpu.memory_space<hbm>>
      %dma_wait3A_246 = arith.constant 0 : i32
      %dma_wait3A_247 = tpu.memref_slice %arg9[%dma_wait3A_235, %dma_wait3A_246] : memref<4x128xi32, #tpu.memory_space<vmem>> -> memref<1x128xi32, #tpu.memory_space<vmem>>
      %dma_wait3A_248 = tpu.memref_squeeze %dma_wait3A_247 : memref<1x128xi32, #tpu.memory_space<vmem>> -> memref<128xi32, #tpu.memory_space<vmem>>
      %dma_wait3A_249 = arith.constant 0 : i32
      %dma_wait3A_250 = arith.constant 0 : i32
      %dma_wait3A_251 = tpu.memref_slice %arg4[%add3A, %dma_wait3A_249, %dma_wait3A_250] : memref<32x80x128xi32, #tpu.memory_space<hbm>> -> memref<1x80x128xi32, #tpu.memory_space<hbm>>
      %dma_wait3A_252 = tpu.memref_squeeze %dma_wait3A_251 : memref<1x80x128xi32, #tpu.memory_space<hbm>> -> memref<80x128xi32, #tpu.memory_space<hbm>>
      %dma_wait3A_253 = arith.constant 0 : i32
      %dma_wait3A_254 = tpu.memref_slice %dma_wait3A_252[%add3A_227, %dma_wait3A_253] : memref<80x128xi32, #tpu.memory_space<hbm>> -> memref<1x128xi32, #tpu.memory_space<hbm>>
      %dma_wait3A_255 = tpu.memref_squeeze %dma_wait3A_254 : memref<1x128xi32, #tpu.memory_space<hbm>> -> memref<128xi32, #tpu.memory_space<hbm>>
      tpu.wait_dma2 semaphore(%arg17 : memref<!tpu.dma_semaphore, #tpu.memory_space<semaphore_mem>>) src(%dma_wait3A_255 : memref<128xi32, #tpu.memory_space<hbm>>) dst(%dma_wait3A_248 : memref<128xi32, #tpu.memory_space<vmem>>)
      %dma_wait3A_256 = arith.constant 0 : i32
      %dma_wait3A_257 = tpu.memref_slice %arg8[%add3A_227, %dma_wait3A_256] : memref<80x128xi32, #tpu.memory_space<vmem>> -> memref<1x128xi32, #tpu.memory_space<vmem>>
      %dma_wait3A_258 = tpu.memref_squeeze %dma_wait3A_257 : memref<1x128xi32, #tpu.memory_space<vmem>> -> memref<128xi32, #tpu.memory_space<vmem>>
      %dma_wait3A_259 = arith.constant 0 : i32
      %dma_wait3A_260 = arith.constant 0 : i32
      %dma_wait3A_261 = tpu.memref_slice %arg2[%dma_wait3A_259, %dma_wait3A_260] : memref<10240x128xf32, #tpu.memory_space<hbm>> -> memref<10240x128xf32, #tpu.memory_space<hbm>>
      tpu.wait_indirect_dma semaphore(%arg13 : memref<!tpu.dma_semaphore, #tpu.memory_space<semaphore_mem>>) src(%dma_wait3A_261 : memref<10240x128xf32, #tpu.memory_space<hbm>>) dst(%arg11 : memref<128x128xf32, #tpu.memory_space<vmem>>)
      %run_scoped3A_262 = arith.constant 3 : i32
      "tpu.region"() ({
        %run_scoped3A_272 = tpu.sem_alloc : memref<!tpu.dma_semaphore, #tpu.memory_space<semaphore_mem>>
        %dma_start3A_273 = arith.constant 0 : i32
        %dma_start3A_274 = tpu.memref_slice %arg9[%run_scoped3A_262, %dma_start3A_273] : memref<4x128xi32, #tpu.memory_space<vmem>> -> memref<1x128xi32, #tpu.memory_space<vmem>>
        %dma_start3A_275 = tpu.memref_squeeze %dma_start3A_274 : memref<1x128xi32, #tpu.memory_space<vmem>> -> memref<128xi32, #tpu.memory_space<vmem>>
        %dma_start3A_276 = arith.constant 0 : i32
        %dma_start3A_277 = arith.constant 0 : i32
        %dma_start3A_278 = tpu.memref_slice %arg7[%dma_start3A_276, %dma_start3A_277] : memref<10240x128xf32, #tpu.memory_space<vmem_shared>> -> memref<10240x128xf32, #tpu.memory_space<vmem_shared>>
        tpu.enqueue_indirect_dma source(%arg11 : memref<128x128xf32, #tpu.memory_space<vmem>>) target(%dma_start3A_278 : memref<10240x128xf32, #tpu.memory_space<vmem_shared>>) offsets(%dma_start3A_275 : memref<128xi32, #tpu.memory_space<vmem>>) semaphore(%run_scoped3A_272 : memref<!tpu.dma_semaphore, #tpu.memory_space<semaphore_mem>>) {add = true}
        %dma_wait3A_279 = arith.constant 0 : i32
        %dma_wait3A_280 = tpu.memref_slice %arg9[%run_scoped3A_262, %dma_wait3A_279] : memref<4x128xi32, #tpu.memory_space<vmem>> -> memref<1x128xi32, #tpu.memory_space<vmem>>
        %dma_wait3A_281 = tpu.memref_squeeze %dma_wait3A_280 : memref<1x128xi32, #tpu.memory_space<vmem>> -> memref<128xi32, #tpu.memory_space<vmem>>
        %dma_wait3A_282 = arith.constant 0 : i32
        %dma_wait3A_283 = arith.constant 0 : i32
        %dma_wait3A_284 = tpu.memref_slice %arg7[%dma_wait3A_282, %dma_wait3A_283] : memref<10240x128xf32, #tpu.memory_space<vmem_shared>> -> memref<10240x128xf32, #tpu.memory_space<vmem_shared>>
        tpu.wait_indirect_dma semaphore(%run_scoped3A_272 : memref<!tpu.dma_semaphore, #tpu.memory_space<semaphore_mem>>) src(%arg11 : memref<128x128xf32, #tpu.memory_space<vmem>>) dst(%dma_wait3A_284 : memref<10240x128xf32, #tpu.memory_space<vmem_shared>>)
        tpu.yield
      }) : () -> ()
      %add3A_263 = arith.constant 4 : i32
      %add3A_264 = arith.addi %add3A_227, %add3A_263 : i32
      %sub3A_265 = arith.constant 1 : i32
      %sub3A_266 = arith.subi %add3A_264, %sub3A_265 : i32
      %lt3A_267 = arith.constant 80 : i32
      %lt3A_268 = arith.cmpi slt, %sub3A_266, %lt3A_267 : i32
      %convert_element_type3A_269 = arith.extui %lt3A_268 : i1 to i32
      %cond3A_270 = arith.constant 0 : i32
      %cond3A_271 = arith.cmpi ne, %convert_element_type3A_269, %cond3A_270 : i32
      scf.if %cond3A_271 {
        %add3A_272 = arith.constant 4 : i32
        %add3A_273 = arith.addi %add3A_227, %add3A_272 : i32
        %sub3A_274 = arith.constant 1 : i32
        %sub3A_275 = arith.subi %add3A_273, %sub3A_274 : i32
        %dma_start3A_276 = arith.constant 2 : i32
        %dma_start3A_277 = arith.constant 0 : i32
        %dma_start3A_278 = tpu.memref_slice %arg9[%dma_start3A_276, %dma_start3A_277] : memref<4x128xi32, #tpu.memory_space<vmem>> -> memref<1x128xi32, #tpu.memory_space<vmem>>
        %dma_start3A_279 = tpu.memref_squeeze %dma_start3A_278 : memref<1x128xi32, #tpu.memory_space<vmem>> -> memref<128xi32, #tpu.memory_space<vmem>>
        %dma_start3A_280 = arith.constant 0 : i32
        %dma_start3A_281 = arith.constant 0 : i32
        %dma_start3A_282 = tpu.memref_slice %arg4[%add3A, %dma_start3A_280, %dma_start3A_281] : memref<32x80x128xi32, #tpu.memory_space<hbm>> -> memref<1x80x128xi32, #tpu.memory_space<hbm>>
        %dma_start3A_283 = tpu.memref_squeeze %dma_start3A_282 : memref<1x80x128xi32, #tpu.memory_space<hbm>> -> memref<80x128xi32, #tpu.memory_space<hbm>>
        %dma_start3A_284 = arith.constant 0 : i32
        %dma_start3A_285 = tpu.memref_slice %dma_start3A_283[%sub3A_275, %dma_start3A_284] : memref<80x128xi32, #tpu.memory_space<hbm>> -> memref<1x128xi32, #tpu.memory_space<hbm>>
        %dma_start3A_286 = tpu.memref_squeeze %dma_start3A_285 : memref<1x128xi32, #tpu.memory_space<hbm>> -> memref<128xi32, #tpu.memory_space<hbm>>
        %dma_start3A_287 = arith.constant 0 : i32
        %dma_start3A_288 = tpu.memref_slice %arg9[%dma_start3A_276, %dma_start3A_287] : memref<4x128xi32, #tpu.memory_space<vmem>> -> memref<1x128xi32, #tpu.memory_space<vmem>>
        %dma_start3A_289 = tpu.memref_squeeze %dma_start3A_288 : memref<1x128xi32, #tpu.memory_space<vmem>> -> memref<128xi32, #tpu.memory_space<vmem>>
        %dma_start3A_290 = arith.constant 0 : i32
        %dma_start3A_291 = arith.constant 0 : i32
        %dma_start3A_292 = tpu.memref_slice %arg4[%add3A, %dma_start3A_290, %dma_start3A_291] : memref<32x80x128xi32, #tpu.memory_space<hbm>> -> memref<1x80x128xi32, #tpu.memory_space<hbm>>
        %dma_start3A_293 = tpu.memref_squeeze %dma_start3A_292 : memref<1x80x128xi32, #tpu.memory_space<hbm>> -> memref<80x128xi32, #tpu.memory_space<hbm>>
        %dma_start3A_294 = arith.constant 0 : i32
        %dma_start3A_295 = tpu.memref_slice %dma_start3A_293[%sub3A_275, %dma_start3A_294] : memref<80x128xi32, #tpu.memory_space<hbm>> -> memref<1x128xi32, #tpu.memory_space<hbm>>
        %dma_start3A_296 = tpu.memref_squeeze %dma_start3A_295 : memref<1x128xi32, #tpu.memory_space<hbm>> -> memref<128xi32, #tpu.memory_space<hbm>>
        tpu.enqueue_dma source(%dma_start3A_296 : memref<128xi32, #tpu.memory_space<hbm>>) target(%dma_start3A_289 : memref<128xi32, #tpu.memory_space<vmem>>) target_semaphore(%arg16 : memref<!tpu.dma_semaphore, #tpu.memory_space<semaphore_mem>>)
      } else {
      }
    }
    %scan3A_79 = arith.constant 20 : i32
    %barrier3A_80 = arith.constant 0 : index
    tpu.barrier barrier_id(%barrier3A_80)
    %mul3A_81 = arith.constant 640 : i32
    %mul3A_82 = arith.muli %arg1, %mul3A_81 : i32
    %mul3A_83 = arith.constant 640 : i32
    %mul3A_84 = arith.muli %arg1, %mul3A_83 : i32
    "tpu.region"() ({
      %run_scoped3A = tpu.sem_alloc : memref<!tpu.dma_semaphore, #tpu.memory_space<semaphore_mem>>
      %dma_start3A_85 = arith.constant 0 : i32
      %dma_start3A_86 = arith.constant 0 : i32
      %dma_start3A_87 = tpu.memref_slice %arg6[%arg0, %dma_start3A_85, %dma_start3A_86] : memref<2x10240x128xf32, #tpu.memory_space<hbm>> -> memref<1x10240x128xf32, #tpu.memory_space<hbm>>
      %dma_start3A_88 = tpu.memref_squeeze %dma_start3A_87 : memref<1x10240x128xf32, #tpu.memory_space<hbm>> -> memref<10240x128xf32, #tpu.memory_space<hbm>>
      %dma_start3A_89 = arith.constant 0 : i32
      %dma_start3A_90 = tpu.memref_slice %dma_start3A_88[%mul3A_84, %dma_start3A_89] : memref<10240x128xf32, #tpu.memory_space<hbm>> -> memref<640x128xf32, #tpu.memory_space<hbm>>
      %dma_start3A_91 = arith.constant 0 : i32
      %dma_start3A_92 = tpu.memref_slice %arg7[%mul3A_82, %dma_start3A_91] : memref<10240x128xf32, #tpu.memory_space<vmem_shared>> -> memref<640x128xf32, #tpu.memory_space<vmem_shared>>
      tpu.enqueue_dma source(%dma_start3A_92 : memref<640x128xf32, #tpu.memory_space<vmem_shared>>) target(%dma_start3A_90 : memref<640x128xf32, #tpu.memory_space<hbm>>) target_semaphore(%run_scoped3A : memref<!tpu.dma_semaphore, #tpu.memory_space<semaphore_mem>>)
      %dma_wait3A = arith.constant 0 : i32
      %dma_wait3A_93 = arith.constant 0 : i32
      %dma_wait3A_94 = tpu.memref_slice %arg6[%arg0, %dma_wait3A, %dma_wait3A_93] : memref<2x10240x128xf32, #tpu.memory_space<hbm>> -> memref<1x10240x128xf32, #tpu.memory_space<hbm>>
      %dma_wait3A_95 = tpu.memref_squeeze %dma_wait3A_94 : memref<1x10240x128xf32, #tpu.memory_space<hbm>> -> memref<10240x128xf32, #tpu.memory_space<hbm>>
      %dma_wait3A_96 = arith.constant 0 : i32
      %dma_wait3A_97 = tpu.memref_slice %dma_wait3A_95[%mul3A_84, %dma_wait3A_96] : memref<10240x128xf32, #tpu.memory_space<hbm>> -> memref<640x128xf32, #tpu.memory_space<hbm>>
      %dma_wait3A_98 = arith.constant 0 : i32
      %dma_wait3A_99 = tpu.memref_slice %arg7[%mul3A_82, %dma_wait3A_98] : memref<10240x128xf32, #tpu.memory_space<vmem_shared>> -> memref<640x128xf32, #tpu.memory_space<vmem_shared>>
      tpu.wait_dma2 semaphore(%run_scoped3A : memref<!tpu.dma_semaphore, #tpu.memory_space<semaphore_mem>>) src(%dma_wait3A_99 : memref<640x128xf32, #tpu.memory_space<vmem_shared>>) dst(%dma_wait3A_97 : memref<640x128xf32, #tpu.memory_space<hbm>>)
      tpu.yield
    }) : () -> ()
    return
  }
}

#map = affine_map<(d0, d1) -> (0, 0, 0)>
#map1 = affine_map<(d0, d1) -> (0, 0)>
module attributes {stable_mosaic.version = 14 : i64} {
  func.func @_deg_body(%arg0: i32, %arg1: i32, %arg2: memref<32x80x128xi32, #tpu.memory_space<hbm>>, %arg3: memref<128x128xf32, #tpu.memory_space<hbm>>, %arg4: memref<640x128xf32, #tpu.memory_space<hbm>>, %arg5: memref<2x10240x128xf32, #tpu.memory_space<hbm>>, %arg6: memref<10240x128xf32, #tpu.memory_space<vmem_shared>>, %arg7: memref<128x128xf32, #tpu.memory_space<vmem>>, %arg8: memref<80x128xi32, #tpu.memory_space<vmem>>, %arg9: memref<!tpu.dma_semaphore, #tpu.memory_space<semaphore_mem>>) attributes {dimension_semantics = [#tpu.dimension_semantics<core_parallel>, #tpu.dimension_semantics<subcore_parallel>], iteration_bounds = array<i64: 2, 16>, scalar_prefetch = 0 : i64, scratch_operands = 4 : i64, tpu.core_type = #tpu.core_type<sc_vector_subcore>, window_params = [{transform_indices = #map}, {transform_indices = #map1}, {transform_indices = #map1}, {transform_indices = #map}]} {
    %mul3A = arith.constant 16 : i32
    %mul3A_0 = arith.muli %arg0, %mul3A : i32
    %add3A = arith.addi %mul3A_0, %arg1 : i32
    %mul3A_1 = arith.constant 640 : i32
    %mul3A_2 = arith.muli %arg1, %mul3A_1 : i32
    "tpu.region"() ({
      %run_scoped3A = tpu.sem_alloc : memref<!tpu.dma_semaphore, #tpu.memory_space<semaphore_mem>>
      %dma_start3A = arith.constant 0 : i32
      %dma_start3A_13 = tpu.memref_slice %arg6[%mul3A_2, %dma_start3A] : memref<10240x128xf32, #tpu.memory_space<vmem_shared>> -> memref<640x128xf32, #tpu.memory_space<vmem_shared>>
      tpu.enqueue_dma source(%arg4 : memref<640x128xf32, #tpu.memory_space<hbm>>) target(%dma_start3A_13 : memref<640x128xf32, #tpu.memory_space<vmem_shared>>) target_semaphore(%run_scoped3A : memref<!tpu.dma_semaphore, #tpu.memory_space<semaphore_mem>>)
      %dma_wait3A = arith.constant 0 : i32
      %dma_wait3A_14 = tpu.memref_slice %arg6[%mul3A_2, %dma_wait3A] : memref<10240x128xf32, #tpu.memory_space<vmem_shared>> -> memref<640x128xf32, #tpu.memory_space<vmem_shared>>
      tpu.wait_dma2 semaphore(%run_scoped3A : memref<!tpu.dma_semaphore, #tpu.memory_space<semaphore_mem>>) src(%arg4 : memref<640x128xf32, #tpu.memory_space<hbm>>) dst(%dma_wait3A_14 : memref<640x128xf32, #tpu.memory_space<vmem_shared>>)
      tpu.yield
    }) : () -> ()
    "tpu.region"() ({
      %run_scoped3A = tpu.sem_alloc : memref<!tpu.dma_semaphore, #tpu.memory_space<semaphore_mem>>
      tpu.enqueue_dma source(%arg3 : memref<128x128xf32, #tpu.memory_space<hbm>>) target(%arg7 : memref<128x128xf32, #tpu.memory_space<vmem>>) target_semaphore(%run_scoped3A : memref<!tpu.dma_semaphore, #tpu.memory_space<semaphore_mem>>)
      tpu.wait_dma2 semaphore(%run_scoped3A : memref<!tpu.dma_semaphore, #tpu.memory_space<semaphore_mem>>) src(%arg3 : memref<128x128xf32, #tpu.memory_space<hbm>>) dst(%arg7 : memref<128x128xf32, #tpu.memory_space<vmem>>)
      tpu.yield
    }) : () -> ()
    "tpu.region"() ({
      %run_scoped3A = tpu.sem_alloc : memref<!tpu.dma_semaphore, #tpu.memory_space<semaphore_mem>>
      %dma_start3A = arith.constant 0 : i32
      %dma_start3A_13 = arith.constant 0 : i32
      %dma_start3A_14 = tpu.memref_slice %arg2[%add3A, %dma_start3A, %dma_start3A_13] : memref<32x80x128xi32, #tpu.memory_space<hbm>> -> memref<1x80x128xi32, #tpu.memory_space<hbm>>
      %dma_start3A_15 = tpu.memref_squeeze %dma_start3A_14 : memref<1x80x128xi32, #tpu.memory_space<hbm>> -> memref<80x128xi32, #tpu.memory_space<hbm>>
      %dma_start3A_16 = arith.constant 0 : i32
      %dma_start3A_17 = arith.constant 0 : i32
      %dma_start3A_18 = tpu.memref_slice %arg2[%add3A, %dma_start3A_16, %dma_start3A_17] : memref<32x80x128xi32, #tpu.memory_space<hbm>> -> memref<1x80x128xi32, #tpu.memory_space<hbm>>
      %dma_start3A_19 = tpu.memref_squeeze %dma_start3A_18 : memref<1x80x128xi32, #tpu.memory_space<hbm>> -> memref<80x128xi32, #tpu.memory_space<hbm>>
      tpu.enqueue_dma source(%dma_start3A_19 : memref<80x128xi32, #tpu.memory_space<hbm>>) target(%arg8 : memref<80x128xi32, #tpu.memory_space<vmem>>) target_semaphore(%run_scoped3A : memref<!tpu.dma_semaphore, #tpu.memory_space<semaphore_mem>>)
      %dma_wait3A = arith.constant 0 : i32
      %dma_wait3A_20 = arith.constant 0 : i32
      %dma_wait3A_21 = tpu.memref_slice %arg2[%add3A, %dma_wait3A, %dma_wait3A_20] : memref<32x80x128xi32, #tpu.memory_space<hbm>> -> memref<1x80x128xi32, #tpu.memory_space<hbm>>
      %dma_wait3A_22 = tpu.memref_squeeze %dma_wait3A_21 : memref<1x80x128xi32, #tpu.memory_space<hbm>> -> memref<80x128xi32, #tpu.memory_space<hbm>>
      %dma_wait3A_23 = arith.constant 0 : i32
      %dma_wait3A_24 = arith.constant 0 : i32
      %dma_wait3A_25 = tpu.memref_slice %arg2[%add3A, %dma_wait3A_23, %dma_wait3A_24] : memref<32x80x128xi32, #tpu.memory_space<hbm>> -> memref<1x80x128xi32, #tpu.memory_space<hbm>>
      %dma_wait3A_26 = tpu.memref_squeeze %dma_wait3A_25 : memref<1x80x128xi32, #tpu.memory_space<hbm>> -> memref<80x128xi32, #tpu.memory_space<hbm>>
      tpu.wait_dma2 semaphore(%run_scoped3A : memref<!tpu.dma_semaphore, #tpu.memory_space<semaphore_mem>>) src(%dma_wait3A_26 : memref<80x128xi32, #tpu.memory_space<hbm>>) dst(%arg8 : memref<80x128xi32, #tpu.memory_space<vmem>>)
      tpu.yield
    }) : () -> ()
    %barrier3A = arith.constant 0 : index
    tpu.barrier barrier_id(%barrier3A)
    %scan3A = arith.constant 0 : i32
    %scan3A_3 = arith.constant 0 : i32
    %scan3A_4 = arith.constant 80 : i32
    %scan3A_5 = arith.addi %scan3A_3, %scan3A_4 : i32
    %scan3A_6 = arith.constant 1 : i32
    scf.for %scan3A_13 = %scan3A_3 to %scan3A_5 step %scan3A_6  : i32 {
      "tpu.region"() ({
        %run_scoped3A = tpu.sem_alloc : memref<!tpu.dma_semaphore, #tpu.memory_space<semaphore_mem>>
        %dma_start3A = arith.constant 0 : i32
        %dma_start3A_14 = tpu.memref_slice %arg8[%scan3A_13, %dma_start3A] : memref<80x128xi32, #tpu.memory_space<vmem>> -> memref<1x128xi32, #tpu.memory_space<vmem>>
        %dma_start3A_15 = tpu.memref_squeeze %dma_start3A_14 : memref<1x128xi32, #tpu.memory_space<vmem>> -> memref<128xi32, #tpu.memory_space<vmem>>
        %dma_start3A_16 = arith.constant 0 : i32
        %dma_start3A_17 = arith.constant 0 : i32
        %dma_start3A_18 = tpu.memref_slice %arg6[%dma_start3A_16, %dma_start3A_17] : memref<10240x128xf32, #tpu.memory_space<vmem_shared>> -> memref<10240x128xf32, #tpu.memory_space<vmem_shared>>
        tpu.enqueue_indirect_dma source(%arg7 : memref<128x128xf32, #tpu.memory_space<vmem>>) target(%dma_start3A_18 : memref<10240x128xf32, #tpu.memory_space<vmem_shared>>) offsets(%dma_start3A_15 : memref<128xi32, #tpu.memory_space<vmem>>) semaphore(%run_scoped3A : memref<!tpu.dma_semaphore, #tpu.memory_space<semaphore_mem>>) {add = true}
        %dma_wait3A = arith.constant 0 : i32
        %dma_wait3A_19 = tpu.memref_slice %arg8[%scan3A_13, %dma_wait3A] : memref<80x128xi32, #tpu.memory_space<vmem>> -> memref<1x128xi32, #tpu.memory_space<vmem>>
        %dma_wait3A_20 = tpu.memref_squeeze %dma_wait3A_19 : memref<1x128xi32, #tpu.memory_space<vmem>> -> memref<128xi32, #tpu.memory_space<vmem>>
        %dma_wait3A_21 = arith.constant 0 : i32
        %dma_wait3A_22 = arith.constant 0 : i32
        %dma_wait3A_23 = tpu.memref_slice %arg6[%dma_wait3A_21, %dma_wait3A_22] : memref<10240x128xf32, #tpu.memory_space<vmem_shared>> -> memref<10240x128xf32, #tpu.memory_space<vmem_shared>>
        tpu.wait_indirect_dma semaphore(%run_scoped3A : memref<!tpu.dma_semaphore, #tpu.memory_space<semaphore_mem>>) src(%arg7 : memref<128x128xf32, #tpu.memory_space<vmem>>) dst(%dma_wait3A_23 : memref<10240x128xf32, #tpu.memory_space<vmem_shared>>)
        tpu.yield
      }) : () -> ()
    }
    %scan3A_7 = arith.constant 80 : i32
    %barrier3A_8 = arith.constant 0 : index
    tpu.barrier barrier_id(%barrier3A_8)
    %mul3A_9 = arith.constant 640 : i32
    %mul3A_10 = arith.muli %arg1, %mul3A_9 : i32
    %mul3A_11 = arith.constant 640 : i32
    %mul3A_12 = arith.muli %arg1, %mul3A_11 : i32
    "tpu.region"() ({
      %run_scoped3A = tpu.sem_alloc : memref<!tpu.dma_semaphore, #tpu.memory_space<semaphore_mem>>
      %dma_start3A = arith.constant 0 : i32
      %dma_start3A_13 = arith.constant 0 : i32
      %dma_start3A_14 = tpu.memref_slice %arg5[%arg0, %dma_start3A, %dma_start3A_13] : memref<2x10240x128xf32, #tpu.memory_space<hbm>> -> memref<1x10240x128xf32, #tpu.memory_space<hbm>>
      %dma_start3A_15 = tpu.memref_squeeze %dma_start3A_14 : memref<1x10240x128xf32, #tpu.memory_space<hbm>> -> memref<10240x128xf32, #tpu.memory_space<hbm>>
      %dma_start3A_16 = arith.constant 0 : i32
      %dma_start3A_17 = tpu.memref_slice %dma_start3A_15[%mul3A_12, %dma_start3A_16] : memref<10240x128xf32, #tpu.memory_space<hbm>> -> memref<640x128xf32, #tpu.memory_space<hbm>>
      %dma_start3A_18 = arith.constant 0 : i32
      %dma_start3A_19 = tpu.memref_slice %arg6[%mul3A_10, %dma_start3A_18] : memref<10240x128xf32, #tpu.memory_space<vmem_shared>> -> memref<640x128xf32, #tpu.memory_space<vmem_shared>>
      tpu.enqueue_dma source(%dma_start3A_19 : memref<640x128xf32, #tpu.memory_space<vmem_shared>>) target(%dma_start3A_17 : memref<640x128xf32, #tpu.memory_space<hbm>>) target_semaphore(%run_scoped3A : memref<!tpu.dma_semaphore, #tpu.memory_space<semaphore_mem>>)
      %dma_wait3A = arith.constant 0 : i32
      %dma_wait3A_20 = arith.constant 0 : i32
      %dma_wait3A_21 = tpu.memref_slice %arg5[%arg0, %dma_wait3A, %dma_wait3A_20] : memref<2x10240x128xf32, #tpu.memory_space<hbm>> -> memref<1x10240x128xf32, #tpu.memory_space<hbm>>
      %dma_wait3A_22 = tpu.memref_squeeze %dma_wait3A_21 : memref<1x10240x128xf32, #tpu.memory_space<hbm>> -> memref<10240x128xf32, #tpu.memory_space<hbm>>
      %dma_wait3A_23 = arith.constant 0 : i32
      %dma_wait3A_24 = tpu.memref_slice %dma_wait3A_22[%mul3A_12, %dma_wait3A_23] : memref<10240x128xf32, #tpu.memory_space<hbm>> -> memref<640x128xf32, #tpu.memory_space<hbm>>
      %dma_wait3A_25 = arith.constant 0 : i32
      %dma_wait3A_26 = tpu.memref_slice %arg6[%mul3A_10, %dma_wait3A_25] : memref<10240x128xf32, #tpu.memory_space<vmem_shared>> -> memref<640x128xf32, #tpu.memory_space<vmem_shared>>
      tpu.wait_dma2 semaphore(%run_scoped3A : memref<!tpu.dma_semaphore, #tpu.memory_space<semaphore_mem>>) src(%dma_wait3A_26 : memref<640x128xf32, #tpu.memory_space<vmem_shared>>) dst(%dma_wait3A_24 : memref<640x128xf32, #tpu.memory_space<hbm>>)
      tpu.yield
    }) : () -> ()
    return
  }
}

#map = affine_map<(d0, d1) -> (0, 0)>
#map1 = affine_map<(d0, d1) -> (0, 0, 0)>
module attributes {stable_mosaic.version = 14 : i64} {
  func.func @wrapped(%arg0: i32, %arg1: i32, %arg2: memref<10240x128xf32, #tpu.memory_space<hbm>>, %arg3: memref<32x80x128xi32, #tpu.memory_space<hbm>>, %arg4: memref<32x80x128xi32, #tpu.memory_space<hbm>>, %arg5: memref<640x128xf32, #tpu.memory_space<hbm>>, %arg6: memref<2x10240x128xf32, #tpu.memory_space<hbm>>, %arg7: memref<10240x128xf32, #tpu.memory_space<vmem_shared>>, %arg8: memref<80x128xi32, #tpu.memory_space<vmem>>, %arg9: memref<4x128xi32, #tpu.memory_space<vmem>>, %arg10: memref<128x128xf32, #tpu.memory_space<vmem>>, %arg11: memref<128x128xf32, #tpu.memory_space<vmem>>, %arg12: memref<!tpu.dma_semaphore, #tpu.memory_space<semaphore_mem>>, %arg13: memref<!tpu.dma_semaphore, #tpu.memory_space<semaphore_mem>>, %arg14: memref<!tpu.dma_semaphore, #tpu.memory_space<semaphore_mem>>, %arg15: memref<!tpu.dma_semaphore, #tpu.memory_space<semaphore_mem>>, %arg16: memref<!tpu.dma_semaphore, #tpu.memory_space<semaphore_mem>>, %arg17: memref<!tpu.dma_semaphore, #tpu.memory_space<semaphore_mem>>) attributes {dimension_semantics = [#tpu.dimension_semantics<core_parallel>, #tpu.dimension_semantics<subcore_parallel>], iteration_bounds = array<i64: 2, 16>, scalar_prefetch = 0 : i64, scratch_operands = 11 : i64, tpu.core_type = #tpu.core_type<sc_vector_subcore>, window_params = [{transform_indices = #map}, {transform_indices = #map1}, {transform_indices = #map1}, {transform_indices = #map}, {transform_indices = #map1}]} {
    %mul3A = arith.constant 16 : i32
    %mul3A_0 = arith.muli %arg0, %mul3A : i32
    %add3A = arith.addi %mul3A_0, %arg1 : i32
    %mul3A_1 = arith.constant 640 : i32
    %mul3A_2 = arith.muli %arg1, %mul3A_1 : i32
    "tpu.region"() ({
      %run_scoped3A = tpu.sem_alloc : memref<!tpu.dma_semaphore, #tpu.memory_space<semaphore_mem>>
      %dma_start3A_85 = arith.constant 0 : i32
      %dma_start3A_86 = tpu.memref_slice %arg7[%mul3A_2, %dma_start3A_85] : memref<10240x128xf32, #tpu.memory_space<vmem_shared>> -> memref<640x128xf32, #tpu.memory_space<vmem_shared>>
      tpu.enqueue_dma source(%arg5 : memref<640x128xf32, #tpu.memory_space<hbm>>) target(%dma_start3A_86 : memref<640x128xf32, #tpu.memory_space<vmem_shared>>) target_semaphore(%run_scoped3A : memref<!tpu.dma_semaphore, #tpu.memory_space<semaphore_mem>>)
      %dma_wait3A = arith.constant 0 : i32
      %dma_wait3A_87 = tpu.memref_slice %arg7[%mul3A_2, %dma_wait3A] : memref<10240x128xf32, #tpu.memory_space<vmem_shared>> -> memref<640x128xf32, #tpu.memory_space<vmem_shared>>
      tpu.wait_dma2 semaphore(%run_scoped3A : memref<!tpu.dma_semaphore, #tpu.memory_space<semaphore_mem>>) src(%arg5 : memref<640x128xf32, #tpu.memory_space<hbm>>) dst(%dma_wait3A_87 : memref<640x128xf32, #tpu.memory_space<vmem_shared>>)
      tpu.yield
    }) : () -> ()
    "tpu.region"() ({
      %run_scoped3A = tpu.sem_alloc : memref<!tpu.dma_semaphore, #tpu.memory_space<semaphore_mem>>
      %dma_start3A_85 = arith.constant 0 : i32
      %dma_start3A_86 = arith.constant 0 : i32
      %dma_start3A_87 = tpu.memref_slice %arg3[%add3A, %dma_start3A_85, %dma_start3A_86] : memref<32x80x128xi32, #tpu.memory_space<hbm>> -> memref<1x80x128xi32, #tpu.memory_space<hbm>>
      %dma_start3A_88 = tpu.memref_squeeze %dma_start3A_87 : memref<1x80x128xi32, #tpu.memory_space<hbm>> -> memref<80x128xi32, #tpu.memory_space<hbm>>
      %dma_start3A_89 = arith.constant 0 : i32
      %dma_start3A_90 = arith.constant 0 : i32
      %dma_start3A_91 = tpu.memref_slice %arg3[%add3A, %dma_start3A_89, %dma_start3A_90] : memref<32x80x128xi32, #tpu.memory_space<hbm>> -> memref<1x80x128xi32, #tpu.memory_space<hbm>>
      %dma_start3A_92 = tpu.memref_squeeze %dma_start3A_91 : memref<1x80x128xi32, #tpu.memory_space<hbm>> -> memref<80x128xi32, #tpu.memory_space<hbm>>
      tpu.enqueue_dma source(%dma_start3A_92 : memref<80x128xi32, #tpu.memory_space<hbm>>) target(%arg8 : memref<80x128xi32, #tpu.memory_space<vmem>>) target_semaphore(%run_scoped3A : memref<!tpu.dma_semaphore, #tpu.memory_space<semaphore_mem>>)
      %dma_wait3A = arith.constant 0 : i32
      %dma_wait3A_93 = arith.constant 0 : i32
      %dma_wait3A_94 = tpu.memref_slice %arg3[%add3A, %dma_wait3A, %dma_wait3A_93] : memref<32x80x128xi32, #tpu.memory_space<hbm>> -> memref<1x80x128xi32, #tpu.memory_space<hbm>>
      %dma_wait3A_95 = tpu.memref_squeeze %dma_wait3A_94 : memref<1x80x128xi32, #tpu.memory_space<hbm>> -> memref<80x128xi32, #tpu.memory_space<hbm>>
      %dma_wait3A_96 = arith.constant 0 : i32
      %dma_wait3A_97 = arith.constant 0 : i32
      %dma_wait3A_98 = tpu.memref_slice %arg3[%add3A, %dma_wait3A_96, %dma_wait3A_97] : memref<32x80x128xi32, #tpu.memory_space<hbm>> -> memref<1x80x128xi32, #tpu.memory_space<hbm>>
      %dma_wait3A_99 = tpu.memref_squeeze %dma_wait3A_98 : memref<1x80x128xi32, #tpu.memory_space<hbm>> -> memref<80x128xi32, #tpu.memory_space<hbm>>
      tpu.wait_dma2 semaphore(%run_scoped3A : memref<!tpu.dma_semaphore, #tpu.memory_space<semaphore_mem>>) src(%dma_wait3A_99 : memref<80x128xi32, #tpu.memory_space<hbm>>) dst(%arg8 : memref<80x128xi32, #tpu.memory_space<vmem>>)
      tpu.yield
    }) : () -> ()
    %dma_start3A = arith.constant 0 : i32
    %dma_start3A_3 = arith.constant 0 : i32
    %dma_start3A_4 = arith.constant 0 : i32
    %dma_start3A_5 = tpu.memref_slice %arg9[%dma_start3A_3, %dma_start3A_4] : memref<4x128xi32, #tpu.memory_space<vmem>> -> memref<1x128xi32, #tpu.memory_space<vmem>>
    %dma_start3A_6 = tpu.memref_squeeze %dma_start3A_5 : memref<1x128xi32, #tpu.memory_space<vmem>> -> memref<128xi32, #tpu.memory_space<vmem>>
    %dma_start3A_7 = arith.constant 0 : i32
    %dma_start3A_8 = arith.constant 0 : i32
    %dma_start3A_9 = tpu.memref_slice %arg4[%add3A, %dma_start3A_7, %dma_start3A_8] : memref<32x80x128xi32, #tpu.memory_space<hbm>> -> memref<1x80x128xi32, #tpu.memory_space<hbm>>
    %dma_start3A_10 = tpu.memref_squeeze %dma_start3A_9 : memref<1x80x128xi32, #tpu.memory_space<hbm>> -> memref<80x128xi32, #tpu.memory_space<hbm>>
    %dma_start3A_11 = arith.constant 0 : i32
    %dma_start3A_12 = tpu.memref_slice %dma_start3A_10[%dma_start3A, %dma_start3A_11] : memref<80x128xi32, #tpu.memory_space<hbm>> -> memref<1x128xi32, #tpu.memory_space<hbm>>
    %dma_start3A_13 = tpu.memref_squeeze %dma_start3A_12 : memref<1x128xi32, #tpu.memory_space<hbm>> -> memref<128xi32, #tpu.memory_space<hbm>>
    %dma_start3A_14 = arith.constant 0 : i32
    %dma_start3A_15 = tpu.memref_slice %arg9[%dma_start3A_3, %dma_start3A_14] : memref<4x128xi32, #tpu.memory_space<vmem>> -> memref<1x128xi32, #tpu.memory_space<vmem>>
    %dma_start3A_16 = tpu.memref_squeeze %dma_start3A_15 : memref<1x128xi32, #tpu.memory_space<vmem>> -> memref<128xi32, #tpu.memory_space<vmem>>
    %dma_start3A_17 = arith.constant 0 : i32
    %dma_start3A_18 = arith.constant 0 : i32
    %dma_start3A_19 = tpu.memref_slice %arg4[%add3A, %dma_start3A_17, %dma_start3A_18] : memref<32x80x128xi32, #tpu.memory_space<hbm>> -> memref<1x80x128xi32, #tpu.memory_space<hbm>>
    %dma_start3A_20 = tpu.memref_squeeze %dma_start3A_19 : memref<1x80x128xi32, #tpu.memory_space<hbm>> -> memref<80x128xi32, #tpu.memory_space<hbm>>
    %dma_start3A_21 = arith.constant 0 : i32
    %dma_start3A_22 = tpu.memref_slice %dma_start3A_20[%dma_start3A, %dma_start3A_21] : memref<80x128xi32, #tpu.memory_space<hbm>> -> memref<1x128xi32, #tpu.memory_space<hbm>>
    %dma_start3A_23 = tpu.memref_squeeze %dma_start3A_22 : memref<1x128xi32, #tpu.memory_space<hbm>> -> memref<128xi32, #tpu.memory_space<hbm>>
    tpu.enqueue_dma source(%dma_start3A_23 : memref<128xi32, #tpu.memory_space<hbm>>) target(%dma_start3A_16 : memref<128xi32, #tpu.memory_space<vmem>>) target_semaphore(%arg14 : memref<!tpu.dma_semaphore, #tpu.memory_space<semaphore_mem>>)
    %dma_start3A_24 = arith.constant 1 : i32
    %dma_start3A_25 = arith.constant 1 : i32
    %dma_start3A_26 = arith.constant 0 : i32
    %dma_start3A_27 = tpu.memref_slice %arg9[%dma_start3A_25, %dma_start3A_26] : memref<4x128xi32, #tpu.memory_space<vmem>> -> memref<1x128xi32, #tpu.memory_space<vmem>>
    %dma_start3A_28 = tpu.memref_squeeze %dma_start3A_27 : memref<1x128xi32, #tpu.memory_space<vmem>> -> memref<128xi32, #tpu.memory_space<vmem>>
    %dma_start3A_29 = arith.constant 0 : i32
    %dma_start3A_30 = arith.constant 0 : i32
    %dma_start3A_31 = tpu.memref_slice %arg4[%add3A, %dma_start3A_29, %dma_start3A_30] : memref<32x80x128xi32, #tpu.memory_space<hbm>> -> memref<1x80x128xi32, #tpu.memory_space<hbm>>
    %dma_start3A_32 = tpu.memref_squeeze %dma_start3A_31 : memref<1x80x128xi32, #tpu.memory_space<hbm>> -> memref<80x128xi32, #tpu.memory_space<hbm>>
    %dma_start3A_33 = arith.constant 0 : i32
    %dma_start3A_34 = tpu.memref_slice %dma_start3A_32[%dma_start3A_24, %dma_start3A_33] : memref<80x128xi32, #tpu.memory_space<hbm>> -> memref<1x128xi32, #tpu.memory_space<hbm>>
    %dma_start3A_35 = tpu.memref_squeeze %dma_start3A_34 : memref<1x128xi32, #tpu.memory_space<hbm>> -> memref<128xi32, #tpu.memory_space<hbm>>
    %dma_start3A_36 = arith.constant 0 : i32
    %dma_start3A_37 = tpu.memref_slice %arg9[%dma_start3A_25, %dma_start3A_36] : memref<4x128xi32, #tpu.memory_space<vmem>> -> memref<1x128xi32, #tpu.memory_space<vmem>>
    %dma_start3A_38 = tpu.memref_squeeze %dma_start3A_37 : memref<1x128xi32, #tpu.memory_space<vmem>> -> memref<128xi32, #tpu.memory_space<vmem>>
    %dma_start3A_39 = arith.constant 0 : i32
    %dma_start3A_40 = arith.constant 0 : i32
    %dma_start3A_41 = tpu.memref_slice %arg4[%add3A, %dma_start3A_39, %dma_start3A_40] : memref<32x80x128xi32, #tpu.memory_space<hbm>> -> memref<1x80x128xi32, #tpu.memory_space<hbm>>
    %dma_start3A_42 = tpu.memref_squeeze %dma_start3A_41 : memref<1x80x128xi32, #tpu.memory_space<hbm>> -> memref<80x128xi32, #tpu.memory_space<hbm>>
    %dma_start3A_43 = arith.constant 0 : i32
    %dma_start3A_44 = tpu.memref_slice %dma_start3A_42[%dma_start3A_24, %dma_start3A_43] : memref<80x128xi32, #tpu.memory_space<hbm>> -> memref<1x128xi32, #tpu.memory_space<hbm>>
    %dma_start3A_45 = tpu.memref_squeeze %dma_start3A_44 : memref<1x128xi32, #tpu.memory_space<hbm>> -> memref<128xi32, #tpu.memory_space<hbm>>
    tpu.enqueue_dma source(%dma_start3A_45 : memref<128xi32, #tpu.memory_space<hbm>>) target(%dma_start3A_38 : memref<128xi32, #tpu.memory_space<vmem>>) target_semaphore(%arg15 : memref<!tpu.dma_semaphore, #tpu.memory_space<semaphore_mem>>)
    %dma_start3A_46 = arith.constant 2 : i32
    %dma_start3A_47 = arith.constant 2 : i32
    %dma_start3A_48 = arith.constant 0 : i32
    %dma_start3A_49 = tpu.memref_slice %arg9[%dma_start3A_47, %dma_start3A_48] : memref<4x128xi32, #tpu.memory_space<vmem>> -> memref<1x128xi32, #tpu.memory_space<vmem>>
    %dma_start3A_50 = tpu.memref_squeeze %dma_start3A_49 : memref<1x128xi32, #tpu.memory_space<vmem>> -> memref<128xi32, #tpu.memory_space<vmem>>
    %dma_start3A_51 = arith.constant 0 : i32
    %dma_start3A_52 = arith.constant 0 : i32
    %dma_start3A_53 = tpu.memref_slice %arg4[%add3A, %dma_start3A_51, %dma_start3A_52] : memref<32x80x128xi32, #tpu.memory_space<hbm>> -> memref<1x80x128xi32, #tpu.memory_space<hbm>>
    %dma_start3A_54 = tpu.memref_squeeze %dma_start3A_53 : memref<1x80x128xi32, #tpu.memory_space<hbm>> -> memref<80x128xi32, #tpu.memory_space<hbm>>
    %dma_start3A_55 = arith.constant 0 : i32
    %dma_start3A_56 = tpu.memref_slice %dma_start3A_54[%dma_start3A_46, %dma_start3A_55] : memref<80x128xi32, #tpu.memory_space<hbm>> -> memref<1x128xi32, #tpu.memory_space<hbm>>
    %dma_start3A_57 = tpu.memref_squeeze %dma_start3A_56 : memref<1x128xi32, #tpu.memory_space<hbm>> -> memref<128xi32, #tpu.memory_space<hbm>>
    %dma_start3A_58 = arith.constant 0 : i32
    %dma_start3A_59 = tpu.memref_slice %arg9[%dma_start3A_47, %dma_start3A_58] : memref<4x128xi32, #tpu.memory_space<vmem>> -> memref<1x128xi32, #tpu.memory_space<vmem>>
    %dma_start3A_60 = tpu.memref_squeeze %dma_start3A_59 : memref<1x128xi32, #tpu.memory_space<vmem>> -> memref<128xi32, #tpu.memory_space<vmem>>
    %dma_start3A_61 = arith.constant 0 : i32
    %dma_start3A_62 = arith.constant 0 : i32
    %dma_start3A_63 = tpu.memref_slice %arg4[%add3A, %dma_start3A_61, %dma_start3A_62] : memref<32x80x128xi32, #tpu.memory_space<hbm>> -> memref<1x80x128xi32, #tpu.memory_space<hbm>>
    %dma_start3A_64 = tpu.memref_squeeze %dma_start3A_63 : memref<1x80x128xi32, #tpu.memory_space<hbm>> -> memref<80x128xi32, #tpu.memory_space<hbm>>
    %dma_start3A_65 = arith.constant 0 : i32
    %dma_start3A_66 = tpu.memref_slice %dma_start3A_64[%dma_start3A_46, %dma_start3A_65] : memref<80x128xi32, #tpu.memory_space<hbm>> -> memref<1x128xi32, #tpu.memory_space<hbm>>
    %dma_start3A_67 = tpu.memref_squeeze %dma_start3A_66 : memref<1x128xi32, #tpu.memory_space<hbm>> -> memref<128xi32, #tpu.memory_space<hbm>>
    tpu.enqueue_dma source(%dma_start3A_67 : memref<128xi32, #tpu.memory_space<hbm>>) target(%dma_start3A_60 : memref<128xi32, #tpu.memory_space<vmem>>) target_semaphore(%arg16 : memref<!tpu.dma_semaphore, #tpu.memory_space<semaphore_mem>>)
    %barrier3A = arith.constant 0 : index
    tpu.barrier barrier_id(%barrier3A)
    %dma_start3A_68 = arith.constant 0 : i32
    %dma_start3A_69 = arith.constant 0 : i32
    %dma_start3A_70 = tpu.memref_slice %arg8[%dma_start3A_68, %dma_start3A_69] : memref<80x128xi32, #tpu.memory_space<vmem>> -> memref<1x128xi32, #tpu.memory_space<vmem>>
    %dma_start3A_71 = tpu.memref_squeeze %dma_start3A_70 : memref<1x128xi32, #tpu.memory_space<vmem>> -> memref<128xi32, #tpu.memory_space<vmem>>
    %dma_start3A_72 = arith.constant 0 : i32
    %dma_start3A_73 = arith.constant 0 : i32
    %dma_start3A_74 = tpu.memref_slice %arg2[%dma_start3A_72, %dma_start3A_73] : memref<10240x128xf32, #tpu.memory_space<hbm>> -> memref<10240x128xf32, #tpu.memory_space<hbm>>
    tpu.enqueue_indirect_dma source(%dma_start3A_74 : memref<10240x128xf32, #tpu.memory_space<hbm>>) target(%arg10 : memref<128x128xf32, #tpu.memory_space<vmem>>) offsets(%dma_start3A_71 : memref<128xi32, #tpu.memory_space<vmem>>) semaphore(%arg12 : memref<!tpu.dma_semaphore, #tpu.memory_space<semaphore_mem>>)
    %scan3A = arith.constant 0 : i32
    %scan3A_75 = arith.constant 0 : i32
    %scan3A_76 = arith.constant 20 : i32
    %scan3A_77 = arith.addi %scan3A_75, %scan3A_76 : i32
    %scan3A_78 = arith.constant 1 : i32
    scf.for %scan3A_85 = %scan3A_75 to %scan3A_77 step %scan3A_78  : i32 {
      %mul3A_86 = arith.constant 4 : i32
      %mul3A_87 = arith.muli %scan3A_85, %mul3A_86 : i32
      %add3A_88 = arith.constant 0 : i32
      %add3A_89 = arith.addi %mul3A_87, %add3A_88 : i32
      %add3A_90 = arith.constant 1 : i32
      %add3A_91 = arith.addi %add3A_89, %add3A_90 : i32
      %lt3A = arith.constant 80 : i32
      %lt3A_92 = arith.cmpi slt, %add3A_91, %lt3A : i32
      %convert_element_type3A = arith.extui %lt3A_92 : i1 to i32
      %cond3A = arith.constant 0 : i32
      %cond3A_93 = arith.cmpi ne, %convert_element_type3A, %cond3A : i32
      scf.if %cond3A_93 {
        %add3A_272 = arith.constant 1 : i32
        %add3A_273 = arith.addi %add3A_89, %add3A_272 : i32
        %dma_start3A_274 = arith.constant 0 : i32
        %dma_start3A_275 = tpu.memref_slice %arg8[%add3A_273, %dma_start3A_274] : memref<80x128xi32, #tpu.memory_space<vmem>> -> memref<1x128xi32, #tpu.memory_space<vmem>>
        %dma_start3A_276 = tpu.memref_squeeze %dma_start3A_275 : memref<1x128xi32, #tpu.memory_space<vmem>> -> memref<128xi32, #tpu.memory_space<vmem>>
        %dma_start3A_277 = arith.constant 0 : i32
        %dma_start3A_278 = arith.constant 0 : i32
        %dma_start3A_279 = tpu.memref_slice %arg2[%dma_start3A_277, %dma_start3A_278] : memref<10240x128xf32, #tpu.memory_space<hbm>> -> memref<10240x128xf32, #tpu.memory_space<hbm>>
        tpu.enqueue_indirect_dma source(%dma_start3A_279 : memref<10240x128xf32, #tpu.memory_space<hbm>>) target(%arg11 : memref<128x128xf32, #tpu.memory_space<vmem>>) offsets(%dma_start3A_276 : memref<128xi32, #tpu.memory_space<vmem>>) semaphore(%arg13 : memref<!tpu.dma_semaphore, #tpu.memory_space<semaphore_mem>>)
      } else {
      }
      %dma_wait3A = arith.constant 0 : i32
      %dma_wait3A_94 = arith.constant 0 : i32
      %dma_wait3A_95 = tpu.memref_slice %arg9[%dma_wait3A, %dma_wait3A_94] : memref<4x128xi32, #tpu.memory_space<vmem>> -> memref<1x128xi32, #tpu.memory_space<vmem>>
      %dma_wait3A_96 = tpu.memref_squeeze %dma_wait3A_95 : memref<1x128xi32, #tpu.memory_space<vmem>> -> memref<128xi32, #tpu.memory_space<vmem>>
      %dma_wait3A_97 = arith.constant 0 : i32
      %dma_wait3A_98 = arith.constant 0 : i32
      %dma_wait3A_99 = tpu.memref_slice %arg4[%add3A, %dma_wait3A_97, %dma_wait3A_98] : memref<32x80x128xi32, #tpu.memory_space<hbm>> -> memref<1x80x128xi32, #tpu.memory_space<hbm>>
      %dma_wait3A_100 = tpu.memref_squeeze %dma_wait3A_99 : memref<1x80x128xi32, #tpu.memory_space<hbm>> -> memref<80x128xi32, #tpu.memory_space<hbm>>
      %dma_wait3A_101 = arith.constant 0 : i32
      %dma_wait3A_102 = tpu.memref_slice %dma_wait3A_100[%add3A_89, %dma_wait3A_101] : memref<80x128xi32, #tpu.memory_space<hbm>> -> memref<1x128xi32, #tpu.memory_space<hbm>>
      %dma_wait3A_103 = tpu.memref_squeeze %dma_wait3A_102 : memref<1x128xi32, #tpu.memory_space<hbm>> -> memref<128xi32, #tpu.memory_space<hbm>>
      %dma_wait3A_104 = arith.constant 0 : i32
      %dma_wait3A_105 = tpu.memref_slice %arg9[%dma_wait3A, %dma_wait3A_104] : memref<4x128xi32, #tpu.memory_space<vmem>> -> memref<1x128xi32, #tpu.memory_space<vmem>>
      %dma_wait3A_106 = tpu.memref_squeeze %dma_wait3A_105 : memref<1x128xi32, #tpu.memory_space<vmem>> -> memref<128xi32, #tpu.memory_space<vmem>>
      %dma_wait3A_107 = arith.constant 0 : i32
      %dma_wait3A_108 = arith.constant 0 : i32
      %dma_wait3A_109 = tpu.memref_slice %arg4[%add3A, %dma_wait3A_107, %dma_wait3A_108] : memref<32x80x128xi32, #tpu.memory_space<hbm>> -> memref<1x80x128xi32, #tpu.memory_space<hbm>>
      %dma_wait3A_110 = tpu.memref_squeeze %dma_wait3A_109 : memref<1x80x128xi32, #tpu.memory_space<hbm>> -> memref<80x128xi32, #tpu.memory_space<hbm>>
      %dma_wait3A_111 = arith.constant 0 : i32
      %dma_wait3A_112 = tpu.memref_slice %dma_wait3A_110[%add3A_89, %dma_wait3A_111] : memref<80x128xi32, #tpu.memory_space<hbm>> -> memref<1x128xi32, #tpu.memory_space<hbm>>
      %dma_wait3A_113 = tpu.memref_squeeze %dma_wait3A_112 : memref<1x128xi32, #tpu.memory_space<hbm>> -> memref<128xi32, #tpu.memory_space<hbm>>
      tpu.wait_dma2 semaphore(%arg14 : memref<!tpu.dma_semaphore, #tpu.memory_space<semaphore_mem>>) src(%dma_wait3A_113 : memref<128xi32, #tpu.memory_space<hbm>>) dst(%dma_wait3A_106 : memref<128xi32, #tpu.memory_space<vmem>>)
      %dma_wait3A_114 = arith.constant 0 : i32
      %dma_wait3A_115 = tpu.memref_slice %arg8[%add3A_89, %dma_wait3A_114] : memref<80x128xi32, #tpu.memory_space<vmem>> -> memref<1x128xi32, #tpu.memory_space<vmem>>
      %dma_wait3A_116 = tpu.memref_squeeze %dma_wait3A_115 : memref<1x128xi32, #tpu.memory_space<vmem>> -> memref<128xi32, #tpu.memory_space<vmem>>
      %dma_wait3A_117 = arith.constant 0 : i32
      %dma_wait3A_118 = arith.constant 0 : i32
      %dma_wait3A_119 = tpu.memref_slice %arg2[%dma_wait3A_117, %dma_wait3A_118] : memref<10240x128xf32, #tpu.memory_space<hbm>> -> memref<10240x128xf32, #tpu.memory_space<hbm>>
      tpu.wait_indirect_dma semaphore(%arg12 : memref<!tpu.dma_semaphore, #tpu.memory_space<semaphore_mem>>) src(%dma_wait3A_119 : memref<10240x128xf32, #tpu.memory_space<hbm>>) dst(%arg10 : memref<128x128xf32, #tpu.memory_space<vmem>>)
      %run_scoped3A = arith.constant 0 : i32
      "tpu.region"() ({
        %run_scoped3A_272 = tpu.sem_alloc : memref<!tpu.dma_semaphore, #tpu.memory_space<semaphore_mem>>
        %dma_start3A_273 = arith.constant 0 : i32
        %dma_start3A_274 = tpu.memref_slice %arg9[%run_scoped3A, %dma_start3A_273] : memref<4x128xi32, #tpu.memory_space<vmem>> -> memref<1x128xi32, #tpu.memory_space<vmem>>
        %dma_start3A_275 = tpu.memref_squeeze %dma_start3A_274 : memref<1x128xi32, #tpu.memory_space<vmem>> -> memref<128xi32, #tpu.memory_space<vmem>>
        %dma_start3A_276 = arith.constant 0 : i32
        %dma_start3A_277 = arith.constant 0 : i32
        %dma_start3A_278 = tpu.memref_slice %arg7[%dma_start3A_276, %dma_start3A_277] : memref<10240x128xf32, #tpu.memory_space<vmem_shared>> -> memref<10240x128xf32, #tpu.memory_space<vmem_shared>>
        tpu.enqueue_indirect_dma source(%arg10 : memref<128x128xf32, #tpu.memory_space<vmem>>) target(%dma_start3A_278 : memref<10240x128xf32, #tpu.memory_space<vmem_shared>>) offsets(%dma_start3A_275 : memref<128xi32, #tpu.memory_space<vmem>>) semaphore(%run_scoped3A_272 : memref<!tpu.dma_semaphore, #tpu.memory_space<semaphore_mem>>) {add = true}
        %dma_wait3A_279 = arith.constant 0 : i32
        %dma_wait3A_280 = tpu.memref_slice %arg9[%run_scoped3A, %dma_wait3A_279] : memref<4x128xi32, #tpu.memory_space<vmem>> -> memref<1x128xi32, #tpu.memory_space<vmem>>
        %dma_wait3A_281 = tpu.memref_squeeze %dma_wait3A_280 : memref<1x128xi32, #tpu.memory_space<vmem>> -> memref<128xi32, #tpu.memory_space<vmem>>
        %dma_wait3A_282 = arith.constant 0 : i32
        %dma_wait3A_283 = arith.constant 0 : i32
        %dma_wait3A_284 = tpu.memref_slice %arg7[%dma_wait3A_282, %dma_wait3A_283] : memref<10240x128xf32, #tpu.memory_space<vmem_shared>> -> memref<10240x128xf32, #tpu.memory_space<vmem_shared>>
        tpu.wait_indirect_dma semaphore(%run_scoped3A_272 : memref<!tpu.dma_semaphore, #tpu.memory_space<semaphore_mem>>) src(%arg10 : memref<128x128xf32, #tpu.memory_space<vmem>>) dst(%dma_wait3A_284 : memref<10240x128xf32, #tpu.memory_space<vmem_shared>>)
        tpu.yield
      }) : () -> ()
      %add3A_120 = arith.constant 4 : i32
      %add3A_121 = arith.addi %add3A_89, %add3A_120 : i32
      %sub3A = arith.constant 1 : i32
      %sub3A_122 = arith.subi %add3A_121, %sub3A : i32
      %lt3A_123 = arith.constant 80 : i32
      %lt3A_124 = arith.cmpi slt, %sub3A_122, %lt3A_123 : i32
      %convert_element_type3A_125 = arith.extui %lt3A_124 : i1 to i32
      %cond3A_126 = arith.constant 0 : i32
      %cond3A_127 = arith.cmpi ne, %convert_element_type3A_125, %cond3A_126 : i32
      scf.if %cond3A_127 {
        %add3A_272 = arith.constant 4 : i32
        %add3A_273 = arith.addi %add3A_89, %add3A_272 : i32
        %sub3A_274 = arith.constant 1 : i32
        %sub3A_275 = arith.subi %add3A_273, %sub3A_274 : i32
        %dma_start3A_276 = arith.constant 3 : i32
        %dma_start3A_277 = arith.constant 0 : i32
        %dma_start3A_278 = tpu.memref_slice %arg9[%dma_start3A_276, %dma_start3A_277] : memref<4x128xi32, #tpu.memory_space<vmem>> -> memref<1x128xi32, #tpu.memory_space<vmem>>
        %dma_start3A_279 = tpu.memref_squeeze %dma_start3A_278 : memref<1x128xi32, #tpu.memory_space<vmem>> -> memref<128xi32, #tpu.memory_space<vmem>>
        %dma_start3A_280 = arith.constant 0 : i32
        %dma_start3A_281 = arith.constant 0 : i32
        %dma_start3A_282 = tpu.memref_slice %arg4[%add3A, %dma_start3A_280, %dma_start3A_281] : memref<32x80x128xi32, #tpu.memory_space<hbm>> -> memref<1x80x128xi32, #tpu.memory_space<hbm>>
        %dma_start3A_283 = tpu.memref_squeeze %dma_start3A_282 : memref<1x80x128xi32, #tpu.memory_space<hbm>> -> memref<80x128xi32, #tpu.memory_space<hbm>>
        %dma_start3A_284 = arith.constant 0 : i32
        %dma_start3A_285 = tpu.memref_slice %dma_start3A_283[%sub3A_275, %dma_start3A_284] : memref<80x128xi32, #tpu.memory_space<hbm>> -> memref<1x128xi32, #tpu.memory_space<hbm>>
        %dma_start3A_286 = tpu.memref_squeeze %dma_start3A_285 : memref<1x128xi32, #tpu.memory_space<hbm>> -> memref<128xi32, #tpu.memory_space<hbm>>
        %dma_start3A_287 = arith.constant 0 : i32
        %dma_start3A_288 = tpu.memref_slice %arg9[%dma_start3A_276, %dma_start3A_287] : memref<4x128xi32, #tpu.memory_space<vmem>> -> memref<1x128xi32, #tpu.memory_space<vmem>>
        %dma_start3A_289 = tpu.memref_squeeze %dma_start3A_288 : memref<1x128xi32, #tpu.memory_space<vmem>> -> memref<128xi32, #tpu.memory_space<vmem>>
        %dma_start3A_290 = arith.constant 0 : i32
        %dma_start3A_291 = arith.constant 0 : i32
        %dma_start3A_292 = tpu.memref_slice %arg4[%add3A, %dma_start3A_290, %dma_start3A_291] : memref<32x80x128xi32, #tpu.memory_space<hbm>> -> memref<1x80x128xi32, #tpu.memory_space<hbm>>
        %dma_start3A_293 = tpu.memref_squeeze %dma_start3A_292 : memref<1x80x128xi32, #tpu.memory_space<hbm>> -> memref<80x128xi32, #tpu.memory_space<hbm>>
        %dma_start3A_294 = arith.constant 0 : i32
        %dma_start3A_295 = tpu.memref_slice %dma_start3A_293[%sub3A_275, %dma_start3A_294] : memref<80x128xi32, #tpu.memory_space<hbm>> -> memref<1x128xi32, #tpu.memory_space<hbm>>
        %dma_start3A_296 = tpu.memref_squeeze %dma_start3A_295 : memref<1x128xi32, #tpu.memory_space<hbm>> -> memref<128xi32, #tpu.memory_space<hbm>>
        tpu.enqueue_dma source(%dma_start3A_296 : memref<128xi32, #tpu.memory_space<hbm>>) target(%dma_start3A_289 : memref<128xi32, #tpu.memory_space<vmem>>) target_semaphore(%arg17 : memref<!tpu.dma_semaphore, #tpu.memory_space<semaphore_mem>>)
      } else {
      }
      %mul3A_128 = arith.constant 4 : i32
      %mul3A_129 = arith.muli %scan3A_85, %mul3A_128 : i32
      %add3A_130 = arith.constant 1 : i32
      %add3A_131 = arith.addi %mul3A_129, %add3A_130 : i32
      %add3A_132 = arith.constant 1 : i32
      %add3A_133 = arith.addi %add3A_131, %add3A_132 : i32
      %lt3A_134 = arith.constant 80 : i32
      %lt3A_135 = arith.cmpi slt, %add3A_133, %lt3A_134 : i32
      %convert_element_type3A_136 = arith.extui %lt3A_135 : i1 to i32
      %cond3A_137 = arith.constant 0 : i32
      %cond3A_138 = arith.cmpi ne, %convert_element_type3A_136, %cond3A_137 : i32
      scf.if %cond3A_138 {
        %add3A_272 = arith.constant 1 : i32
        %add3A_273 = arith.addi %add3A_131, %add3A_272 : i32
        %dma_start3A_274 = arith.constant 0 : i32
        %dma_start3A_275 = tpu.memref_slice %arg8[%add3A_273, %dma_start3A_274] : memref<80x128xi32, #tpu.memory_space<vmem>> -> memref<1x128xi32, #tpu.memory_space<vmem>>
        %dma_start3A_276 = tpu.memref_squeeze %dma_start3A_275 : memref<1x128xi32, #tpu.memory_space<vmem>> -> memref<128xi32, #tpu.memory_space<vmem>>
        %dma_start3A_277 = arith.constant 0 : i32
        %dma_start3A_278 = arith.constant 0 : i32
        %dma_start3A_279 = tpu.memref_slice %arg2[%dma_start3A_277, %dma_start3A_278] : memref<10240x128xf32, #tpu.memory_space<hbm>> -> memref<10240x128xf32, #tpu.memory_space<hbm>>
        tpu.enqueue_indirect_dma source(%dma_start3A_279 : memref<10240x128xf32, #tpu.memory_space<hbm>>) target(%arg10 : memref<128x128xf32, #tpu.memory_space<vmem>>) offsets(%dma_start3A_276 : memref<128xi32, #tpu.memory_space<vmem>>) semaphore(%arg12 : memref<!tpu.dma_semaphore, #tpu.memory_space<semaphore_mem>>)
      } else {
      }
      %dma_wait3A_139 = arith.constant 1 : i32
      %dma_wait3A_140 = arith.constant 0 : i32
      %dma_wait3A_141 = tpu.memref_slice %arg9[%dma_wait3A_139, %dma_wait3A_140] : memref<4x128xi32, #tpu.memory_space<vmem>> -> memref<1x128xi32, #tpu.memory_space<vmem>>
      %dma_wait3A_142 = tpu.memref_squeeze %dma_wait3A_141 : memref<1x128xi32, #tpu.memory_space<vmem>> -> memref<128xi32, #tpu.memory_space<vmem>>
      %dma_wait3A_143 = arith.constant 0 : i32
      %dma_wait3A_144 = arith.constant 0 : i32
      %dma_wait3A_145 = tpu.memref_slice %arg4[%add3A, %dma_wait3A_143, %dma_wait3A_144] : memref<32x80x128xi32, #tpu.memory_space<hbm>> -> memref<1x80x128xi32, #tpu.memory_space<hbm>>
      %dma_wait3A_146 = tpu.memref_squeeze %dma_wait3A_145 : memref<1x80x128xi32, #tpu.memory_space<hbm>> -> memref<80x128xi32, #tpu.memory_space<hbm>>
      %dma_wait3A_147 = arith.constant 0 : i32
      %dma_wait3A_148 = tpu.memref_slice %dma_wait3A_146[%add3A_131, %dma_wait3A_147] : memref<80x128xi32, #tpu.memory_space<hbm>> -> memref<1x128xi32, #tpu.memory_space<hbm>>
      %dma_wait3A_149 = tpu.memref_squeeze %dma_wait3A_148 : memref<1x128xi32, #tpu.memory_space<hbm>> -> memref<128xi32, #tpu.memory_space<hbm>>
      %dma_wait3A_150 = arith.constant 0 : i32
      %dma_wait3A_151 = tpu.memref_slice %arg9[%dma_wait3A_139, %dma_wait3A_150] : memref<4x128xi32, #tpu.memory_space<vmem>> -> memref<1x128xi32, #tpu.memory_space<vmem>>
      %dma_wait3A_152 = tpu.memref_squeeze %dma_wait3A_151 : memref<1x128xi32, #tpu.memory_space<vmem>> -> memref<128xi32, #tpu.memory_space<vmem>>
      %dma_wait3A_153 = arith.constant 0 : i32
      %dma_wait3A_154 = arith.constant 0 : i32
      %dma_wait3A_155 = tpu.memref_slice %arg4[%add3A, %dma_wait3A_153, %dma_wait3A_154] : memref<32x80x128xi32, #tpu.memory_space<hbm>> -> memref<1x80x128xi32, #tpu.memory_space<hbm>>
      %dma_wait3A_156 = tpu.memref_squeeze %dma_wait3A_155 : memref<1x80x128xi32, #tpu.memory_space<hbm>> -> memref<80x128xi32, #tpu.memory_space<hbm>>
      %dma_wait3A_157 = arith.constant 0 : i32
      %dma_wait3A_158 = tpu.memref_slice %dma_wait3A_156[%add3A_131, %dma_wait3A_157] : memref<80x128xi32, #tpu.memory_space<hbm>> -> memref<1x128xi32, #tpu.memory_space<hbm>>
      %dma_wait3A_159 = tpu.memref_squeeze %dma_wait3A_158 : memref<1x128xi32, #tpu.memory_space<hbm>> -> memref<128xi32, #tpu.memory_space<hbm>>
      tpu.wait_dma2 semaphore(%arg15 : memref<!tpu.dma_semaphore, #tpu.memory_space<semaphore_mem>>) src(%dma_wait3A_159 : memref<128xi32, #tpu.memory_space<hbm>>) dst(%dma_wait3A_152 : memref<128xi32, #tpu.memory_space<vmem>>)
      %dma_wait3A_160 = arith.constant 0 : i32
      %dma_wait3A_161 = tpu.memref_slice %arg8[%add3A_131, %dma_wait3A_160] : memref<80x128xi32, #tpu.memory_space<vmem>> -> memref<1x128xi32, #tpu.memory_space<vmem>>
      %dma_wait3A_162 = tpu.memref_squeeze %dma_wait3A_161 : memref<1x128xi32, #tpu.memory_space<vmem>> -> memref<128xi32, #tpu.memory_space<vmem>>
      %dma_wait3A_163 = arith.constant 0 : i32
      %dma_wait3A_164 = arith.constant 0 : i32
      %dma_wait3A_165 = tpu.memref_slice %arg2[%dma_wait3A_163, %dma_wait3A_164] : memref<10240x128xf32, #tpu.memory_space<hbm>> -> memref<10240x128xf32, #tpu.memory_space<hbm>>
      tpu.wait_indirect_dma semaphore(%arg13 : memref<!tpu.dma_semaphore, #tpu.memory_space<semaphore_mem>>) src(%dma_wait3A_165 : memref<10240x128xf32, #tpu.memory_space<hbm>>) dst(%arg11 : memref<128x128xf32, #tpu.memory_space<vmem>>)
      %run_scoped3A_166 = arith.constant 1 : i32
      "tpu.region"() ({
        %run_scoped3A_272 = tpu.sem_alloc : memref<!tpu.dma_semaphore, #tpu.memory_space<semaphore_mem>>
        %dma_start3A_273 = arith.constant 0 : i32
        %dma_start3A_274 = tpu.memref_slice %arg9[%run_scoped3A_166, %dma_start3A_273] : memref<4x128xi32, #tpu.memory_space<vmem>> -> memref<1x128xi32, #tpu.memory_space<vmem>>
        %dma_start3A_275 = tpu.memref_squeeze %dma_start3A_274 : memref<1x128xi32, #tpu.memory_space<vmem>> -> memref<128xi32, #tpu.memory_space<vmem>>
        %dma_start3A_276 = arith.constant 0 : i32
        %dma_start3A_277 = arith.constant 0 : i32
        %dma_start3A_278 = tpu.memref_slice %arg7[%dma_start3A_276, %dma_start3A_277] : memref<10240x128xf32, #tpu.memory_space<vmem_shared>> -> memref<10240x128xf32, #tpu.memory_space<vmem_shared>>
        tpu.enqueue_indirect_dma source(%arg11 : memref<128x128xf32, #tpu.memory_space<vmem>>) target(%dma_start3A_278 : memref<10240x128xf32, #tpu.memory_space<vmem_shared>>) offsets(%dma_start3A_275 : memref<128xi32, #tpu.memory_space<vmem>>) semaphore(%run_scoped3A_272 : memref<!tpu.dma_semaphore, #tpu.memory_space<semaphore_mem>>) {add = true}
        %dma_wait3A_279 = arith.constant 0 : i32
        %dma_wait3A_280 = tpu.memref_slice %arg9[%run_scoped3A_166, %dma_wait3A_279] : memref<4x128xi32, #tpu.memory_space<vmem>> -> memref<1x128xi32, #tpu.memory_space<vmem>>
        %dma_wait3A_281 = tpu.memref_squeeze %dma_wait3A_280 : memref<1x128xi32, #tpu.memory_space<vmem>> -> memref<128xi32, #tpu.memory_space<vmem>>
        %dma_wait3A_282 = arith.constant 0 : i32
        %dma_wait3A_283 = arith.constant 0 : i32
        %dma_wait3A_284 = tpu.memref_slice %arg7[%dma_wait3A_282, %dma_wait3A_283] : memref<10240x128xf32, #tpu.memory_space<vmem_shared>> -> memref<10240x128xf32, #tpu.memory_space<vmem_shared>>
        tpu.wait_indirect_dma semaphore(%run_scoped3A_272 : memref<!tpu.dma_semaphore, #tpu.memory_space<semaphore_mem>>) src(%arg11 : memref<128x128xf32, #tpu.memory_space<vmem>>) dst(%dma_wait3A_284 : memref<10240x128xf32, #tpu.memory_space<vmem_shared>>)
        tpu.yield
      }) : () -> ()
      %add3A_167 = arith.constant 4 : i32
      %add3A_168 = arith.addi %add3A_131, %add3A_167 : i32
      %sub3A_169 = arith.constant 1 : i32
      %sub3A_170 = arith.subi %add3A_168, %sub3A_169 : i32
      %lt3A_171 = arith.constant 80 : i32
      %lt3A_172 = arith.cmpi slt, %sub3A_170, %lt3A_171 : i32
      %convert_element_type3A_173 = arith.extui %lt3A_172 : i1 to i32
      %cond3A_174 = arith.constant 0 : i32
      %cond3A_175 = arith.cmpi ne, %convert_element_type3A_173, %cond3A_174 : i32
      scf.if %cond3A_175 {
        %add3A_272 = arith.constant 4 : i32
        %add3A_273 = arith.addi %add3A_131, %add3A_272 : i32
        %sub3A_274 = arith.constant 1 : i32
        %sub3A_275 = arith.subi %add3A_273, %sub3A_274 : i32
        %dma_start3A_276 = arith.constant 0 : i32
        %dma_start3A_277 = arith.constant 0 : i32
        %dma_start3A_278 = tpu.memref_slice %arg9[%dma_start3A_276, %dma_start3A_277] : memref<4x128xi32, #tpu.memory_space<vmem>> -> memref<1x128xi32, #tpu.memory_space<vmem>>
        %dma_start3A_279 = tpu.memref_squeeze %dma_start3A_278 : memref<1x128xi32, #tpu.memory_space<vmem>> -> memref<128xi32, #tpu.memory_space<vmem>>
        %dma_start3A_280 = arith.constant 0 : i32
        %dma_start3A_281 = arith.constant 0 : i32
        %dma_start3A_282 = tpu.memref_slice %arg4[%add3A, %dma_start3A_280, %dma_start3A_281] : memref<32x80x128xi32, #tpu.memory_space<hbm>> -> memref<1x80x128xi32, #tpu.memory_space<hbm>>
        %dma_start3A_283 = tpu.memref_squeeze %dma_start3A_282 : memref<1x80x128xi32, #tpu.memory_space<hbm>> -> memref<80x128xi32, #tpu.memory_space<hbm>>
        %dma_start3A_284 = arith.constant 0 : i32
        %dma_start3A_285 = tpu.memref_slice %dma_start3A_283[%sub3A_275, %dma_start3A_284] : memref<80x128xi32, #tpu.memory_space<hbm>> -> memref<1x128xi32, #tpu.memory_space<hbm>>
        %dma_start3A_286 = tpu.memref_squeeze %dma_start3A_285 : memref<1x128xi32, #tpu.memory_space<hbm>> -> memref<128xi32, #tpu.memory_space<hbm>>
        %dma_start3A_287 = arith.constant 0 : i32
        %dma_start3A_288 = tpu.memref_slice %arg9[%dma_start3A_276, %dma_start3A_287] : memref<4x128xi32, #tpu.memory_space<vmem>> -> memref<1x128xi32, #tpu.memory_space<vmem>>
        %dma_start3A_289 = tpu.memref_squeeze %dma_start3A_288 : memref<1x128xi32, #tpu.memory_space<vmem>> -> memref<128xi32, #tpu.memory_space<vmem>>
        %dma_start3A_290 = arith.constant 0 : i32
        %dma_start3A_291 = arith.constant 0 : i32
        %dma_start3A_292 = tpu.memref_slice %arg4[%add3A, %dma_start3A_290, %dma_start3A_291] : memref<32x80x128xi32, #tpu.memory_space<hbm>> -> memref<1x80x128xi32, #tpu.memory_space<hbm>>
        %dma_start3A_293 = tpu.memref_squeeze %dma_start3A_292 : memref<1x80x128xi32, #tpu.memory_space<hbm>> -> memref<80x128xi32, #tpu.memory_space<hbm>>
        %dma_start3A_294 = arith.constant 0 : i32
        %dma_start3A_295 = tpu.memref_slice %dma_start3A_293[%sub3A_275, %dma_start3A_294] : memref<80x128xi32, #tpu.memory_space<hbm>> -> memref<1x128xi32, #tpu.memory_space<hbm>>
        %dma_start3A_296 = tpu.memref_squeeze %dma_start3A_295 : memref<1x128xi32, #tpu.memory_space<hbm>> -> memref<128xi32, #tpu.memory_space<hbm>>
        tpu.enqueue_dma source(%dma_start3A_296 : memref<128xi32, #tpu.memory_space<hbm>>) target(%dma_start3A_289 : memref<128xi32, #tpu.memory_space<vmem>>) target_semaphore(%arg14 : memref<!tpu.dma_semaphore, #tpu.memory_space<semaphore_mem>>)
      } else {
      }
      %mul3A_176 = arith.constant 4 : i32
      %mul3A_177 = arith.muli %scan3A_85, %mul3A_176 : i32
      %add3A_178 = arith.constant 2 : i32
      %add3A_179 = arith.addi %mul3A_177, %add3A_178 : i32
      %add3A_180 = arith.constant 1 : i32
      %add3A_181 = arith.addi %add3A_179, %add3A_180 : i32
      %lt3A_182 = arith.constant 80 : i32
      %lt3A_183 = arith.cmpi slt, %add3A_181, %lt3A_182 : i32
      %convert_element_type3A_184 = arith.extui %lt3A_183 : i1 to i32
      %cond3A_185 = arith.constant 0 : i32
      %cond3A_186 = arith.cmpi ne, %convert_element_type3A_184, %cond3A_185 : i32
      scf.if %cond3A_186 {
        %add3A_272 = arith.constant 1 : i32
        %add3A_273 = arith.addi %add3A_179, %add3A_272 : i32
        %dma_start3A_274 = arith.constant 0 : i32
        %dma_start3A_275 = tpu.memref_slice %arg8[%add3A_273, %dma_start3A_274] : memref<80x128xi32, #tpu.memory_space<vmem>> -> memref<1x128xi32, #tpu.memory_space<vmem>>
        %dma_start3A_276 = tpu.memref_squeeze %dma_start3A_275 : memref<1x128xi32, #tpu.memory_space<vmem>> -> memref<128xi32, #tpu.memory_space<vmem>>
        %dma_start3A_277 = arith.constant 0 : i32
        %dma_start3A_278 = arith.constant 0 : i32
        %dma_start3A_279 = tpu.memref_slice %arg2[%dma_start3A_277, %dma_start3A_278] : memref<10240x128xf32, #tpu.memory_space<hbm>> -> memref<10240x128xf32, #tpu.memory_space<hbm>>
        tpu.enqueue_indirect_dma source(%dma_start3A_279 : memref<10240x128xf32, #tpu.memory_space<hbm>>) target(%arg11 : memref<128x128xf32, #tpu.memory_space<vmem>>) offsets(%dma_start3A_276 : memref<128xi32, #tpu.memory_space<vmem>>) semaphore(%arg13 : memref<!tpu.dma_semaphore, #tpu.memory_space<semaphore_mem>>)
      } else {
      }
      %dma_wait3A_187 = arith.constant 2 : i32
      %dma_wait3A_188 = arith.constant 0 : i32
      %dma_wait3A_189 = tpu.memref_slice %arg9[%dma_wait3A_187, %dma_wait3A_188] : memref<4x128xi32, #tpu.memory_space<vmem>> -> memref<1x128xi32, #tpu.memory_space<vmem>>
      %dma_wait3A_190 = tpu.memref_squeeze %dma_wait3A_189 : memref<1x128xi32, #tpu.memory_space<vmem>> -> memref<128xi32, #tpu.memory_space<vmem>>
      %dma_wait3A_191 = arith.constant 0 : i32
      %dma_wait3A_192 = arith.constant 0 : i32
      %dma_wait3A_193 = tpu.memref_slice %arg4[%add3A, %dma_wait3A_191, %dma_wait3A_192] : memref<32x80x128xi32, #tpu.memory_space<hbm>> -> memref<1x80x128xi32, #tpu.memory_space<hbm>>
      %dma_wait3A_194 = tpu.memref_squeeze %dma_wait3A_193 : memref<1x80x128xi32, #tpu.memory_space<hbm>> -> memref<80x128xi32, #tpu.memory_space<hbm>>
      %dma_wait3A_195 = arith.constant 0 : i32
      %dma_wait3A_196 = tpu.memref_slice %dma_wait3A_194[%add3A_179, %dma_wait3A_195] : memref<80x128xi32, #tpu.memory_space<hbm>> -> memref<1x128xi32, #tpu.memory_space<hbm>>
      %dma_wait3A_197 = tpu.memref_squeeze %dma_wait3A_196 : memref<1x128xi32, #tpu.memory_space<hbm>> -> memref<128xi32, #tpu.memory_space<hbm>>
      %dma_wait3A_198 = arith.constant 0 : i32
      %dma_wait3A_199 = tpu.memref_slice %arg9[%dma_wait3A_187, %dma_wait3A_198] : memref<4x128xi32, #tpu.memory_space<vmem>> -> memref<1x128xi32, #tpu.memory_space<vmem>>
      %dma_wait3A_200 = tpu.memref_squeeze %dma_wait3A_199 : memref<1x128xi32, #tpu.memory_space<vmem>> -> memref<128xi32, #tpu.memory_space<vmem>>
      %dma_wait3A_201 = arith.constant 0 : i32
      %dma_wait3A_202 = arith.constant 0 : i32
      %dma_wait3A_203 = tpu.memref_slice %arg4[%add3A, %dma_wait3A_201, %dma_wait3A_202] : memref<32x80x128xi32, #tpu.memory_space<hbm>> -> memref<1x80x128xi32, #tpu.memory_space<hbm>>
      %dma_wait3A_204 = tpu.memref_squeeze %dma_wait3A_203 : memref<1x80x128xi32, #tpu.memory_space<hbm>> -> memref<80x128xi32, #tpu.memory_space<hbm>>
      %dma_wait3A_205 = arith.constant 0 : i32
      %dma_wait3A_206 = tpu.memref_slice %dma_wait3A_204[%add3A_179, %dma_wait3A_205] : memref<80x128xi32, #tpu.memory_space<hbm>> -> memref<1x128xi32, #tpu.memory_space<hbm>>
      %dma_wait3A_207 = tpu.memref_squeeze %dma_wait3A_206 : memref<1x128xi32, #tpu.memory_space<hbm>> -> memref<128xi32, #tpu.memory_space<hbm>>
      tpu.wait_dma2 semaphore(%arg16 : memref<!tpu.dma_semaphore, #tpu.memory_space<semaphore_mem>>) src(%dma_wait3A_207 : memref<128xi32, #tpu.memory_space<hbm>>) dst(%dma_wait3A_200 : memref<128xi32, #tpu.memory_space<vmem>>)
      %dma_wait3A_208 = arith.constant 0 : i32
      %dma_wait3A_209 = tpu.memref_slice %arg8[%add3A_179, %dma_wait3A_208] : memref<80x128xi32, #tpu.memory_space<vmem>> -> memref<1x128xi32, #tpu.memory_space<vmem>>
      %dma_wait3A_210 = tpu.memref_squeeze %dma_wait3A_209 : memref<1x128xi32, #tpu.memory_space<vmem>> -> memref<128xi32, #tpu.memory_space<vmem>>
      %dma_wait3A_211 = arith.constant 0 : i32
      %dma_wait3A_212 = arith.constant 0 : i32
      %dma_wait3A_213 = tpu.memref_slice %arg2[%dma_wait3A_211, %dma_wait3A_212] : memref<10240x128xf32, #tpu.memory_space<hbm>> -> memref<10240x128xf32, #tpu.memory_space<hbm>>
      tpu.wait_indirect_dma semaphore(%arg12 : memref<!tpu.dma_semaphore, #tpu.memory_space<semaphore_mem>>) src(%dma_wait3A_213 : memref<10240x128xf32, #tpu.memory_space<hbm>>) dst(%arg10 : memref<128x128xf32, #tpu.memory_space<vmem>>)
      %run_scoped3A_214 = arith.constant 2 : i32
      "tpu.region"() ({
        %run_scoped3A_272 = tpu.sem_alloc : memref<!tpu.dma_semaphore, #tpu.memory_space<semaphore_mem>>
        %dma_start3A_273 = arith.constant 0 : i32
        %dma_start3A_274 = tpu.memref_slice %arg9[%run_scoped3A_214, %dma_start3A_273] : memref<4x128xi32, #tpu.memory_space<vmem>> -> memref<1x128xi32, #tpu.memory_space<vmem>>
        %dma_start3A_275 = tpu.memref_squeeze %dma_start3A_274 : memref<1x128xi32, #tpu.memory_space<vmem>> -> memref<128xi32, #tpu.memory_space<vmem>>
        %dma_start3A_276 = arith.constant 0 : i32
        %dma_start3A_277 = arith.constant 0 : i32
        %dma_start3A_278 = tpu.memref_slice %arg7[%dma_start3A_276, %dma_start3A_277] : memref<10240x128xf32, #tpu.memory_space<vmem_shared>> -> memref<10240x128xf32, #tpu.memory_space<vmem_shared>>
        tpu.enqueue_indirect_dma source(%arg10 : memref<128x128xf32, #tpu.memory_space<vmem>>) target(%dma_start3A_278 : memref<10240x128xf32, #tpu.memory_space<vmem_shared>>) offsets(%dma_start3A_275 : memref<128xi32, #tpu.memory_space<vmem>>) semaphore(%run_scoped3A_272 : memref<!tpu.dma_semaphore, #tpu.memory_space<semaphore_mem>>) {add = true}
        %dma_wait3A_279 = arith.constant 0 : i32
        %dma_wait3A_280 = tpu.memref_slice %arg9[%run_scoped3A_214, %dma_wait3A_279] : memref<4x128xi32, #tpu.memory_space<vmem>> -> memref<1x128xi32, #tpu.memory_space<vmem>>
        %dma_wait3A_281 = tpu.memref_squeeze %dma_wait3A_280 : memref<1x128xi32, #tpu.memory_space<vmem>> -> memref<128xi32, #tpu.memory_space<vmem>>
        %dma_wait3A_282 = arith.constant 0 : i32
        %dma_wait3A_283 = arith.constant 0 : i32
        %dma_wait3A_284 = tpu.memref_slice %arg7[%dma_wait3A_282, %dma_wait3A_283] : memref<10240x128xf32, #tpu.memory_space<vmem_shared>> -> memref<10240x128xf32, #tpu.memory_space<vmem_shared>>
        tpu.wait_indirect_dma semaphore(%run_scoped3A_272 : memref<!tpu.dma_semaphore, #tpu.memory_space<semaphore_mem>>) src(%arg10 : memref<128x128xf32, #tpu.memory_space<vmem>>) dst(%dma_wait3A_284 : memref<10240x128xf32, #tpu.memory_space<vmem_shared>>)
        tpu.yield
      }) : () -> ()
      %add3A_215 = arith.constant 4 : i32
      %add3A_216 = arith.addi %add3A_179, %add3A_215 : i32
      %sub3A_217 = arith.constant 1 : i32
      %sub3A_218 = arith.subi %add3A_216, %sub3A_217 : i32
      %lt3A_219 = arith.constant 80 : i32
      %lt3A_220 = arith.cmpi slt, %sub3A_218, %lt3A_219 : i32
      %convert_element_type3A_221 = arith.extui %lt3A_220 : i1 to i32
      %cond3A_222 = arith.constant 0 : i32
      %cond3A_223 = arith.cmpi ne, %convert_element_type3A_221, %cond3A_222 : i32
      scf.if %cond3A_223 {
        %add3A_272 = arith.constant 4 : i32
        %add3A_273 = arith.addi %add3A_179, %add3A_272 : i32
        %sub3A_274 = arith.constant 1 : i32
        %sub3A_275 = arith.subi %add3A_273, %sub3A_274 : i32
        %dma_start3A_276 = arith.constant 1 : i32
        %dma_start3A_277 = arith.constant 0 : i32
        %dma_start3A_278 = tpu.memref_slice %arg9[%dma_start3A_276, %dma_start3A_277] : memref<4x128xi32, #tpu.memory_space<vmem>> -> memref<1x128xi32, #tpu.memory_space<vmem>>
        %dma_start3A_279 = tpu.memref_squeeze %dma_start3A_278 : memref<1x128xi32, #tpu.memory_space<vmem>> -> memref<128xi32, #tpu.memory_space<vmem>>
        %dma_start3A_280 = arith.constant 0 : i32
        %dma_start3A_281 = arith.constant 0 : i32
        %dma_start3A_282 = tpu.memref_slice %arg4[%add3A, %dma_start3A_280, %dma_start3A_281] : memref<32x80x128xi32, #tpu.memory_space<hbm>> -> memref<1x80x128xi32, #tpu.memory_space<hbm>>
        %dma_start3A_283 = tpu.memref_squeeze %dma_start3A_282 : memref<1x80x128xi32, #tpu.memory_space<hbm>> -> memref<80x128xi32, #tpu.memory_space<hbm>>
        %dma_start3A_284 = arith.constant 0 : i32
        %dma_start3A_285 = tpu.memref_slice %dma_start3A_283[%sub3A_275, %dma_start3A_284] : memref<80x128xi32, #tpu.memory_space<hbm>> -> memref<1x128xi32, #tpu.memory_space<hbm>>
        %dma_start3A_286 = tpu.memref_squeeze %dma_start3A_285 : memref<1x128xi32, #tpu.memory_space<hbm>> -> memref<128xi32, #tpu.memory_space<hbm>>
        %dma_start3A_287 = arith.constant 0 : i32
        %dma_start3A_288 = tpu.memref_slice %arg9[%dma_start3A_276, %dma_start3A_287] : memref<4x128xi32, #tpu.memory_space<vmem>> -> memref<1x128xi32, #tpu.memory_space<vmem>>
        %dma_start3A_289 = tpu.memref_squeeze %dma_start3A_288 : memref<1x128xi32, #tpu.memory_space<vmem>> -> memref<128xi32, #tpu.memory_space<vmem>>
        %dma_start3A_290 = arith.constant 0 : i32
        %dma_start3A_291 = arith.constant 0 : i32
        %dma_start3A_292 = tpu.memref_slice %arg4[%add3A, %dma_start3A_290, %dma_start3A_291] : memref<32x80x128xi32, #tpu.memory_space<hbm>> -> memref<1x80x128xi32, #tpu.memory_space<hbm>>
        %dma_start3A_293 = tpu.memref_squeeze %dma_start3A_292 : memref<1x80x128xi32, #tpu.memory_space<hbm>> -> memref<80x128xi32, #tpu.memory_space<hbm>>
        %dma_start3A_294 = arith.constant 0 : i32
        %dma_start3A_295 = tpu.memref_slice %dma_start3A_293[%sub3A_275, %dma_start3A_294] : memref<80x128xi32, #tpu.memory_space<hbm>> -> memref<1x128xi32, #tpu.memory_space<hbm>>
        %dma_start3A_296 = tpu.memref_squeeze %dma_start3A_295 : memref<1x128xi32, #tpu.memory_space<hbm>> -> memref<128xi32, #tpu.memory_space<hbm>>
        tpu.enqueue_dma source(%dma_start3A_296 : memref<128xi32, #tpu.memory_space<hbm>>) target(%dma_start3A_289 : memref<128xi32, #tpu.memory_space<vmem>>) target_semaphore(%arg15 : memref<!tpu.dma_semaphore, #tpu.memory_space<semaphore_mem>>)
      } else {
      }
      %mul3A_224 = arith.constant 4 : i32
      %mul3A_225 = arith.muli %scan3A_85, %mul3A_224 : i32
      %add3A_226 = arith.constant 3 : i32
      %add3A_227 = arith.addi %mul3A_225, %add3A_226 : i32
      %add3A_228 = arith.constant 1 : i32
      %add3A_229 = arith.addi %add3A_227, %add3A_228 : i32
      %lt3A_230 = arith.constant 80 : i32
      %lt3A_231 = arith.cmpi slt, %add3A_229, %lt3A_230 : i32
      %convert_element_type3A_232 = arith.extui %lt3A_231 : i1 to i32
      %cond3A_233 = arith.constant 0 : i32
      %cond3A_234 = arith.cmpi ne, %convert_element_type3A_232, %cond3A_233 : i32
      scf.if %cond3A_234 {
        %add3A_272 = arith.constant 1 : i32
        %add3A_273 = arith.addi %add3A_227, %add3A_272 : i32
        %dma_start3A_274 = arith.constant 0 : i32
        %dma_start3A_275 = tpu.memref_slice %arg8[%add3A_273, %dma_start3A_274] : memref<80x128xi32, #tpu.memory_space<vmem>> -> memref<1x128xi32, #tpu.memory_space<vmem>>
        %dma_start3A_276 = tpu.memref_squeeze %dma_start3A_275 : memref<1x128xi32, #tpu.memory_space<vmem>> -> memref<128xi32, #tpu.memory_space<vmem>>
        %dma_start3A_277 = arith.constant 0 : i32
        %dma_start3A_278 = arith.constant 0 : i32
        %dma_start3A_279 = tpu.memref_slice %arg2[%dma_start3A_277, %dma_start3A_278] : memref<10240x128xf32, #tpu.memory_space<hbm>> -> memref<10240x128xf32, #tpu.memory_space<hbm>>
        tpu.enqueue_indirect_dma source(%dma_start3A_279 : memref<10240x128xf32, #tpu.memory_space<hbm>>) target(%arg10 : memref<128x128xf32, #tpu.memory_space<vmem>>) offsets(%dma_start3A_276 : memref<128xi32, #tpu.memory_space<vmem>>) semaphore(%arg12 : memref<!tpu.dma_semaphore, #tpu.memory_space<semaphore_mem>>)
      } else {
      }
      %dma_wait3A_235 = arith.constant 3 : i32
      %dma_wait3A_236 = arith.constant 0 : i32
      %dma_wait3A_237 = tpu.memref_slice %arg9[%dma_wait3A_235, %dma_wait3A_236] : memref<4x128xi32, #tpu.memory_space<vmem>> -> memref<1x128xi32, #tpu.memory_space<vmem>>
      %dma_wait3A_238 = tpu.memref_squeeze %dma_wait3A_237 : memref<1x128xi32, #tpu.memory_space<vmem>> -> memref<128xi32, #tpu.memory_space<vmem>>
      %dma_wait3A_239 = arith.constant 0 : i32
      %dma_wait3A_240 = arith.constant 0 : i32
      %dma_wait3A_241 = tpu.memref_slice %arg4[%add3A, %dma_wait3A_239, %dma_wait3A_240] : memref<32x80x128xi32, #tpu.memory_space<hbm>> -> memref<1x80x128xi32, #tpu.memory_space<hbm>>
      %dma_wait3A_242 = tpu.memref_squeeze %dma_wait3A_241 : memref<1x80x128xi32, #tpu.memory_space<hbm>> -> memref<80x128xi32, #tpu.memory_space<hbm>>
      %dma_wait3A_243 = arith.constant 0 : i32
      %dma_wait3A_244 = tpu.memref_slice %dma_wait3A_242[%add3A_227, %dma_wait3A_243] : memref<80x128xi32, #tpu.memory_space<hbm>> -> memref<1x128xi32, #tpu.memory_space<hbm>>
      %dma_wait3A_245 = tpu.memref_squeeze %dma_wait3A_244 : memref<1x128xi32, #tpu.memory_space<hbm>> -> memref<128xi32, #tpu.memory_space<hbm>>
      %dma_wait3A_246 = arith.constant 0 : i32
      %dma_wait3A_247 = tpu.memref_slice %arg9[%dma_wait3A_235, %dma_wait3A_246] : memref<4x128xi32, #tpu.memory_space<vmem>> -> memref<1x128xi32, #tpu.memory_space<vmem>>
      %dma_wait3A_248 = tpu.memref_squeeze %dma_wait3A_247 : memref<1x128xi32, #tpu.memory_space<vmem>> -> memref<128xi32, #tpu.memory_space<vmem>>
      %dma_wait3A_249 = arith.constant 0 : i32
      %dma_wait3A_250 = arith.constant 0 : i32
      %dma_wait3A_251 = tpu.memref_slice %arg4[%add3A, %dma_wait3A_249, %dma_wait3A_250] : memref<32x80x128xi32, #tpu.memory_space<hbm>> -> memref<1x80x128xi32, #tpu.memory_space<hbm>>
      %dma_wait3A_252 = tpu.memref_squeeze %dma_wait3A_251 : memref<1x80x128xi32, #tpu.memory_space<hbm>> -> memref<80x128xi32, #tpu.memory_space<hbm>>
      %dma_wait3A_253 = arith.constant 0 : i32
      %dma_wait3A_254 = tpu.memref_slice %dma_wait3A_252[%add3A_227, %dma_wait3A_253] : memref<80x128xi32, #tpu.memory_space<hbm>> -> memref<1x128xi32, #tpu.memory_space<hbm>>
      %dma_wait3A_255 = tpu.memref_squeeze %dma_wait3A_254 : memref<1x128xi32, #tpu.memory_space<hbm>> -> memref<128xi32, #tpu.memory_space<hbm>>
      tpu.wait_dma2 semaphore(%arg17 : memref<!tpu.dma_semaphore, #tpu.memory_space<semaphore_mem>>) src(%dma_wait3A_255 : memref<128xi32, #tpu.memory_space<hbm>>) dst(%dma_wait3A_248 : memref<128xi32, #tpu.memory_space<vmem>>)
      %dma_wait3A_256 = arith.constant 0 : i32
      %dma_wait3A_257 = tpu.memref_slice %arg8[%add3A_227, %dma_wait3A_256] : memref<80x128xi32, #tpu.memory_space<vmem>> -> memref<1x128xi32, #tpu.memory_space<vmem>>
      %dma_wait3A_258 = tpu.memref_squeeze %dma_wait3A_257 : memref<1x128xi32, #tpu.memory_space<vmem>> -> memref<128xi32, #tpu.memory_space<vmem>>
      %dma_wait3A_259 = arith.constant 0 : i32
      %dma_wait3A_260 = arith.constant 0 : i32
      %dma_wait3A_261 = tpu.memref_slice %arg2[%dma_wait3A_259, %dma_wait3A_260] : memref<10240x128xf32, #tpu.memory_space<hbm>> -> memref<10240x128xf32, #tpu.memory_space<hbm>>
      tpu.wait_indirect_dma semaphore(%arg13 : memref<!tpu.dma_semaphore, #tpu.memory_space<semaphore_mem>>) src(%dma_wait3A_261 : memref<10240x128xf32, #tpu.memory_space<hbm>>) dst(%arg11 : memref<128x128xf32, #tpu.memory_space<vmem>>)
      %run_scoped3A_262 = arith.constant 3 : i32
      "tpu.region"() ({
        %run_scoped3A_272 = tpu.sem_alloc : memref<!tpu.dma_semaphore, #tpu.memory_space<semaphore_mem>>
        %dma_start3A_273 = arith.constant 0 : i32
        %dma_start3A_274 = tpu.memref_slice %arg9[%run_scoped3A_262, %dma_start3A_273] : memref<4x128xi32, #tpu.memory_space<vmem>> -> memref<1x128xi32, #tpu.memory_space<vmem>>
        %dma_start3A_275 = tpu.memref_squeeze %dma_start3A_274 : memref<1x128xi32, #tpu.memory_space<vmem>> -> memref<128xi32, #tpu.memory_space<vmem>>
        %dma_start3A_276 = arith.constant 0 : i32
        %dma_start3A_277 = arith.constant 0 : i32
        %dma_start3A_278 = tpu.memref_slice %arg7[%dma_start3A_276, %dma_start3A_277] : memref<10240x128xf32, #tpu.memory_space<vmem_shared>> -> memref<10240x128xf32, #tpu.memory_space<vmem_shared>>
        tpu.enqueue_indirect_dma source(%arg11 : memref<128x128xf32, #tpu.memory_space<vmem>>) target(%dma_start3A_278 : memref<10240x128xf32, #tpu.memory_space<vmem_shared>>) offsets(%dma_start3A_275 : memref<128xi32, #tpu.memory_space<vmem>>) semaphore(%run_scoped3A_272 : memref<!tpu.dma_semaphore, #tpu.memory_space<semaphore_mem>>) {add = true}
        %dma_wait3A_279 = arith.constant 0 : i32
        %dma_wait3A_280 = tpu.memref_slice %arg9[%run_scoped3A_262, %dma_wait3A_279] : memref<4x128xi32, #tpu.memory_space<vmem>> -> memref<1x128xi32, #tpu.memory_space<vmem>>
        %dma_wait3A_281 = tpu.memref_squeeze %dma_wait3A_280 : memref<1x128xi32, #tpu.memory_space<vmem>> -> memref<128xi32, #tpu.memory_space<vmem>>
        %dma_wait3A_282 = arith.constant 0 : i32
        %dma_wait3A_283 = arith.constant 0 : i32
        %dma_wait3A_284 = tpu.memref_slice %arg7[%dma_wait3A_282, %dma_wait3A_283] : memref<10240x128xf32, #tpu.memory_space<vmem_shared>> -> memref<10240x128xf32, #tpu.memory_space<vmem_shared>>
        tpu.wait_indirect_dma semaphore(%run_scoped3A_272 : memref<!tpu.dma_semaphore, #tpu.memory_space<semaphore_mem>>) src(%arg11 : memref<128x128xf32, #tpu.memory_space<vmem>>) dst(%dma_wait3A_284 : memref<10240x128xf32, #tpu.memory_space<vmem_shared>>)
        tpu.yield
      }) : () -> ()
      %add3A_263 = arith.constant 4 : i32
      %add3A_264 = arith.addi %add3A_227, %add3A_263 : i32
      %sub3A_265 = arith.constant 1 : i32
      %sub3A_266 = arith.subi %add3A_264, %sub3A_265 : i32
      %lt3A_267 = arith.constant 80 : i32
      %lt3A_268 = arith.cmpi slt, %sub3A_266, %lt3A_267 : i32
      %convert_element_type3A_269 = arith.extui %lt3A_268 : i1 to i32
      %cond3A_270 = arith.constant 0 : i32
      %cond3A_271 = arith.cmpi ne, %convert_element_type3A_269, %cond3A_270 : i32
      scf.if %cond3A_271 {
        %add3A_272 = arith.constant 4 : i32
        %add3A_273 = arith.addi %add3A_227, %add3A_272 : i32
        %sub3A_274 = arith.constant 1 : i32
        %sub3A_275 = arith.subi %add3A_273, %sub3A_274 : i32
        %dma_start3A_276 = arith.constant 2 : i32
        %dma_start3A_277 = arith.constant 0 : i32
        %dma_start3A_278 = tpu.memref_slice %arg9[%dma_start3A_276, %dma_start3A_277] : memref<4x128xi32, #tpu.memory_space<vmem>> -> memref<1x128xi32, #tpu.memory_space<vmem>>
        %dma_start3A_279 = tpu.memref_squeeze %dma_start3A_278 : memref<1x128xi32, #tpu.memory_space<vmem>> -> memref<128xi32, #tpu.memory_space<vmem>>
        %dma_start3A_280 = arith.constant 0 : i32
        %dma_start3A_281 = arith.constant 0 : i32
        %dma_start3A_282 = tpu.memref_slice %arg4[%add3A, %dma_start3A_280, %dma_start3A_281] : memref<32x80x128xi32, #tpu.memory_space<hbm>> -> memref<1x80x128xi32, #tpu.memory_space<hbm>>
        %dma_start3A_283 = tpu.memref_squeeze %dma_start3A_282 : memref<1x80x128xi32, #tpu.memory_space<hbm>> -> memref<80x128xi32, #tpu.memory_space<hbm>>
        %dma_start3A_284 = arith.constant 0 : i32
        %dma_start3A_285 = tpu.memref_slice %dma_start3A_283[%sub3A_275, %dma_start3A_284] : memref<80x128xi32, #tpu.memory_space<hbm>> -> memref<1x128xi32, #tpu.memory_space<hbm>>
        %dma_start3A_286 = tpu.memref_squeeze %dma_start3A_285 : memref<1x128xi32, #tpu.memory_space<hbm>> -> memref<128xi32, #tpu.memory_space<hbm>>
        %dma_start3A_287 = arith.constant 0 : i32
        %dma_start3A_288 = tpu.memref_slice %arg9[%dma_start3A_276, %dma_start3A_287] : memref<4x128xi32, #tpu.memory_space<vmem>> -> memref<1x128xi32, #tpu.memory_space<vmem>>
        %dma_start3A_289 = tpu.memref_squeeze %dma_start3A_288 : memref<1x128xi32, #tpu.memory_space<vmem>> -> memref<128xi32, #tpu.memory_space<vmem>>
        %dma_start3A_290 = arith.constant 0 : i32
        %dma_start3A_291 = arith.constant 0 : i32
        %dma_start3A_292 = tpu.memref_slice %arg4[%add3A, %dma_start3A_290, %dma_start3A_291] : memref<32x80x128xi32, #tpu.memory_space<hbm>> -> memref<1x80x128xi32, #tpu.memory_space<hbm>>
        %dma_start3A_293 = tpu.memref_squeeze %dma_start3A_292 : memref<1x80x128xi32, #tpu.memory_space<hbm>> -> memref<80x128xi32, #tpu.memory_space<hbm>>
        %dma_start3A_294 = arith.constant 0 : i32
        %dma_start3A_295 = tpu.memref_slice %dma_start3A_293[%sub3A_275, %dma_start3A_294] : memref<80x128xi32, #tpu.memory_space<hbm>> -> memref<1x128xi32, #tpu.memory_space<hbm>>
        %dma_start3A_296 = tpu.memref_squeeze %dma_start3A_295 : memref<1x128xi32, #tpu.memory_space<hbm>> -> memref<128xi32, #tpu.memory_space<hbm>>
        tpu.enqueue_dma source(%dma_start3A_296 : memref<128xi32, #tpu.memory_space<hbm>>) target(%dma_start3A_289 : memref<128xi32, #tpu.memory_space<vmem>>) target_semaphore(%arg16 : memref<!tpu.dma_semaphore, #tpu.memory_space<semaphore_mem>>)
      } else {
      }
    }
    %scan3A_79 = arith.constant 20 : i32
    %barrier3A_80 = arith.constant 0 : index
    tpu.barrier barrier_id(%barrier3A_80)
    %mul3A_81 = arith.constant 640 : i32
    %mul3A_82 = arith.muli %arg1, %mul3A_81 : i32
    %mul3A_83 = arith.constant 640 : i32
    %mul3A_84 = arith.muli %arg1, %mul3A_83 : i32
    "tpu.region"() ({
      %run_scoped3A = tpu.sem_alloc : memref<!tpu.dma_semaphore, #tpu.memory_space<semaphore_mem>>
      %dma_start3A_85 = arith.constant 0 : i32
      %dma_start3A_86 = arith.constant 0 : i32
      %dma_start3A_87 = tpu.memref_slice %arg6[%arg0, %dma_start3A_85, %dma_start3A_86] : memref<2x10240x128xf32, #tpu.memory_space<hbm>> -> memref<1x10240x128xf32, #tpu.memory_space<hbm>>
      %dma_start3A_88 = tpu.memref_squeeze %dma_start3A_87 : memref<1x10240x128xf32, #tpu.memory_space<hbm>> -> memref<10240x128xf32, #tpu.memory_space<hbm>>
      %dma_start3A_89 = arith.constant 0 : i32
      %dma_start3A_90 = tpu.memref_slice %dma_start3A_88[%mul3A_84, %dma_start3A_89] : memref<10240x128xf32, #tpu.memory_space<hbm>> -> memref<640x128xf32, #tpu.memory_space<hbm>>
      %dma_start3A_91 = arith.constant 0 : i32
      %dma_start3A_92 = tpu.memref_slice %arg7[%mul3A_82, %dma_start3A_91] : memref<10240x128xf32, #tpu.memory_space<vmem_shared>> -> memref<640x128xf32, #tpu.memory_space<vmem_shared>>
      tpu.enqueue_dma source(%dma_start3A_92 : memref<640x128xf32, #tpu.memory_space<vmem_shared>>) target(%dma_start3A_90 : memref<640x128xf32, #tpu.memory_space<hbm>>) target_semaphore(%run_scoped3A : memref<!tpu.dma_semaphore, #tpu.memory_space<semaphore_mem>>)
      %dma_wait3A = arith.constant 0 : i32
      %dma_wait3A_93 = arith.constant 0 : i32
      %dma_wait3A_94 = tpu.memref_slice %arg6[%arg0, %dma_wait3A, %dma_wait3A_93] : memref<2x10240x128xf32, #tpu.memory_space<hbm>> -> memref<1x10240x128xf32, #tpu.memory_space<hbm>>
      %dma_wait3A_95 = tpu.memref_squeeze %dma_wait3A_94 : memref<1x10240x128xf32, #tpu.memory_space<hbm>> -> memref<10240x128xf32, #tpu.memory_space<hbm>>
      %dma_wait3A_96 = arith.constant 0 : i32
      %dma_wait3A_97 = tpu.memref_slice %dma_wait3A_95[%mul3A_84, %dma_wait3A_96] : memref<10240x128xf32, #tpu.memory_space<hbm>> -> memref<640x128xf32, #tpu.memory_space<hbm>>
      %dma_wait3A_98 = arith.constant 0 : i32
      %dma_wait3A_99 = tpu.memref_slice %arg7[%mul3A_82, %dma_wait3A_98] : memref<10240x128xf32, #tpu.memory_space<vmem_shared>> -> memref<640x128xf32, #tpu.memory_space<vmem_shared>>
      tpu.wait_dma2 semaphore(%run_scoped3A : memref<!tpu.dma_semaphore, #tpu.memory_space<semaphore_mem>>) src(%dma_wait3A_99 : memref<640x128xf32, #tpu.memory_space<vmem_shared>>) dst(%dma_wait3A_97 : memref<640x128xf32, #tpu.memory_space<hbm>>)
      tpu.yield
    }) : () -> ()
    return
  }
}

#map = affine_map<(d0, d1) -> (0, 0)>
#map1 = affine_map<(d0, d1) -> (0, 0, 0)>
module attributes {stable_mosaic.version = 14 : i64} {
  func.func @wrapped(%arg0: i32, %arg1: i32, %arg2: memref<10240x128xf32, #tpu.memory_space<hbm>>, %arg3: memref<32x80x128xi32, #tpu.memory_space<hbm>>, %arg4: memref<32x80x128xi32, #tpu.memory_space<hbm>>, %arg5: memref<640x128xf32, #tpu.memory_space<hbm>>, %arg6: memref<2x10240x128xf32, #tpu.memory_space<hbm>>, %arg7: memref<10240x128xf32, #tpu.memory_space<vmem_shared>>, %arg8: memref<80x128xi32, #tpu.memory_space<vmem>>, %arg9: memref<4x128xi32, #tpu.memory_space<vmem>>, %arg10: memref<128x128xf32, #tpu.memory_space<vmem>>, %arg11: memref<128x128xf32, #tpu.memory_space<vmem>>, %arg12: memref<!tpu.dma_semaphore, #tpu.memory_space<semaphore_mem>>, %arg13: memref<!tpu.dma_semaphore, #tpu.memory_space<semaphore_mem>>, %arg14: memref<!tpu.dma_semaphore, #tpu.memory_space<semaphore_mem>>, %arg15: memref<!tpu.dma_semaphore, #tpu.memory_space<semaphore_mem>>, %arg16: memref<!tpu.dma_semaphore, #tpu.memory_space<semaphore_mem>>, %arg17: memref<!tpu.dma_semaphore, #tpu.memory_space<semaphore_mem>>) attributes {dimension_semantics = [#tpu.dimension_semantics<core_parallel>, #tpu.dimension_semantics<subcore_parallel>], iteration_bounds = array<i64: 2, 16>, scalar_prefetch = 0 : i64, scratch_operands = 11 : i64, tpu.core_type = #tpu.core_type<sc_vector_subcore>, window_params = [{transform_indices = #map}, {transform_indices = #map1}, {transform_indices = #map1}, {transform_indices = #map}, {transform_indices = #map1}]} {
    %mul3A = arith.constant 16 : i32
    %mul3A_0 = arith.muli %arg0, %mul3A : i32
    %add3A = arith.addi %mul3A_0, %arg1 : i32
    %mul3A_1 = arith.constant 640 : i32
    %mul3A_2 = arith.muli %arg1, %mul3A_1 : i32
    "tpu.region"() ({
      %run_scoped3A = tpu.sem_alloc : memref<!tpu.dma_semaphore, #tpu.memory_space<semaphore_mem>>
      %dma_start3A_85 = arith.constant 0 : i32
      %dma_start3A_86 = tpu.memref_slice %arg7[%mul3A_2, %dma_start3A_85] : memref<10240x128xf32, #tpu.memory_space<vmem_shared>> -> memref<640x128xf32, #tpu.memory_space<vmem_shared>>
      tpu.enqueue_dma source(%arg5 : memref<640x128xf32, #tpu.memory_space<hbm>>) target(%dma_start3A_86 : memref<640x128xf32, #tpu.memory_space<vmem_shared>>) target_semaphore(%run_scoped3A : memref<!tpu.dma_semaphore, #tpu.memory_space<semaphore_mem>>)
      %dma_wait3A = arith.constant 0 : i32
      %dma_wait3A_87 = tpu.memref_slice %arg7[%mul3A_2, %dma_wait3A] : memref<10240x128xf32, #tpu.memory_space<vmem_shared>> -> memref<640x128xf32, #tpu.memory_space<vmem_shared>>
      tpu.wait_dma2 semaphore(%run_scoped3A : memref<!tpu.dma_semaphore, #tpu.memory_space<semaphore_mem>>) src(%arg5 : memref<640x128xf32, #tpu.memory_space<hbm>>) dst(%dma_wait3A_87 : memref<640x128xf32, #tpu.memory_space<vmem_shared>>)
      tpu.yield
    }) : () -> ()
    "tpu.region"() ({
      %run_scoped3A = tpu.sem_alloc : memref<!tpu.dma_semaphore, #tpu.memory_space<semaphore_mem>>
      %dma_start3A_85 = arith.constant 0 : i32
      %dma_start3A_86 = arith.constant 0 : i32
      %dma_start3A_87 = tpu.memref_slice %arg3[%add3A, %dma_start3A_85, %dma_start3A_86] : memref<32x80x128xi32, #tpu.memory_space<hbm>> -> memref<1x80x128xi32, #tpu.memory_space<hbm>>
      %dma_start3A_88 = tpu.memref_squeeze %dma_start3A_87 : memref<1x80x128xi32, #tpu.memory_space<hbm>> -> memref<80x128xi32, #tpu.memory_space<hbm>>
      %dma_start3A_89 = arith.constant 0 : i32
      %dma_start3A_90 = arith.constant 0 : i32
      %dma_start3A_91 = tpu.memref_slice %arg3[%add3A, %dma_start3A_89, %dma_start3A_90] : memref<32x80x128xi32, #tpu.memory_space<hbm>> -> memref<1x80x128xi32, #tpu.memory_space<hbm>>
      %dma_start3A_92 = tpu.memref_squeeze %dma_start3A_91 : memref<1x80x128xi32, #tpu.memory_space<hbm>> -> memref<80x128xi32, #tpu.memory_space<hbm>>
      tpu.enqueue_dma source(%dma_start3A_92 : memref<80x128xi32, #tpu.memory_space<hbm>>) target(%arg8 : memref<80x128xi32, #tpu.memory_space<vmem>>) target_semaphore(%run_scoped3A : memref<!tpu.dma_semaphore, #tpu.memory_space<semaphore_mem>>)
      %dma_wait3A = arith.constant 0 : i32
      %dma_wait3A_93 = arith.constant 0 : i32
      %dma_wait3A_94 = tpu.memref_slice %arg3[%add3A, %dma_wait3A, %dma_wait3A_93] : memref<32x80x128xi32, #tpu.memory_space<hbm>> -> memref<1x80x128xi32, #tpu.memory_space<hbm>>
      %dma_wait3A_95 = tpu.memref_squeeze %dma_wait3A_94 : memref<1x80x128xi32, #tpu.memory_space<hbm>> -> memref<80x128xi32, #tpu.memory_space<hbm>>
      %dma_wait3A_96 = arith.constant 0 : i32
      %dma_wait3A_97 = arith.constant 0 : i32
      %dma_wait3A_98 = tpu.memref_slice %arg3[%add3A, %dma_wait3A_96, %dma_wait3A_97] : memref<32x80x128xi32, #tpu.memory_space<hbm>> -> memref<1x80x128xi32, #tpu.memory_space<hbm>>
      %dma_wait3A_99 = tpu.memref_squeeze %dma_wait3A_98 : memref<1x80x128xi32, #tpu.memory_space<hbm>> -> memref<80x128xi32, #tpu.memory_space<hbm>>
      tpu.wait_dma2 semaphore(%run_scoped3A : memref<!tpu.dma_semaphore, #tpu.memory_space<semaphore_mem>>) src(%dma_wait3A_99 : memref<80x128xi32, #tpu.memory_space<hbm>>) dst(%arg8 : memref<80x128xi32, #tpu.memory_space<vmem>>)
      tpu.yield
    }) : () -> ()
    %dma_start3A = arith.constant 0 : i32
    %dma_start3A_3 = arith.constant 0 : i32
    %dma_start3A_4 = arith.constant 0 : i32
    %dma_start3A_5 = tpu.memref_slice %arg9[%dma_start3A_3, %dma_start3A_4] : memref<4x128xi32, #tpu.memory_space<vmem>> -> memref<1x128xi32, #tpu.memory_space<vmem>>
    %dma_start3A_6 = tpu.memref_squeeze %dma_start3A_5 : memref<1x128xi32, #tpu.memory_space<vmem>> -> memref<128xi32, #tpu.memory_space<vmem>>
    %dma_start3A_7 = arith.constant 0 : i32
    %dma_start3A_8 = arith.constant 0 : i32
    %dma_start3A_9 = tpu.memref_slice %arg4[%add3A, %dma_start3A_7, %dma_start3A_8] : memref<32x80x128xi32, #tpu.memory_space<hbm>> -> memref<1x80x128xi32, #tpu.memory_space<hbm>>
    %dma_start3A_10 = tpu.memref_squeeze %dma_start3A_9 : memref<1x80x128xi32, #tpu.memory_space<hbm>> -> memref<80x128xi32, #tpu.memory_space<hbm>>
    %dma_start3A_11 = arith.constant 0 : i32
    %dma_start3A_12 = tpu.memref_slice %dma_start3A_10[%dma_start3A, %dma_start3A_11] : memref<80x128xi32, #tpu.memory_space<hbm>> -> memref<1x128xi32, #tpu.memory_space<hbm>>
    %dma_start3A_13 = tpu.memref_squeeze %dma_start3A_12 : memref<1x128xi32, #tpu.memory_space<hbm>> -> memref<128xi32, #tpu.memory_space<hbm>>
    %dma_start3A_14 = arith.constant 0 : i32
    %dma_start3A_15 = tpu.memref_slice %arg9[%dma_start3A_3, %dma_start3A_14] : memref<4x128xi32, #tpu.memory_space<vmem>> -> memref<1x128xi32, #tpu.memory_space<vmem>>
    %dma_start3A_16 = tpu.memref_squeeze %dma_start3A_15 : memref<1x128xi32, #tpu.memory_space<vmem>> -> memref<128xi32, #tpu.memory_space<vmem>>
    %dma_start3A_17 = arith.constant 0 : i32
    %dma_start3A_18 = arith.constant 0 : i32
    %dma_start3A_19 = tpu.memref_slice %arg4[%add3A, %dma_start3A_17, %dma_start3A_18] : memref<32x80x128xi32, #tpu.memory_space<hbm>> -> memref<1x80x128xi32, #tpu.memory_space<hbm>>
    %dma_start3A_20 = tpu.memref_squeeze %dma_start3A_19 : memref<1x80x128xi32, #tpu.memory_space<hbm>> -> memref<80x128xi32, #tpu.memory_space<hbm>>
    %dma_start3A_21 = arith.constant 0 : i32
    %dma_start3A_22 = tpu.memref_slice %dma_start3A_20[%dma_start3A, %dma_start3A_21] : memref<80x128xi32, #tpu.memory_space<hbm>> -> memref<1x128xi32, #tpu.memory_space<hbm>>
    %dma_start3A_23 = tpu.memref_squeeze %dma_start3A_22 : memref<1x128xi32, #tpu.memory_space<hbm>> -> memref<128xi32, #tpu.memory_space<hbm>>
    tpu.enqueue_dma source(%dma_start3A_23 : memref<128xi32, #tpu.memory_space<hbm>>) target(%dma_start3A_16 : memref<128xi32, #tpu.memory_space<vmem>>) target_semaphore(%arg14 : memref<!tpu.dma_semaphore, #tpu.memory_space<semaphore_mem>>)
    %dma_start3A_24 = arith.constant 1 : i32
    %dma_start3A_25 = arith.constant 1 : i32
    %dma_start3A_26 = arith.constant 0 : i32
    %dma_start3A_27 = tpu.memref_slice %arg9[%dma_start3A_25, %dma_start3A_26] : memref<4x128xi32, #tpu.memory_space<vmem>> -> memref<1x128xi32, #tpu.memory_space<vmem>>
    %dma_start3A_28 = tpu.memref_squeeze %dma_start3A_27 : memref<1x128xi32, #tpu.memory_space<vmem>> -> memref<128xi32, #tpu.memory_space<vmem>>
    %dma_start3A_29 = arith.constant 0 : i32
    %dma_start3A_30 = arith.constant 0 : i32
    %dma_start3A_31 = tpu.memref_slice %arg4[%add3A, %dma_start3A_29, %dma_start3A_30] : memref<32x80x128xi32, #tpu.memory_space<hbm>> -> memref<1x80x128xi32, #tpu.memory_space<hbm>>
    %dma_start3A_32 = tpu.memref_squeeze %dma_start3A_31 : memref<1x80x128xi32, #tpu.memory_space<hbm>> -> memref<80x128xi32, #tpu.memory_space<hbm>>
    %dma_start3A_33 = arith.constant 0 : i32
    %dma_start3A_34 = tpu.memref_slice %dma_start3A_32[%dma_start3A_24, %dma_start3A_33] : memref<80x128xi32, #tpu.memory_space<hbm>> -> memref<1x128xi32, #tpu.memory_space<hbm>>
    %dma_start3A_35 = tpu.memref_squeeze %dma_start3A_34 : memref<1x128xi32, #tpu.memory_space<hbm>> -> memref<128xi32, #tpu.memory_space<hbm>>
    %dma_start3A_36 = arith.constant 0 : i32
    %dma_start3A_37 = tpu.memref_slice %arg9[%dma_start3A_25, %dma_start3A_36] : memref<4x128xi32, #tpu.memory_space<vmem>> -> memref<1x128xi32, #tpu.memory_space<vmem>>
    %dma_start3A_38 = tpu.memref_squeeze %dma_start3A_37 : memref<1x128xi32, #tpu.memory_space<vmem>> -> memref<128xi32, #tpu.memory_space<vmem>>
    %dma_start3A_39 = arith.constant 0 : i32
    %dma_start3A_40 = arith.constant 0 : i32
    %dma_start3A_41 = tpu.memref_slice %arg4[%add3A, %dma_start3A_39, %dma_start3A_40] : memref<32x80x128xi32, #tpu.memory_space<hbm>> -> memref<1x80x128xi32, #tpu.memory_space<hbm>>
    %dma_start3A_42 = tpu.memref_squeeze %dma_start3A_41 : memref<1x80x128xi32, #tpu.memory_space<hbm>> -> memref<80x128xi32, #tpu.memory_space<hbm>>
    %dma_start3A_43 = arith.constant 0 : i32
    %dma_start3A_44 = tpu.memref_slice %dma_start3A_42[%dma_start3A_24, %dma_start3A_43] : memref<80x128xi32, #tpu.memory_space<hbm>> -> memref<1x128xi32, #tpu.memory_space<hbm>>
    %dma_start3A_45 = tpu.memref_squeeze %dma_start3A_44 : memref<1x128xi32, #tpu.memory_space<hbm>> -> memref<128xi32, #tpu.memory_space<hbm>>
    tpu.enqueue_dma source(%dma_start3A_45 : memref<128xi32, #tpu.memory_space<hbm>>) target(%dma_start3A_38 : memref<128xi32, #tpu.memory_space<vmem>>) target_semaphore(%arg15 : memref<!tpu.dma_semaphore, #tpu.memory_space<semaphore_mem>>)
    %dma_start3A_46 = arith.constant 2 : i32
    %dma_start3A_47 = arith.constant 2 : i32
    %dma_start3A_48 = arith.constant 0 : i32
    %dma_start3A_49 = tpu.memref_slice %arg9[%dma_start3A_47, %dma_start3A_48] : memref<4x128xi32, #tpu.memory_space<vmem>> -> memref<1x128xi32, #tpu.memory_space<vmem>>
    %dma_start3A_50 = tpu.memref_squeeze %dma_start3A_49 : memref<1x128xi32, #tpu.memory_space<vmem>> -> memref<128xi32, #tpu.memory_space<vmem>>
    %dma_start3A_51 = arith.constant 0 : i32
    %dma_start3A_52 = arith.constant 0 : i32
    %dma_start3A_53 = tpu.memref_slice %arg4[%add3A, %dma_start3A_51, %dma_start3A_52] : memref<32x80x128xi32, #tpu.memory_space<hbm>> -> memref<1x80x128xi32, #tpu.memory_space<hbm>>
    %dma_start3A_54 = tpu.memref_squeeze %dma_start3A_53 : memref<1x80x128xi32, #tpu.memory_space<hbm>> -> memref<80x128xi32, #tpu.memory_space<hbm>>
    %dma_start3A_55 = arith.constant 0 : i32
    %dma_start3A_56 = tpu.memref_slice %dma_start3A_54[%dma_start3A_46, %dma_start3A_55] : memref<80x128xi32, #tpu.memory_space<hbm>> -> memref<1x128xi32, #tpu.memory_space<hbm>>
    %dma_start3A_57 = tpu.memref_squeeze %dma_start3A_56 : memref<1x128xi32, #tpu.memory_space<hbm>> -> memref<128xi32, #tpu.memory_space<hbm>>
    %dma_start3A_58 = arith.constant 0 : i32
    %dma_start3A_59 = tpu.memref_slice %arg9[%dma_start3A_47, %dma_start3A_58] : memref<4x128xi32, #tpu.memory_space<vmem>> -> memref<1x128xi32, #tpu.memory_space<vmem>>
    %dma_start3A_60 = tpu.memref_squeeze %dma_start3A_59 : memref<1x128xi32, #tpu.memory_space<vmem>> -> memref<128xi32, #tpu.memory_space<vmem>>
    %dma_start3A_61 = arith.constant 0 : i32
    %dma_start3A_62 = arith.constant 0 : i32
    %dma_start3A_63 = tpu.memref_slice %arg4[%add3A, %dma_start3A_61, %dma_start3A_62] : memref<32x80x128xi32, #tpu.memory_space<hbm>> -> memref<1x80x128xi32, #tpu.memory_space<hbm>>
    %dma_start3A_64 = tpu.memref_squeeze %dma_start3A_63 : memref<1x80x128xi32, #tpu.memory_space<hbm>> -> memref<80x128xi32, #tpu.memory_space<hbm>>
    %dma_start3A_65 = arith.constant 0 : i32
    %dma_start3A_66 = tpu.memref_slice %dma_start3A_64[%dma_start3A_46, %dma_start3A_65] : memref<80x128xi32, #tpu.memory_space<hbm>> -> memref<1x128xi32, #tpu.memory_space<hbm>>
    %dma_start3A_67 = tpu.memref_squeeze %dma_start3A_66 : memref<1x128xi32, #tpu.memory_space<hbm>> -> memref<128xi32, #tpu.memory_space<hbm>>
    tpu.enqueue_dma source(%dma_start3A_67 : memref<128xi32, #tpu.memory_space<hbm>>) target(%dma_start3A_60 : memref<128xi32, #tpu.memory_space<vmem>>) target_semaphore(%arg16 : memref<!tpu.dma_semaphore, #tpu.memory_space<semaphore_mem>>)
    %barrier3A = arith.constant 0 : index
    tpu.barrier barrier_id(%barrier3A)
    %dma_start3A_68 = arith.constant 0 : i32
    %dma_start3A_69 = arith.constant 0 : i32
    %dma_start3A_70 = tpu.memref_slice %arg8[%dma_start3A_68, %dma_start3A_69] : memref<80x128xi32, #tpu.memory_space<vmem>> -> memref<1x128xi32, #tpu.memory_space<vmem>>
    %dma_start3A_71 = tpu.memref_squeeze %dma_start3A_70 : memref<1x128xi32, #tpu.memory_space<vmem>> -> memref<128xi32, #tpu.memory_space<vmem>>
    %dma_start3A_72 = arith.constant 0 : i32
    %dma_start3A_73 = arith.constant 0 : i32
    %dma_start3A_74 = tpu.memref_slice %arg2[%dma_start3A_72, %dma_start3A_73] : memref<10240x128xf32, #tpu.memory_space<hbm>> -> memref<10240x128xf32, #tpu.memory_space<hbm>>
    tpu.enqueue_indirect_dma source(%dma_start3A_74 : memref<10240x128xf32, #tpu.memory_space<hbm>>) target(%arg10 : memref<128x128xf32, #tpu.memory_space<vmem>>) offsets(%dma_start3A_71 : memref<128xi32, #tpu.memory_space<vmem>>) semaphore(%arg12 : memref<!tpu.dma_semaphore, #tpu.memory_space<semaphore_mem>>)
    %scan3A = arith.constant 0 : i32
    %scan3A_75 = arith.constant 0 : i32
    %scan3A_76 = arith.constant 20 : i32
    %scan3A_77 = arith.addi %scan3A_75, %scan3A_76 : i32
    %scan3A_78 = arith.constant 1 : i32
    scf.for %scan3A_85 = %scan3A_75 to %scan3A_77 step %scan3A_78  : i32 {
      %mul3A_86 = arith.constant 4 : i32
      %mul3A_87 = arith.muli %scan3A_85, %mul3A_86 : i32
      %add3A_88 = arith.constant 0 : i32
      %add3A_89 = arith.addi %mul3A_87, %add3A_88 : i32
      %add3A_90 = arith.constant 1 : i32
      %add3A_91 = arith.addi %add3A_89, %add3A_90 : i32
      %lt3A = arith.constant 80 : i32
      %lt3A_92 = arith.cmpi slt, %add3A_91, %lt3A : i32
      %convert_element_type3A = arith.extui %lt3A_92 : i1 to i32
      %cond3A = arith.constant 0 : i32
      %cond3A_93 = arith.cmpi ne, %convert_element_type3A, %cond3A : i32
      scf.if %cond3A_93 {
        %add3A_272 = arith.constant 1 : i32
        %add3A_273 = arith.addi %add3A_89, %add3A_272 : i32
        %dma_start3A_274 = arith.constant 0 : i32
        %dma_start3A_275 = tpu.memref_slice %arg8[%add3A_273, %dma_start3A_274] : memref<80x128xi32, #tpu.memory_space<vmem>> -> memref<1x128xi32, #tpu.memory_space<vmem>>
        %dma_start3A_276 = tpu.memref_squeeze %dma_start3A_275 : memref<1x128xi32, #tpu.memory_space<vmem>> -> memref<128xi32, #tpu.memory_space<vmem>>
        %dma_start3A_277 = arith.constant 0 : i32
        %dma_start3A_278 = arith.constant 0 : i32
        %dma_start3A_279 = tpu.memref_slice %arg2[%dma_start3A_277, %dma_start3A_278] : memref<10240x128xf32, #tpu.memory_space<hbm>> -> memref<10240x128xf32, #tpu.memory_space<hbm>>
        tpu.enqueue_indirect_dma source(%dma_start3A_279 : memref<10240x128xf32, #tpu.memory_space<hbm>>) target(%arg11 : memref<128x128xf32, #tpu.memory_space<vmem>>) offsets(%dma_start3A_276 : memref<128xi32, #tpu.memory_space<vmem>>) semaphore(%arg13 : memref<!tpu.dma_semaphore, #tpu.memory_space<semaphore_mem>>)
      } else {
      }
      %dma_wait3A = arith.constant 0 : i32
      %dma_wait3A_94 = arith.constant 0 : i32
      %dma_wait3A_95 = tpu.memref_slice %arg9[%dma_wait3A, %dma_wait3A_94] : memref<4x128xi32, #tpu.memory_space<vmem>> -> memref<1x128xi32, #tpu.memory_space<vmem>>
      %dma_wait3A_96 = tpu.memref_squeeze %dma_wait3A_95 : memref<1x128xi32, #tpu.memory_space<vmem>> -> memref<128xi32, #tpu.memory_space<vmem>>
      %dma_wait3A_97 = arith.constant 0 : i32
      %dma_wait3A_98 = arith.constant 0 : i32
      %dma_wait3A_99 = tpu.memref_slice %arg4[%add3A, %dma_wait3A_97, %dma_wait3A_98] : memref<32x80x128xi32, #tpu.memory_space<hbm>> -> memref<1x80x128xi32, #tpu.memory_space<hbm>>
      %dma_wait3A_100 = tpu.memref_squeeze %dma_wait3A_99 : memref<1x80x128xi32, #tpu.memory_space<hbm>> -> memref<80x128xi32, #tpu.memory_space<hbm>>
      %dma_wait3A_101 = arith.constant 0 : i32
      %dma_wait3A_102 = tpu.memref_slice %dma_wait3A_100[%add3A_89, %dma_wait3A_101] : memref<80x128xi32, #tpu.memory_space<hbm>> -> memref<1x128xi32, #tpu.memory_space<hbm>>
      %dma_wait3A_103 = tpu.memref_squeeze %dma_wait3A_102 : memref<1x128xi32, #tpu.memory_space<hbm>> -> memref<128xi32, #tpu.memory_space<hbm>>
      %dma_wait3A_104 = arith.constant 0 : i32
      %dma_wait3A_105 = tpu.memref_slice %arg9[%dma_wait3A, %dma_wait3A_104] : memref<4x128xi32, #tpu.memory_space<vmem>> -> memref<1x128xi32, #tpu.memory_space<vmem>>
      %dma_wait3A_106 = tpu.memref_squeeze %dma_wait3A_105 : memref<1x128xi32, #tpu.memory_space<vmem>> -> memref<128xi32, #tpu.memory_space<vmem>>
      %dma_wait3A_107 = arith.constant 0 : i32
      %dma_wait3A_108 = arith.constant 0 : i32
      %dma_wait3A_109 = tpu.memref_slice %arg4[%add3A, %dma_wait3A_107, %dma_wait3A_108] : memref<32x80x128xi32, #tpu.memory_space<hbm>> -> memref<1x80x128xi32, #tpu.memory_space<hbm>>
      %dma_wait3A_110 = tpu.memref_squeeze %dma_wait3A_109 : memref<1x80x128xi32, #tpu.memory_space<hbm>> -> memref<80x128xi32, #tpu.memory_space<hbm>>
      %dma_wait3A_111 = arith.constant 0 : i32
      %dma_wait3A_112 = tpu.memref_slice %dma_wait3A_110[%add3A_89, %dma_wait3A_111] : memref<80x128xi32, #tpu.memory_space<hbm>> -> memref<1x128xi32, #tpu.memory_space<hbm>>
      %dma_wait3A_113 = tpu.memref_squeeze %dma_wait3A_112 : memref<1x128xi32, #tpu.memory_space<hbm>> -> memref<128xi32, #tpu.memory_space<hbm>>
      tpu.wait_dma2 semaphore(%arg14 : memref<!tpu.dma_semaphore, #tpu.memory_space<semaphore_mem>>) src(%dma_wait3A_113 : memref<128xi32, #tpu.memory_space<hbm>>) dst(%dma_wait3A_106 : memref<128xi32, #tpu.memory_space<vmem>>)
      %dma_wait3A_114 = arith.constant 0 : i32
      %dma_wait3A_115 = tpu.memref_slice %arg8[%add3A_89, %dma_wait3A_114] : memref<80x128xi32, #tpu.memory_space<vmem>> -> memref<1x128xi32, #tpu.memory_space<vmem>>
      %dma_wait3A_116 = tpu.memref_squeeze %dma_wait3A_115 : memref<1x128xi32, #tpu.memory_space<vmem>> -> memref<128xi32, #tpu.memory_space<vmem>>
      %dma_wait3A_117 = arith.constant 0 : i32
      %dma_wait3A_118 = arith.constant 0 : i32
      %dma_wait3A_119 = tpu.memref_slice %arg2[%dma_wait3A_117, %dma_wait3A_118] : memref<10240x128xf32, #tpu.memory_space<hbm>> -> memref<10240x128xf32, #tpu.memory_space<hbm>>
      tpu.wait_indirect_dma semaphore(%arg12 : memref<!tpu.dma_semaphore, #tpu.memory_space<semaphore_mem>>) src(%dma_wait3A_119 : memref<10240x128xf32, #tpu.memory_space<hbm>>) dst(%arg10 : memref<128x128xf32, #tpu.memory_space<vmem>>)
      %run_scoped3A = arith.constant 0 : i32
      "tpu.region"() ({
        %run_scoped3A_272 = tpu.sem_alloc : memref<!tpu.dma_semaphore, #tpu.memory_space<semaphore_mem>>
        %dma_start3A_273 = arith.constant 0 : i32
        %dma_start3A_274 = tpu.memref_slice %arg9[%run_scoped3A, %dma_start3A_273] : memref<4x128xi32, #tpu.memory_space<vmem>> -> memref<1x128xi32, #tpu.memory_space<vmem>>
        %dma_start3A_275 = tpu.memref_squeeze %dma_start3A_274 : memref<1x128xi32, #tpu.memory_space<vmem>> -> memref<128xi32, #tpu.memory_space<vmem>>
        %dma_start3A_276 = arith.constant 0 : i32
        %dma_start3A_277 = arith.constant 0 : i32
        %dma_start3A_278 = tpu.memref_slice %arg7[%dma_start3A_276, %dma_start3A_277] : memref<10240x128xf32, #tpu.memory_space<vmem_shared>> -> memref<10240x128xf32, #tpu.memory_space<vmem_shared>>
        tpu.enqueue_indirect_dma source(%arg10 : memref<128x128xf32, #tpu.memory_space<vmem>>) target(%dma_start3A_278 : memref<10240x128xf32, #tpu.memory_space<vmem_shared>>) offsets(%dma_start3A_275 : memref<128xi32, #tpu.memory_space<vmem>>) semaphore(%run_scoped3A_272 : memref<!tpu.dma_semaphore, #tpu.memory_space<semaphore_mem>>) {add = true}
        %dma_wait3A_279 = arith.constant 0 : i32
        %dma_wait3A_280 = tpu.memref_slice %arg9[%run_scoped3A, %dma_wait3A_279] : memref<4x128xi32, #tpu.memory_space<vmem>> -> memref<1x128xi32, #tpu.memory_space<vmem>>
        %dma_wait3A_281 = tpu.memref_squeeze %dma_wait3A_280 : memref<1x128xi32, #tpu.memory_space<vmem>> -> memref<128xi32, #tpu.memory_space<vmem>>
        %dma_wait3A_282 = arith.constant 0 : i32
        %dma_wait3A_283 = arith.constant 0 : i32
        %dma_wait3A_284 = tpu.memref_slice %arg7[%dma_wait3A_282, %dma_wait3A_283] : memref<10240x128xf32, #tpu.memory_space<vmem_shared>> -> memref<10240x128xf32, #tpu.memory_space<vmem_shared>>
        tpu.wait_indirect_dma semaphore(%run_scoped3A_272 : memref<!tpu.dma_semaphore, #tpu.memory_space<semaphore_mem>>) src(%arg10 : memref<128x128xf32, #tpu.memory_space<vmem>>) dst(%dma_wait3A_284 : memref<10240x128xf32, #tpu.memory_space<vmem_shared>>)
        tpu.yield
      }) : () -> ()
      %add3A_120 = arith.constant 4 : i32
      %add3A_121 = arith.addi %add3A_89, %add3A_120 : i32
      %sub3A = arith.constant 1 : i32
      %sub3A_122 = arith.subi %add3A_121, %sub3A : i32
      %lt3A_123 = arith.constant 80 : i32
      %lt3A_124 = arith.cmpi slt, %sub3A_122, %lt3A_123 : i32
      %convert_element_type3A_125 = arith.extui %lt3A_124 : i1 to i32
      %cond3A_126 = arith.constant 0 : i32
      %cond3A_127 = arith.cmpi ne, %convert_element_type3A_125, %cond3A_126 : i32
      scf.if %cond3A_127 {
        %add3A_272 = arith.constant 4 : i32
        %add3A_273 = arith.addi %add3A_89, %add3A_272 : i32
        %sub3A_274 = arith.constant 1 : i32
        %sub3A_275 = arith.subi %add3A_273, %sub3A_274 : i32
        %dma_start3A_276 = arith.constant 3 : i32
        %dma_start3A_277 = arith.constant 0 : i32
        %dma_start3A_278 = tpu.memref_slice %arg9[%dma_start3A_276, %dma_start3A_277] : memref<4x128xi32, #tpu.memory_space<vmem>> -> memref<1x128xi32, #tpu.memory_space<vmem>>
        %dma_start3A_279 = tpu.memref_squeeze %dma_start3A_278 : memref<1x128xi32, #tpu.memory_space<vmem>> -> memref<128xi32, #tpu.memory_space<vmem>>
        %dma_start3A_280 = arith.constant 0 : i32
        %dma_start3A_281 = arith.constant 0 : i32
        %dma_start3A_282 = tpu.memref_slice %arg4[%add3A, %dma_start3A_280, %dma_start3A_281] : memref<32x80x128xi32, #tpu.memory_space<hbm>> -> memref<1x80x128xi32, #tpu.memory_space<hbm>>
        %dma_start3A_283 = tpu.memref_squeeze %dma_start3A_282 : memref<1x80x128xi32, #tpu.memory_space<hbm>> -> memref<80x128xi32, #tpu.memory_space<hbm>>
        %dma_start3A_284 = arith.constant 0 : i32
        %dma_start3A_285 = tpu.memref_slice %dma_start3A_283[%sub3A_275, %dma_start3A_284] : memref<80x128xi32, #tpu.memory_space<hbm>> -> memref<1x128xi32, #tpu.memory_space<hbm>>
        %dma_start3A_286 = tpu.memref_squeeze %dma_start3A_285 : memref<1x128xi32, #tpu.memory_space<hbm>> -> memref<128xi32, #tpu.memory_space<hbm>>
        %dma_start3A_287 = arith.constant 0 : i32
        %dma_start3A_288 = tpu.memref_slice %arg9[%dma_start3A_276, %dma_start3A_287] : memref<4x128xi32, #tpu.memory_space<vmem>> -> memref<1x128xi32, #tpu.memory_space<vmem>>
        %dma_start3A_289 = tpu.memref_squeeze %dma_start3A_288 : memref<1x128xi32, #tpu.memory_space<vmem>> -> memref<128xi32, #tpu.memory_space<vmem>>
        %dma_start3A_290 = arith.constant 0 : i32
        %dma_start3A_291 = arith.constant 0 : i32
        %dma_start3A_292 = tpu.memref_slice %arg4[%add3A, %dma_start3A_290, %dma_start3A_291] : memref<32x80x128xi32, #tpu.memory_space<hbm>> -> memref<1x80x128xi32, #tpu.memory_space<hbm>>
        %dma_start3A_293 = tpu.memref_squeeze %dma_start3A_292 : memref<1x80x128xi32, #tpu.memory_space<hbm>> -> memref<80x128xi32, #tpu.memory_space<hbm>>
        %dma_start3A_294 = arith.constant 0 : i32
        %dma_start3A_295 = tpu.memref_slice %dma_start3A_293[%sub3A_275, %dma_start3A_294] : memref<80x128xi32, #tpu.memory_space<hbm>> -> memref<1x128xi32, #tpu.memory_space<hbm>>
        %dma_start3A_296 = tpu.memref_squeeze %dma_start3A_295 : memref<1x128xi32, #tpu.memory_space<hbm>> -> memref<128xi32, #tpu.memory_space<hbm>>
        tpu.enqueue_dma source(%dma_start3A_296 : memref<128xi32, #tpu.memory_space<hbm>>) target(%dma_start3A_289 : memref<128xi32, #tpu.memory_space<vmem>>) target_semaphore(%arg17 : memref<!tpu.dma_semaphore, #tpu.memory_space<semaphore_mem>>)
      } else {
      }
      %mul3A_128 = arith.constant 4 : i32
      %mul3A_129 = arith.muli %scan3A_85, %mul3A_128 : i32
      %add3A_130 = arith.constant 1 : i32
      %add3A_131 = arith.addi %mul3A_129, %add3A_130 : i32
      %add3A_132 = arith.constant 1 : i32
      %add3A_133 = arith.addi %add3A_131, %add3A_132 : i32
      %lt3A_134 = arith.constant 80 : i32
      %lt3A_135 = arith.cmpi slt, %add3A_133, %lt3A_134 : i32
      %convert_element_type3A_136 = arith.extui %lt3A_135 : i1 to i32
      %cond3A_137 = arith.constant 0 : i32
      %cond3A_138 = arith.cmpi ne, %convert_element_type3A_136, %cond3A_137 : i32
      scf.if %cond3A_138 {
        %add3A_272 = arith.constant 1 : i32
        %add3A_273 = arith.addi %add3A_131, %add3A_272 : i32
        %dma_start3A_274 = arith.constant 0 : i32
        %dma_start3A_275 = tpu.memref_slice %arg8[%add3A_273, %dma_start3A_274] : memref<80x128xi32, #tpu.memory_space<vmem>> -> memref<1x128xi32, #tpu.memory_space<vmem>>
        %dma_start3A_276 = tpu.memref_squeeze %dma_start3A_275 : memref<1x128xi32, #tpu.memory_space<vmem>> -> memref<128xi32, #tpu.memory_space<vmem>>
        %dma_start3A_277 = arith.constant 0 : i32
        %dma_start3A_278 = arith.constant 0 : i32
        %dma_start3A_279 = tpu.memref_slice %arg2[%dma_start3A_277, %dma_start3A_278] : memref<10240x128xf32, #tpu.memory_space<hbm>> -> memref<10240x128xf32, #tpu.memory_space<hbm>>
        tpu.enqueue_indirect_dma source(%dma_start3A_279 : memref<10240x128xf32, #tpu.memory_space<hbm>>) target(%arg10 : memref<128x128xf32, #tpu.memory_space<vmem>>) offsets(%dma_start3A_276 : memref<128xi32, #tpu.memory_space<vmem>>) semaphore(%arg12 : memref<!tpu.dma_semaphore, #tpu.memory_space<semaphore_mem>>)
      } else {
      }
      %dma_wait3A_139 = arith.constant 1 : i32
      %dma_wait3A_140 = arith.constant 0 : i32
      %dma_wait3A_141 = tpu.memref_slice %arg9[%dma_wait3A_139, %dma_wait3A_140] : memref<4x128xi32, #tpu.memory_space<vmem>> -> memref<1x128xi32, #tpu.memory_space<vmem>>
      %dma_wait3A_142 = tpu.memref_squeeze %dma_wait3A_141 : memref<1x128xi32, #tpu.memory_space<vmem>> -> memref<128xi32, #tpu.memory_space<vmem>>
      %dma_wait3A_143 = arith.constant 0 : i32
      %dma_wait3A_144 = arith.constant 0 : i32
      %dma_wait3A_145 = tpu.memref_slice %arg4[%add3A, %dma_wait3A_143, %dma_wait3A_144] : memref<32x80x128xi32, #tpu.memory_space<hbm>> -> memref<1x80x128xi32, #tpu.memory_space<hbm>>
      %dma_wait3A_146 = tpu.memref_squeeze %dma_wait3A_145 : memref<1x80x128xi32, #tpu.memory_space<hbm>> -> memref<80x128xi32, #tpu.memory_space<hbm>>
      %dma_wait3A_147 = arith.constant 0 : i32
      %dma_wait3A_148 = tpu.memref_slice %dma_wait3A_146[%add3A_131, %dma_wait3A_147] : memref<80x128xi32, #tpu.memory_space<hbm>> -> memref<1x128xi32, #tpu.memory_space<hbm>>
      %dma_wait3A_149 = tpu.memref_squeeze %dma_wait3A_148 : memref<1x128xi32, #tpu.memory_space<hbm>> -> memref<128xi32, #tpu.memory_space<hbm>>
      %dma_wait3A_150 = arith.constant 0 : i32
      %dma_wait3A_151 = tpu.memref_slice %arg9[%dma_wait3A_139, %dma_wait3A_150] : memref<4x128xi32, #tpu.memory_space<vmem>> -> memref<1x128xi32, #tpu.memory_space<vmem>>
      %dma_wait3A_152 = tpu.memref_squeeze %dma_wait3A_151 : memref<1x128xi32, #tpu.memory_space<vmem>> -> memref<128xi32, #tpu.memory_space<vmem>>
      %dma_wait3A_153 = arith.constant 0 : i32
      %dma_wait3A_154 = arith.constant 0 : i32
      %dma_wait3A_155 = tpu.memref_slice %arg4[%add3A, %dma_wait3A_153, %dma_wait3A_154] : memref<32x80x128xi32, #tpu.memory_space<hbm>> -> memref<1x80x128xi32, #tpu.memory_space<hbm>>
      %dma_wait3A_156 = tpu.memref_squeeze %dma_wait3A_155 : memref<1x80x128xi32, #tpu.memory_space<hbm>> -> memref<80x128xi32, #tpu.memory_space<hbm>>
      %dma_wait3A_157 = arith.constant 0 : i32
      %dma_wait3A_158 = tpu.memref_slice %dma_wait3A_156[%add3A_131, %dma_wait3A_157] : memref<80x128xi32, #tpu.memory_space<hbm>> -> memref<1x128xi32, #tpu.memory_space<hbm>>
      %dma_wait3A_159 = tpu.memref_squeeze %dma_wait3A_158 : memref<1x128xi32, #tpu.memory_space<hbm>> -> memref<128xi32, #tpu.memory_space<hbm>>
      tpu.wait_dma2 semaphore(%arg15 : memref<!tpu.dma_semaphore, #tpu.memory_space<semaphore_mem>>) src(%dma_wait3A_159 : memref<128xi32, #tpu.memory_space<hbm>>) dst(%dma_wait3A_152 : memref<128xi32, #tpu.memory_space<vmem>>)
      %dma_wait3A_160 = arith.constant 0 : i32
      %dma_wait3A_161 = tpu.memref_slice %arg8[%add3A_131, %dma_wait3A_160] : memref<80x128xi32, #tpu.memory_space<vmem>> -> memref<1x128xi32, #tpu.memory_space<vmem>>
      %dma_wait3A_162 = tpu.memref_squeeze %dma_wait3A_161 : memref<1x128xi32, #tpu.memory_space<vmem>> -> memref<128xi32, #tpu.memory_space<vmem>>
      %dma_wait3A_163 = arith.constant 0 : i32
      %dma_wait3A_164 = arith.constant 0 : i32
      %dma_wait3A_165 = tpu.memref_slice %arg2[%dma_wait3A_163, %dma_wait3A_164] : memref<10240x128xf32, #tpu.memory_space<hbm>> -> memref<10240x128xf32, #tpu.memory_space<hbm>>
      tpu.wait_indirect_dma semaphore(%arg13 : memref<!tpu.dma_semaphore, #tpu.memory_space<semaphore_mem>>) src(%dma_wait3A_165 : memref<10240x128xf32, #tpu.memory_space<hbm>>) dst(%arg11 : memref<128x128xf32, #tpu.memory_space<vmem>>)
      %run_scoped3A_166 = arith.constant 1 : i32
      "tpu.region"() ({
        %run_scoped3A_272 = tpu.sem_alloc : memref<!tpu.dma_semaphore, #tpu.memory_space<semaphore_mem>>
        %dma_start3A_273 = arith.constant 0 : i32
        %dma_start3A_274 = tpu.memref_slice %arg9[%run_scoped3A_166, %dma_start3A_273] : memref<4x128xi32, #tpu.memory_space<vmem>> -> memref<1x128xi32, #tpu.memory_space<vmem>>
        %dma_start3A_275 = tpu.memref_squeeze %dma_start3A_274 : memref<1x128xi32, #tpu.memory_space<vmem>> -> memref<128xi32, #tpu.memory_space<vmem>>
        %dma_start3A_276 = arith.constant 0 : i32
        %dma_start3A_277 = arith.constant 0 : i32
        %dma_start3A_278 = tpu.memref_slice %arg7[%dma_start3A_276, %dma_start3A_277] : memref<10240x128xf32, #tpu.memory_space<vmem_shared>> -> memref<10240x128xf32, #tpu.memory_space<vmem_shared>>
        tpu.enqueue_indirect_dma source(%arg11 : memref<128x128xf32, #tpu.memory_space<vmem>>) target(%dma_start3A_278 : memref<10240x128xf32, #tpu.memory_space<vmem_shared>>) offsets(%dma_start3A_275 : memref<128xi32, #tpu.memory_space<vmem>>) semaphore(%run_scoped3A_272 : memref<!tpu.dma_semaphore, #tpu.memory_space<semaphore_mem>>) {add = true}
        %dma_wait3A_279 = arith.constant 0 : i32
        %dma_wait3A_280 = tpu.memref_slice %arg9[%run_scoped3A_166, %dma_wait3A_279] : memref<4x128xi32, #tpu.memory_space<vmem>> -> memref<1x128xi32, #tpu.memory_space<vmem>>
        %dma_wait3A_281 = tpu.memref_squeeze %dma_wait3A_280 : memref<1x128xi32, #tpu.memory_space<vmem>> -> memref<128xi32, #tpu.memory_space<vmem>>
        %dma_wait3A_282 = arith.constant 0 : i32
        %dma_wait3A_283 = arith.constant 0 : i32
        %dma_wait3A_284 = tpu.memref_slice %arg7[%dma_wait3A_282, %dma_wait3A_283] : memref<10240x128xf32, #tpu.memory_space<vmem_shared>> -> memref<10240x128xf32, #tpu.memory_space<vmem_shared>>
        tpu.wait_indirect_dma semaphore(%run_scoped3A_272 : memref<!tpu.dma_semaphore, #tpu.memory_space<semaphore_mem>>) src(%arg11 : memref<128x128xf32, #tpu.memory_space<vmem>>) dst(%dma_wait3A_284 : memref<10240x128xf32, #tpu.memory_space<vmem_shared>>)
        tpu.yield
      }) : () -> ()
      %add3A_167 = arith.constant 4 : i32
      %add3A_168 = arith.addi %add3A_131, %add3A_167 : i32
      %sub3A_169 = arith.constant 1 : i32
      %sub3A_170 = arith.subi %add3A_168, %sub3A_169 : i32
      %lt3A_171 = arith.constant 80 : i32
      %lt3A_172 = arith.cmpi slt, %sub3A_170, %lt3A_171 : i32
      %convert_element_type3A_173 = arith.extui %lt3A_172 : i1 to i32
      %cond3A_174 = arith.constant 0 : i32
      %cond3A_175 = arith.cmpi ne, %convert_element_type3A_173, %cond3A_174 : i32
      scf.if %cond3A_175 {
        %add3A_272 = arith.constant 4 : i32
        %add3A_273 = arith.addi %add3A_131, %add3A_272 : i32
        %sub3A_274 = arith.constant 1 : i32
        %sub3A_275 = arith.subi %add3A_273, %sub3A_274 : i32
        %dma_start3A_276 = arith.constant 0 : i32
        %dma_start3A_277 = arith.constant 0 : i32
        %dma_start3A_278 = tpu.memref_slice %arg9[%dma_start3A_276, %dma_start3A_277] : memref<4x128xi32, #tpu.memory_space<vmem>> -> memref<1x128xi32, #tpu.memory_space<vmem>>
        %dma_start3A_279 = tpu.memref_squeeze %dma_start3A_278 : memref<1x128xi32, #tpu.memory_space<vmem>> -> memref<128xi32, #tpu.memory_space<vmem>>
        %dma_start3A_280 = arith.constant 0 : i32
        %dma_start3A_281 = arith.constant 0 : i32
        %dma_start3A_282 = tpu.memref_slice %arg4[%add3A, %dma_start3A_280, %dma_start3A_281] : memref<32x80x128xi32, #tpu.memory_space<hbm>> -> memref<1x80x128xi32, #tpu.memory_space<hbm>>
        %dma_start3A_283 = tpu.memref_squeeze %dma_start3A_282 : memref<1x80x128xi32, #tpu.memory_space<hbm>> -> memref<80x128xi32, #tpu.memory_space<hbm>>
        %dma_start3A_284 = arith.constant 0 : i32
        %dma_start3A_285 = tpu.memref_slice %dma_start3A_283[%sub3A_275, %dma_start3A_284] : memref<80x128xi32, #tpu.memory_space<hbm>> -> memref<1x128xi32, #tpu.memory_space<hbm>>
        %dma_start3A_286 = tpu.memref_squeeze %dma_start3A_285 : memref<1x128xi32, #tpu.memory_space<hbm>> -> memref<128xi32, #tpu.memory_space<hbm>>
        %dma_start3A_287 = arith.constant 0 : i32
        %dma_start3A_288 = tpu.memref_slice %arg9[%dma_start3A_276, %dma_start3A_287] : memref<4x128xi32, #tpu.memory_space<vmem>> -> memref<1x128xi32, #tpu.memory_space<vmem>>
        %dma_start3A_289 = tpu.memref_squeeze %dma_start3A_288 : memref<1x128xi32, #tpu.memory_space<vmem>> -> memref<128xi32, #tpu.memory_space<vmem>>
        %dma_start3A_290 = arith.constant 0 : i32
        %dma_start3A_291 = arith.constant 0 : i32
        %dma_start3A_292 = tpu.memref_slice %arg4[%add3A, %dma_start3A_290, %dma_start3A_291] : memref<32x80x128xi32, #tpu.memory_space<hbm>> -> memref<1x80x128xi32, #tpu.memory_space<hbm>>
        %dma_start3A_293 = tpu.memref_squeeze %dma_start3A_292 : memref<1x80x128xi32, #tpu.memory_space<hbm>> -> memref<80x128xi32, #tpu.memory_space<hbm>>
        %dma_start3A_294 = arith.constant 0 : i32
        %dma_start3A_295 = tpu.memref_slice %dma_start3A_293[%sub3A_275, %dma_start3A_294] : memref<80x128xi32, #tpu.memory_space<hbm>> -> memref<1x128xi32, #tpu.memory_space<hbm>>
        %dma_start3A_296 = tpu.memref_squeeze %dma_start3A_295 : memref<1x128xi32, #tpu.memory_space<hbm>> -> memref<128xi32, #tpu.memory_space<hbm>>
        tpu.enqueue_dma source(%dma_start3A_296 : memref<128xi32, #tpu.memory_space<hbm>>) target(%dma_start3A_289 : memref<128xi32, #tpu.memory_space<vmem>>) target_semaphore(%arg14 : memref<!tpu.dma_semaphore, #tpu.memory_space<semaphore_mem>>)
      } else {
      }
      %mul3A_176 = arith.constant 4 : i32
      %mul3A_177 = arith.muli %scan3A_85, %mul3A_176 : i32
      %add3A_178 = arith.constant 2 : i32
      %add3A_179 = arith.addi %mul3A_177, %add3A_178 : i32
      %add3A_180 = arith.constant 1 : i32
      %add3A_181 = arith.addi %add3A_179, %add3A_180 : i32
      %lt3A_182 = arith.constant 80 : i32
      %lt3A_183 = arith.cmpi slt, %add3A_181, %lt3A_182 : i32
      %convert_element_type3A_184 = arith.extui %lt3A_183 : i1 to i32
      %cond3A_185 = arith.constant 0 : i32
      %cond3A_186 = arith.cmpi ne, %convert_element_type3A_184, %cond3A_185 : i32
      scf.if %cond3A_186 {
        %add3A_272 = arith.constant 1 : i32
        %add3A_273 = arith.addi %add3A_179, %add3A_272 : i32
        %dma_start3A_274 = arith.constant 0 : i32
        %dma_start3A_275 = tpu.memref_slice %arg8[%add3A_273, %dma_start3A_274] : memref<80x128xi32, #tpu.memory_space<vmem>> -> memref<1x128xi32, #tpu.memory_space<vmem>>
        %dma_start3A_276 = tpu.memref_squeeze %dma_start3A_275 : memref<1x128xi32, #tpu.memory_space<vmem>> -> memref<128xi32, #tpu.memory_space<vmem>>
        %dma_start3A_277 = arith.constant 0 : i32
        %dma_start3A_278 = arith.constant 0 : i32
        %dma_start3A_279 = tpu.memref_slice %arg2[%dma_start3A_277, %dma_start3A_278] : memref<10240x128xf32, #tpu.memory_space<hbm>> -> memref<10240x128xf32, #tpu.memory_space<hbm>>
        tpu.enqueue_indirect_dma source(%dma_start3A_279 : memref<10240x128xf32, #tpu.memory_space<hbm>>) target(%arg11 : memref<128x128xf32, #tpu.memory_space<vmem>>) offsets(%dma_start3A_276 : memref<128xi32, #tpu.memory_space<vmem>>) semaphore(%arg13 : memref<!tpu.dma_semaphore, #tpu.memory_space<semaphore_mem>>)
      } else {
      }
      %dma_wait3A_187 = arith.constant 2 : i32
      %dma_wait3A_188 = arith.constant 0 : i32
      %dma_wait3A_189 = tpu.memref_slice %arg9[%dma_wait3A_187, %dma_wait3A_188] : memref<4x128xi32, #tpu.memory_space<vmem>> -> memref<1x128xi32, #tpu.memory_space<vmem>>
      %dma_wait3A_190 = tpu.memref_squeeze %dma_wait3A_189 : memref<1x128xi32, #tpu.memory_space<vmem>> -> memref<128xi32, #tpu.memory_space<vmem>>
      %dma_wait3A_191 = arith.constant 0 : i32
      %dma_wait3A_192 = arith.constant 0 : i32
      %dma_wait3A_193 = tpu.memref_slice %arg4[%add3A, %dma_wait3A_191, %dma_wait3A_192] : memref<32x80x128xi32, #tpu.memory_space<hbm>> -> memref<1x80x128xi32, #tpu.memory_space<hbm>>
      %dma_wait3A_194 = tpu.memref_squeeze %dma_wait3A_193 : memref<1x80x128xi32, #tpu.memory_space<hbm>> -> memref<80x128xi32, #tpu.memory_space<hbm>>
      %dma_wait3A_195 = arith.constant 0 : i32
      %dma_wait3A_196 = tpu.memref_slice %dma_wait3A_194[%add3A_179, %dma_wait3A_195] : memref<80x128xi32, #tpu.memory_space<hbm>> -> memref<1x128xi32, #tpu.memory_space<hbm>>
      %dma_wait3A_197 = tpu.memref_squeeze %dma_wait3A_196 : memref<1x128xi32, #tpu.memory_space<hbm>> -> memref<128xi32, #tpu.memory_space<hbm>>
      %dma_wait3A_198 = arith.constant 0 : i32
      %dma_wait3A_199 = tpu.memref_slice %arg9[%dma_wait3A_187, %dma_wait3A_198] : memref<4x128xi32, #tpu.memory_space<vmem>> -> memref<1x128xi32, #tpu.memory_space<vmem>>
      %dma_wait3A_200 = tpu.memref_squeeze %dma_wait3A_199 : memref<1x128xi32, #tpu.memory_space<vmem>> -> memref<128xi32, #tpu.memory_space<vmem>>
      %dma_wait3A_201 = arith.constant 0 : i32
      %dma_wait3A_202 = arith.constant 0 : i32
      %dma_wait3A_203 = tpu.memref_slice %arg4[%add3A, %dma_wait3A_201, %dma_wait3A_202] : memref<32x80x128xi32, #tpu.memory_space<hbm>> -> memref<1x80x128xi32, #tpu.memory_space<hbm>>
      %dma_wait3A_204 = tpu.memref_squeeze %dma_wait3A_203 : memref<1x80x128xi32, #tpu.memory_space<hbm>> -> memref<80x128xi32, #tpu.memory_space<hbm>>
      %dma_wait3A_205 = arith.constant 0 : i32
      %dma_wait3A_206 = tpu.memref_slice %dma_wait3A_204[%add3A_179, %dma_wait3A_205] : memref<80x128xi32, #tpu.memory_space<hbm>> -> memref<1x128xi32, #tpu.memory_space<hbm>>
      %dma_wait3A_207 = tpu.memref_squeeze %dma_wait3A_206 : memref<1x128xi32, #tpu.memory_space<hbm>> -> memref<128xi32, #tpu.memory_space<hbm>>
      tpu.wait_dma2 semaphore(%arg16 : memref<!tpu.dma_semaphore, #tpu.memory_space<semaphore_mem>>) src(%dma_wait3A_207 : memref<128xi32, #tpu.memory_space<hbm>>) dst(%dma_wait3A_200 : memref<128xi32, #tpu.memory_space<vmem>>)
      %dma_wait3A_208 = arith.constant 0 : i32
      %dma_wait3A_209 = tpu.memref_slice %arg8[%add3A_179, %dma_wait3A_208] : memref<80x128xi32, #tpu.memory_space<vmem>> -> memref<1x128xi32, #tpu.memory_space<vmem>>
      %dma_wait3A_210 = tpu.memref_squeeze %dma_wait3A_209 : memref<1x128xi32, #tpu.memory_space<vmem>> -> memref<128xi32, #tpu.memory_space<vmem>>
      %dma_wait3A_211 = arith.constant 0 : i32
      %dma_wait3A_212 = arith.constant 0 : i32
      %dma_wait3A_213 = tpu.memref_slice %arg2[%dma_wait3A_211, %dma_wait3A_212] : memref<10240x128xf32, #tpu.memory_space<hbm>> -> memref<10240x128xf32, #tpu.memory_space<hbm>>
      tpu.wait_indirect_dma semaphore(%arg12 : memref<!tpu.dma_semaphore, #tpu.memory_space<semaphore_mem>>) src(%dma_wait3A_213 : memref<10240x128xf32, #tpu.memory_space<hbm>>) dst(%arg10 : memref<128x128xf32, #tpu.memory_space<vmem>>)
      %run_scoped3A_214 = arith.constant 2 : i32
      "tpu.region"() ({
        %run_scoped3A_272 = tpu.sem_alloc : memref<!tpu.dma_semaphore, #tpu.memory_space<semaphore_mem>>
        %dma_start3A_273 = arith.constant 0 : i32
        %dma_start3A_274 = tpu.memref_slice %arg9[%run_scoped3A_214, %dma_start3A_273] : memref<4x128xi32, #tpu.memory_space<vmem>> -> memref<1x128xi32, #tpu.memory_space<vmem>>
        %dma_start3A_275 = tpu.memref_squeeze %dma_start3A_274 : memref<1x128xi32, #tpu.memory_space<vmem>> -> memref<128xi32, #tpu.memory_space<vmem>>
        %dma_start3A_276 = arith.constant 0 : i32
        %dma_start3A_277 = arith.constant 0 : i32
        %dma_start3A_278 = tpu.memref_slice %arg7[%dma_start3A_276, %dma_start3A_277] : memref<10240x128xf32, #tpu.memory_space<vmem_shared>> -> memref<10240x128xf32, #tpu.memory_space<vmem_shared>>
        tpu.enqueue_indirect_dma source(%arg10 : memref<128x128xf32, #tpu.memory_space<vmem>>) target(%dma_start3A_278 : memref<10240x128xf32, #tpu.memory_space<vmem_shared>>) offsets(%dma_start3A_275 : memref<128xi32, #tpu.memory_space<vmem>>) semaphore(%run_scoped3A_272 : memref<!tpu.dma_semaphore, #tpu.memory_space<semaphore_mem>>) {add = true}
        %dma_wait3A_279 = arith.constant 0 : i32
        %dma_wait3A_280 = tpu.memref_slice %arg9[%run_scoped3A_214, %dma_wait3A_279] : memref<4x128xi32, #tpu.memory_space<vmem>> -> memref<1x128xi32, #tpu.memory_space<vmem>>
        %dma_wait3A_281 = tpu.memref_squeeze %dma_wait3A_280 : memref<1x128xi32, #tpu.memory_space<vmem>> -> memref<128xi32, #tpu.memory_space<vmem>>
        %dma_wait3A_282 = arith.constant 0 : i32
        %dma_wait3A_283 = arith.constant 0 : i32
        %dma_wait3A_284 = tpu.memref_slice %arg7[%dma_wait3A_282, %dma_wait3A_283] : memref<10240x128xf32, #tpu.memory_space<vmem_shared>> -> memref<10240x128xf32, #tpu.memory_space<vmem_shared>>
        tpu.wait_indirect_dma semaphore(%run_scoped3A_272 : memref<!tpu.dma_semaphore, #tpu.memory_space<semaphore_mem>>) src(%arg10 : memref<128x128xf32, #tpu.memory_space<vmem>>) dst(%dma_wait3A_284 : memref<10240x128xf32, #tpu.memory_space<vmem_shared>>)
        tpu.yield
      }) : () -> ()
      %add3A_215 = arith.constant 4 : i32
      %add3A_216 = arith.addi %add3A_179, %add3A_215 : i32
      %sub3A_217 = arith.constant 1 : i32
      %sub3A_218 = arith.subi %add3A_216, %sub3A_217 : i32
      %lt3A_219 = arith.constant 80 : i32
      %lt3A_220 = arith.cmpi slt, %sub3A_218, %lt3A_219 : i32
      %convert_element_type3A_221 = arith.extui %lt3A_220 : i1 to i32
      %cond3A_222 = arith.constant 0 : i32
      %cond3A_223 = arith.cmpi ne, %convert_element_type3A_221, %cond3A_222 : i32
      scf.if %cond3A_223 {
        %add3A_272 = arith.constant 4 : i32
        %add3A_273 = arith.addi %add3A_179, %add3A_272 : i32
        %sub3A_274 = arith.constant 1 : i32
        %sub3A_275 = arith.subi %add3A_273, %sub3A_274 : i32
        %dma_start3A_276 = arith.constant 1 : i32
        %dma_start3A_277 = arith.constant 0 : i32
        %dma_start3A_278 = tpu.memref_slice %arg9[%dma_start3A_276, %dma_start3A_277] : memref<4x128xi32, #tpu.memory_space<vmem>> -> memref<1x128xi32, #tpu.memory_space<vmem>>
        %dma_start3A_279 = tpu.memref_squeeze %dma_start3A_278 : memref<1x128xi32, #tpu.memory_space<vmem>> -> memref<128xi32, #tpu.memory_space<vmem>>
        %dma_start3A_280 = arith.constant 0 : i32
        %dma_start3A_281 = arith.constant 0 : i32
        %dma_start3A_282 = tpu.memref_slice %arg4[%add3A, %dma_start3A_280, %dma_start3A_281] : memref<32x80x128xi32, #tpu.memory_space<hbm>> -> memref<1x80x128xi32, #tpu.memory_space<hbm>>
        %dma_start3A_283 = tpu.memref_squeeze %dma_start3A_282 : memref<1x80x128xi32, #tpu.memory_space<hbm>> -> memref<80x128xi32, #tpu.memory_space<hbm>>
        %dma_start3A_284 = arith.constant 0 : i32
        %dma_start3A_285 = tpu.memref_slice %dma_start3A_283[%sub3A_275, %dma_start3A_284] : memref<80x128xi32, #tpu.memory_space<hbm>> -> memref<1x128xi32, #tpu.memory_space<hbm>>
        %dma_start3A_286 = tpu.memref_squeeze %dma_start3A_285 : memref<1x128xi32, #tpu.memory_space<hbm>> -> memref<128xi32, #tpu.memory_space<hbm>>
        %dma_start3A_287 = arith.constant 0 : i32
        %dma_start3A_288 = tpu.memref_slice %arg9[%dma_start3A_276, %dma_start3A_287] : memref<4x128xi32, #tpu.memory_space<vmem>> -> memref<1x128xi32, #tpu.memory_space<vmem>>
        %dma_start3A_289 = tpu.memref_squeeze %dma_start3A_288 : memref<1x128xi32, #tpu.memory_space<vmem>> -> memref<128xi32, #tpu.memory_space<vmem>>
        %dma_start3A_290 = arith.constant 0 : i32
        %dma_start3A_291 = arith.constant 0 : i32
        %dma_start3A_292 = tpu.memref_slice %arg4[%add3A, %dma_start3A_290, %dma_start3A_291] : memref<32x80x128xi32, #tpu.memory_space<hbm>> -> memref<1x80x128xi32, #tpu.memory_space<hbm>>
        %dma_start3A_293 = tpu.memref_squeeze %dma_start3A_292 : memref<1x80x128xi32, #tpu.memory_space<hbm>> -> memref<80x128xi32, #tpu.memory_space<hbm>>
        %dma_start3A_294 = arith.constant 0 : i32
        %dma_start3A_295 = tpu.memref_slice %dma_start3A_293[%sub3A_275, %dma_start3A_294] : memref<80x128xi32, #tpu.memory_space<hbm>> -> memref<1x128xi32, #tpu.memory_space<hbm>>
        %dma_start3A_296 = tpu.memref_squeeze %dma_start3A_295 : memref<1x128xi32, #tpu.memory_space<hbm>> -> memref<128xi32, #tpu.memory_space<hbm>>
        tpu.enqueue_dma source(%dma_start3A_296 : memref<128xi32, #tpu.memory_space<hbm>>) target(%dma_start3A_289 : memref<128xi32, #tpu.memory_space<vmem>>) target_semaphore(%arg15 : memref<!tpu.dma_semaphore, #tpu.memory_space<semaphore_mem>>)
      } else {
      }
      %mul3A_224 = arith.constant 4 : i32
      %mul3A_225 = arith.muli %scan3A_85, %mul3A_224 : i32
      %add3A_226 = arith.constant 3 : i32
      %add3A_227 = arith.addi %mul3A_225, %add3A_226 : i32
      %add3A_228 = arith.constant 1 : i32
      %add3A_229 = arith.addi %add3A_227, %add3A_228 : i32
      %lt3A_230 = arith.constant 80 : i32
      %lt3A_231 = arith.cmpi slt, %add3A_229, %lt3A_230 : i32
      %convert_element_type3A_232 = arith.extui %lt3A_231 : i1 to i32
      %cond3A_233 = arith.constant 0 : i32
      %cond3A_234 = arith.cmpi ne, %convert_element_type3A_232, %cond3A_233 : i32
      scf.if %cond3A_234 {
        %add3A_272 = arith.constant 1 : i32
        %add3A_273 = arith.addi %add3A_227, %add3A_272 : i32
        %dma_start3A_274 = arith.constant 0 : i32
        %dma_start3A_275 = tpu.memref_slice %arg8[%add3A_273, %dma_start3A_274] : memref<80x128xi32, #tpu.memory_space<vmem>> -> memref<1x128xi32, #tpu.memory_space<vmem>>
        %dma_start3A_276 = tpu.memref_squeeze %dma_start3A_275 : memref<1x128xi32, #tpu.memory_space<vmem>> -> memref<128xi32, #tpu.memory_space<vmem>>
        %dma_start3A_277 = arith.constant 0 : i32
        %dma_start3A_278 = arith.constant 0 : i32
        %dma_start3A_279 = tpu.memref_slice %arg2[%dma_start3A_277, %dma_start3A_278] : memref<10240x128xf32, #tpu.memory_space<hbm>> -> memref<10240x128xf32, #tpu.memory_space<hbm>>
        tpu.enqueue_indirect_dma source(%dma_start3A_279 : memref<10240x128xf32, #tpu.memory_space<hbm>>) target(%arg10 : memref<128x128xf32, #tpu.memory_space<vmem>>) offsets(%dma_start3A_276 : memref<128xi32, #tpu.memory_space<vmem>>) semaphore(%arg12 : memref<!tpu.dma_semaphore, #tpu.memory_space<semaphore_mem>>)
      } else {
      }
      %dma_wait3A_235 = arith.constant 3 : i32
      %dma_wait3A_236 = arith.constant 0 : i32
      %dma_wait3A_237 = tpu.memref_slice %arg9[%dma_wait3A_235, %dma_wait3A_236] : memref<4x128xi32, #tpu.memory_space<vmem>> -> memref<1x128xi32, #tpu.memory_space<vmem>>
      %dma_wait3A_238 = tpu.memref_squeeze %dma_wait3A_237 : memref<1x128xi32, #tpu.memory_space<vmem>> -> memref<128xi32, #tpu.memory_space<vmem>>
      %dma_wait3A_239 = arith.constant 0 : i32
      %dma_wait3A_240 = arith.constant 0 : i32
      %dma_wait3A_241 = tpu.memref_slice %arg4[%add3A, %dma_wait3A_239, %dma_wait3A_240] : memref<32x80x128xi32, #tpu.memory_space<hbm>> -> memref<1x80x128xi32, #tpu.memory_space<hbm>>
      %dma_wait3A_242 = tpu.memref_squeeze %dma_wait3A_241 : memref<1x80x128xi32, #tpu.memory_space<hbm>> -> memref<80x128xi32, #tpu.memory_space<hbm>>
      %dma_wait3A_243 = arith.constant 0 : i32
      %dma_wait3A_244 = tpu.memref_slice %dma_wait3A_242[%add3A_227, %dma_wait3A_243] : memref<80x128xi32, #tpu.memory_space<hbm>> -> memref<1x128xi32, #tpu.memory_space<hbm>>
      %dma_wait3A_245 = tpu.memref_squeeze %dma_wait3A_244 : memref<1x128xi32, #tpu.memory_space<hbm>> -> memref<128xi32, #tpu.memory_space<hbm>>
      %dma_wait3A_246 = arith.constant 0 : i32
      %dma_wait3A_247 = tpu.memref_slice %arg9[%dma_wait3A_235, %dma_wait3A_246] : memref<4x128xi32, #tpu.memory_space<vmem>> -> memref<1x128xi32, #tpu.memory_space<vmem>>
      %dma_wait3A_248 = tpu.memref_squeeze %dma_wait3A_247 : memref<1x128xi32, #tpu.memory_space<vmem>> -> memref<128xi32, #tpu.memory_space<vmem>>
      %dma_wait3A_249 = arith.constant 0 : i32
      %dma_wait3A_250 = arith.constant 0 : i32
      %dma_wait3A_251 = tpu.memref_slice %arg4[%add3A, %dma_wait3A_249, %dma_wait3A_250] : memref<32x80x128xi32, #tpu.memory_space<hbm>> -> memref<1x80x128xi32, #tpu.memory_space<hbm>>
      %dma_wait3A_252 = tpu.memref_squeeze %dma_wait3A_251 : memref<1x80x128xi32, #tpu.memory_space<hbm>> -> memref<80x128xi32, #tpu.memory_space<hbm>>
      %dma_wait3A_253 = arith.constant 0 : i32
      %dma_wait3A_254 = tpu.memref_slice %dma_wait3A_252[%add3A_227, %dma_wait3A_253] : memref<80x128xi32, #tpu.memory_space<hbm>> -> memref<1x128xi32, #tpu.memory_space<hbm>>
      %dma_wait3A_255 = tpu.memref_squeeze %dma_wait3A_254 : memref<1x128xi32, #tpu.memory_space<hbm>> -> memref<128xi32, #tpu.memory_space<hbm>>
      tpu.wait_dma2 semaphore(%arg17 : memref<!tpu.dma_semaphore, #tpu.memory_space<semaphore_mem>>) src(%dma_wait3A_255 : memref<128xi32, #tpu.memory_space<hbm>>) dst(%dma_wait3A_248 : memref<128xi32, #tpu.memory_space<vmem>>)
      %dma_wait3A_256 = arith.constant 0 : i32
      %dma_wait3A_257 = tpu.memref_slice %arg8[%add3A_227, %dma_wait3A_256] : memref<80x128xi32, #tpu.memory_space<vmem>> -> memref<1x128xi32, #tpu.memory_space<vmem>>
      %dma_wait3A_258 = tpu.memref_squeeze %dma_wait3A_257 : memref<1x128xi32, #tpu.memory_space<vmem>> -> memref<128xi32, #tpu.memory_space<vmem>>
      %dma_wait3A_259 = arith.constant 0 : i32
      %dma_wait3A_260 = arith.constant 0 : i32
      %dma_wait3A_261 = tpu.memref_slice %arg2[%dma_wait3A_259, %dma_wait3A_260] : memref<10240x128xf32, #tpu.memory_space<hbm>> -> memref<10240x128xf32, #tpu.memory_space<hbm>>
      tpu.wait_indirect_dma semaphore(%arg13 : memref<!tpu.dma_semaphore, #tpu.memory_space<semaphore_mem>>) src(%dma_wait3A_261 : memref<10240x128xf32, #tpu.memory_space<hbm>>) dst(%arg11 : memref<128x128xf32, #tpu.memory_space<vmem>>)
      %run_scoped3A_262 = arith.constant 3 : i32
      "tpu.region"() ({
        %run_scoped3A_272 = tpu.sem_alloc : memref<!tpu.dma_semaphore, #tpu.memory_space<semaphore_mem>>
        %dma_start3A_273 = arith.constant 0 : i32
        %dma_start3A_274 = tpu.memref_slice %arg9[%run_scoped3A_262, %dma_start3A_273] : memref<4x128xi32, #tpu.memory_space<vmem>> -> memref<1x128xi32, #tpu.memory_space<vmem>>
        %dma_start3A_275 = tpu.memref_squeeze %dma_start3A_274 : memref<1x128xi32, #tpu.memory_space<vmem>> -> memref<128xi32, #tpu.memory_space<vmem>>
        %dma_start3A_276 = arith.constant 0 : i32
        %dma_start3A_277 = arith.constant 0 : i32
        %dma_start3A_278 = tpu.memref_slice %arg7[%dma_start3A_276, %dma_start3A_277] : memref<10240x128xf32, #tpu.memory_space<vmem_shared>> -> memref<10240x128xf32, #tpu.memory_space<vmem_shared>>
        tpu.enqueue_indirect_dma source(%arg11 : memref<128x128xf32, #tpu.memory_space<vmem>>) target(%dma_start3A_278 : memref<10240x128xf32, #tpu.memory_space<vmem_shared>>) offsets(%dma_start3A_275 : memref<128xi32, #tpu.memory_space<vmem>>) semaphore(%run_scoped3A_272 : memref<!tpu.dma_semaphore, #tpu.memory_space<semaphore_mem>>) {add = true}
        %dma_wait3A_279 = arith.constant 0 : i32
        %dma_wait3A_280 = tpu.memref_slice %arg9[%run_scoped3A_262, %dma_wait3A_279] : memref<4x128xi32, #tpu.memory_space<vmem>> -> memref<1x128xi32, #tpu.memory_space<vmem>>
        %dma_wait3A_281 = tpu.memref_squeeze %dma_wait3A_280 : memref<1x128xi32, #tpu.memory_space<vmem>> -> memref<128xi32, #tpu.memory_space<vmem>>
        %dma_wait3A_282 = arith.constant 0 : i32
        %dma_wait3A_283 = arith.constant 0 : i32
        %dma_wait3A_284 = tpu.memref_slice %arg7[%dma_wait3A_282, %dma_wait3A_283] : memref<10240x128xf32, #tpu.memory_space<vmem_shared>> -> memref<10240x128xf32, #tpu.memory_space<vmem_shared>>
        tpu.wait_indirect_dma semaphore(%run_scoped3A_272 : memref<!tpu.dma_semaphore, #tpu.memory_space<semaphore_mem>>) src(%arg11 : memref<128x128xf32, #tpu.memory_space<vmem>>) dst(%dma_wait3A_284 : memref<10240x128xf32, #tpu.memory_space<vmem_shared>>)
        tpu.yield
      }) : () -> ()
      %add3A_263 = arith.constant 4 : i32
      %add3A_264 = arith.addi %add3A_227, %add3A_263 : i32
      %sub3A_265 = arith.constant 1 : i32
      %sub3A_266 = arith.subi %add3A_264, %sub3A_265 : i32
      %lt3A_267 = arith.constant 80 : i32
      %lt3A_268 = arith.cmpi slt, %sub3A_266, %lt3A_267 : i32
      %convert_element_type3A_269 = arith.extui %lt3A_268 : i1 to i32
      %cond3A_270 = arith.constant 0 : i32
      %cond3A_271 = arith.cmpi ne, %convert_element_type3A_269, %cond3A_270 : i32
      scf.if %cond3A_271 {
        %add3A_272 = arith.constant 4 : i32
        %add3A_273 = arith.addi %add3A_227, %add3A_272 : i32
        %sub3A_274 = arith.constant 1 : i32
        %sub3A_275 = arith.subi %add3A_273, %sub3A_274 : i32
        %dma_start3A_276 = arith.constant 2 : i32
        %dma_start3A_277 = arith.constant 0 : i32
        %dma_start3A_278 = tpu.memref_slice %arg9[%dma_start3A_276, %dma_start3A_277] : memref<4x128xi32, #tpu.memory_space<vmem>> -> memref<1x128xi32, #tpu.memory_space<vmem>>
        %dma_start3A_279 = tpu.memref_squeeze %dma_start3A_278 : memref<1x128xi32, #tpu.memory_space<vmem>> -> memref<128xi32, #tpu.memory_space<vmem>>
        %dma_start3A_280 = arith.constant 0 : i32
        %dma_start3A_281 = arith.constant 0 : i32
        %dma_start3A_282 = tpu.memref_slice %arg4[%add3A, %dma_start3A_280, %dma_start3A_281] : memref<32x80x128xi32, #tpu.memory_space<hbm>> -> memref<1x80x128xi32, #tpu.memory_space<hbm>>
        %dma_start3A_283 = tpu.memref_squeeze %dma_start3A_282 : memref<1x80x128xi32, #tpu.memory_space<hbm>> -> memref<80x128xi32, #tpu.memory_space<hbm>>
        %dma_start3A_284 = arith.constant 0 : i32
        %dma_start3A_285 = tpu.memref_slice %dma_start3A_283[%sub3A_275, %dma_start3A_284] : memref<80x128xi32, #tpu.memory_space<hbm>> -> memref<1x128xi32, #tpu.memory_space<hbm>>
        %dma_start3A_286 = tpu.memref_squeeze %dma_start3A_285 : memref<1x128xi32, #tpu.memory_space<hbm>> -> memref<128xi32, #tpu.memory_space<hbm>>
        %dma_start3A_287 = arith.constant 0 : i32
        %dma_start3A_288 = tpu.memref_slice %arg9[%dma_start3A_276, %dma_start3A_287] : memref<4x128xi32, #tpu.memory_space<vmem>> -> memref<1x128xi32, #tpu.memory_space<vmem>>
        %dma_start3A_289 = tpu.memref_squeeze %dma_start3A_288 : memref<1x128xi32, #tpu.memory_space<vmem>> -> memref<128xi32, #tpu.memory_space<vmem>>
        %dma_start3A_290 = arith.constant 0 : i32
        %dma_start3A_291 = arith.constant 0 : i32
        %dma_start3A_292 = tpu.memref_slice %arg4[%add3A, %dma_start3A_290, %dma_start3A_291] : memref<32x80x128xi32, #tpu.memory_space<hbm>> -> memref<1x80x128xi32, #tpu.memory_space<hbm>>
        %dma_start3A_293 = tpu.memref_squeeze %dma_start3A_292 : memref<1x80x128xi32, #tpu.memory_space<hbm>> -> memref<80x128xi32, #tpu.memory_space<hbm>>
        %dma_start3A_294 = arith.constant 0 : i32
        %dma_start3A_295 = tpu.memref_slice %dma_start3A_293[%sub3A_275, %dma_start3A_294] : memref<80x128xi32, #tpu.memory_space<hbm>> -> memref<1x128xi32, #tpu.memory_space<hbm>>
        %dma_start3A_296 = tpu.memref_squeeze %dma_start3A_295 : memref<1x128xi32, #tpu.memory_space<hbm>> -> memref<128xi32, #tpu.memory_space<hbm>>
        tpu.enqueue_dma source(%dma_start3A_296 : memref<128xi32, #tpu.memory_space<hbm>>) target(%dma_start3A_289 : memref<128xi32, #tpu.memory_space<vmem>>) target_semaphore(%arg16 : memref<!tpu.dma_semaphore, #tpu.memory_space<semaphore_mem>>)
      } else {
      }
    }
    %scan3A_79 = arith.constant 20 : i32
    %barrier3A_80 = arith.constant 0 : index
    tpu.barrier barrier_id(%barrier3A_80)
    %mul3A_81 = arith.constant 640 : i32
    %mul3A_82 = arith.muli %arg1, %mul3A_81 : i32
    %mul3A_83 = arith.constant 640 : i32
    %mul3A_84 = arith.muli %arg1, %mul3A_83 : i32
    "tpu.region"() ({
      %run_scoped3A = tpu.sem_alloc : memref<!tpu.dma_semaphore, #tpu.memory_space<semaphore_mem>>
      %dma_start3A_85 = arith.constant 0 : i32
      %dma_start3A_86 = arith.constant 0 : i32
      %dma_start3A_87 = tpu.memref_slice %arg6[%arg0, %dma_start3A_85, %dma_start3A_86] : memref<2x10240x128xf32, #tpu.memory_space<hbm>> -> memref<1x10240x128xf32, #tpu.memory_space<hbm>>
      %dma_start3A_88 = tpu.memref_squeeze %dma_start3A_87 : memref<1x10240x128xf32, #tpu.memory_space<hbm>> -> memref<10240x128xf32, #tpu.memory_space<hbm>>
      %dma_start3A_89 = arith.constant 0 : i32
      %dma_start3A_90 = tpu.memref_slice %dma_start3A_88[%mul3A_84, %dma_start3A_89] : memref<10240x128xf32, #tpu.memory_space<hbm>> -> memref<640x128xf32, #tpu.memory_space<hbm>>
      %dma_start3A_91 = arith.constant 0 : i32
      %dma_start3A_92 = tpu.memref_slice %arg7[%mul3A_82, %dma_start3A_91] : memref<10240x128xf32, #tpu.memory_space<vmem_shared>> -> memref<640x128xf32, #tpu.memory_space<vmem_shared>>
      tpu.enqueue_dma source(%dma_start3A_92 : memref<640x128xf32, #tpu.memory_space<vmem_shared>>) target(%dma_start3A_90 : memref<640x128xf32, #tpu.memory_space<hbm>>) target_semaphore(%run_scoped3A : memref<!tpu.dma_semaphore, #tpu.memory_space<semaphore_mem>>)
      %dma_wait3A = arith.constant 0 : i32
      %dma_wait3A_93 = arith.constant 0 : i32
      %dma_wait3A_94 = tpu.memref_slice %arg6[%arg0, %dma_wait3A, %dma_wait3A_93] : memref<2x10240x128xf32, #tpu.memory_space<hbm>> -> memref<1x10240x128xf32, #tpu.memory_space<hbm>>
      %dma_wait3A_95 = tpu.memref_squeeze %dma_wait3A_94 : memref<1x10240x128xf32, #tpu.memory_space<hbm>> -> memref<10240x128xf32, #tpu.memory_space<hbm>>
      %dma_wait3A_96 = arith.constant 0 : i32
      %dma_wait3A_97 = tpu.memref_slice %dma_wait3A_95[%mul3A_84, %dma_wait3A_96] : memref<10240x128xf32, #tpu.memory_space<hbm>> -> memref<640x128xf32, #tpu.memory_space<hbm>>
      %dma_wait3A_98 = arith.constant 0 : i32
      %dma_wait3A_99 = tpu.memref_slice %arg7[%mul3A_82, %dma_wait3A_98] : memref<10240x128xf32, #tpu.memory_space<vmem_shared>> -> memref<640x128xf32, #tpu.memory_space<vmem_shared>>
      tpu.wait_dma2 semaphore(%run_scoped3A : memref<!tpu.dma_semaphore, #tpu.memory_space<semaphore_mem>>) src(%dma_wait3A_99 : memref<640x128xf32, #tpu.memory_space<vmem_shared>>) dst(%dma_wait3A_97 : memref<640x128xf32, #tpu.memory_space<hbm>>)
      tpu.yield
    }) : () -> ()
    return
  }
}

module attributes {stable_mosaic.version = 14 : i64} {
  func.func @_l1_body(%arg0: i32, %arg1: memref<1024x128xf32, #tpu.memory_space<vmem>>, %arg2: memref<2x1024x128xf32, #tpu.memory_space<vmem>>, %arg3: memref<128x128xf32, #tpu.memory_space<vmem>>, %arg4: memref<1024x128xf32, #tpu.memory_space<vmem>>) attributes {dimension_semantics = [#tpu.dimension_semantics<arbitrary>], iteration_bounds = array<i64: 10>, scalar_prefetch = 0 : i64, scratch_operands = 0 : i64, tpu.core_type = #tpu.core_type<tc>, window_params = [{transform_indices = @transform_0, window_bounds = array<i64: 1024, 128>}, {transform_indices = @transform_1, window_bounds = array<i64: 2, 1024, 128>}, {pipeline_mode = #tpu.pipeline_mode<synchronous>, transform_indices = @transform_2, window_bounds = array<i64: 128, 128>}, {transform_indices = @transform_3, window_bounds = array<i64: 1024, 128>}]} {
    %get3A = arith.constant 0 : index
    %get3A_0 = arith.constant 0 : index
    %get3A_1 = arith.constant 0 : index
    %get3A_2 = vector.load %arg2[%get3A, %get3A_0, %get3A_1] : memref<2x1024x128xf32, #tpu.memory_space<vmem>>, vector<2x1024x128xf32>
    %slice3A = vector.extract_strided_slice %get3A_2 {offsets = [0, 0, 0], sizes = [1, 1024, 1], strides = [1, 1, 1]} : vector<2x1024x128xf32> to vector<1x1024x1xf32>
    %squeeze3A = vector.shape_cast %slice3A : vector<1x1024x1xf32> to vector<1024x1xf32>
    %slice3A_3 = vector.extract_strided_slice %get3A_2 {offsets = [1, 0, 0], sizes = [1, 1024, 1], strides = [1, 1, 1]} : vector<2x1024x128xf32> to vector<1x1024x1xf32>
    %squeeze3A_4 = vector.shape_cast %slice3A_3 : vector<1x1024x1xf32> to vector<1024x1xf32>
    %add3A = arith.addf %squeeze3A, %squeeze3A_4 : vector<1024x1xf32>
    %add3A_5 = arith.constant 1.000000e+00 : f32
    %add3A_6 = vector.broadcast %add3A_5 : f32 to vector<1024x1xf32>
    %add3A_7 = arith.addf %add3A, %add3A_6 : vector<1024x1xf32>
    %rsqrt3A = math.rsqrt %add3A_7 : vector<1024x1xf32>
    %mul3A = arith.constant 1024 : i32
    %mul3A_8 = arith.muli %arg0, %mul3A : i32
    %iota3A = tpu.iota {dimensions = array<i32: 0>} : vector<1024x1xi32>
    %add3A_9 = vector.broadcast %mul3A_8 : i32 to vector<1024x1xi32>
    %add3A_10 = arith.addi %add3A_9, %iota3A : vector<1024x1xi32>
    %lt3A = arith.constant 10000 : i32
    %lt3A_11 = vector.broadcast %lt3A : i32 to vector<1024x1xi32>
    %lt3A_12 = arith.cmpi slt, %add3A_10, %lt3A_11 : vector<1024x1xi32>
    %jit3A = arith.constant 0.000000e+00 : f32
    %broadcast_in_dim3A = vector.broadcast %jit3A : f32 to vector<1024x1xf32>
    %select_n3A = arith.select %lt3A_12, %rsqrt3A, %broadcast_in_dim3A : vector<1024x1xi1>, vector<1024x1xf32>
    %get3A_13 = arith.constant 0 : index
    %get3A_14 = arith.constant 0 : index
    %get3A_15 = vector.load %arg1[%get3A_13, %get3A_14] : memref<1024x128xf32, #tpu.memory_space<vmem>>, vector<1024x128xf32>
    %get3A_16 = arith.constant 0 : index
    %get3A_17 = arith.constant 0 : index
    %get3A_18 = vector.load %arg3[%get3A_16, %get3A_17] : memref<128x128xf32, #tpu.memory_space<vmem>>, vector<128x128xf32>
    %dot_general3A = arith.constant dense<0.000000e+00> : vector<1024x128xf32>
    %dot_general3A_19 = tpu.matmul %get3A_15, %get3A_18, %dot_general3A {dimension_numbers = #tpu.dot_dimension_numbers<[1], [0], [0], [1], [0, 0, 1, 1], [], []>, transpose_lhs_hint = false} : vector<1024x128xf32>, vector<128x128xf32>, vector<1024x128xf32> -> vector<1024x128xf32>
    %mul3A_20 = vector.broadcast %select_n3A : vector<1024x1xf32> to vector<1024x128xf32>
    %mul3A_21 = arith.mulf %mul3A_20, %dot_general3A_19 : vector<1024x128xf32>
    %swap3A = arith.constant 0 : index
    %swap3A_22 = arith.constant 0 : index
    %swap3A_23 = vector.load %arg4[%swap3A, %swap3A_22] : memref<1024x128xf32, #tpu.memory_space<vmem>>, vector<1024x128xf32>
    tpu.vector_store %arg4[%swap3A, %swap3A_22], %mul3A_21 {strides = array<i32>} : memref<1024x128xf32, #tpu.memory_space<vmem>>, vector<1024x128xf32>,
    return
  }
  func.func @transform_0(%arg0: i32) -> (i32, i32) {
    %c0_i32 = arith.constant 0 : i32
    %c0_i32_0 = arith.constant 0 : i32
    return %arg0, %c0_i32 : i32, i32
  }
  func.func @transform_1(%arg0: i32) -> (i32, i32, i32) {
    %c0_i32 = arith.constant 0 : i32
    %c0_i32_0 = arith.constant 0 : i32
    %c0_i32_1 = arith.constant 0 : i32
    return %c0_i32, %arg0, %c0_i32_0 : i32, i32, i32
  }
  func.func @transform_2(%arg0: i32) -> (i32, i32) {
    %c0_i32 = arith.constant 0 : i32
    %c0_i32_0 = arith.constant 0 : i32
    %c0_i32_1 = arith.constant 0 : i32
    return %c0_i32, %c0_i32_0 : i32, i32
  }
  func.func @transform_3(%arg0: i32) -> (i32, i32) {
    %c0_i32 = arith.constant 0 : i32
    %c0_i32_0 = arith.constant 0 : i32
    return %arg0, %c0_i32 : i32, i32
  }
}

module attributes {stable_mosaic.version = 14 : i64} {
  func.func @_mid_body(%arg0: i32, %arg1: memref<2x1024x128xf32, #tpu.memory_space<vmem>>, %arg2: memref<1024x128xf32, #tpu.memory_space<vmem>>, %arg3: memref<2x1024x128xf32, #tpu.memory_space<vmem>>, %arg4: memref<128x128xf32, #tpu.memory_space<vmem>>, %arg5: memref<1x128xf32, #tpu.memory_space<vmem>>, %arg6: memref<1024x128xf32, #tpu.memory_space<vmem>>) attributes {dimension_semantics = [#tpu.dimension_semantics<arbitrary>], iteration_bounds = array<i64: 10>, scalar_prefetch = 0 : i64, scratch_operands = 0 : i64, tpu.core_type = #tpu.core_type<tc>, window_params = [{transform_indices = @transform_0, window_bounds = array<i64: 2, 1024, 128>}, {transform_indices = @transform_1, window_bounds = array<i64: 1024, 128>}, {transform_indices = @transform_2, window_bounds = array<i64: 2, 1024, 128>}, {pipeline_mode = #tpu.pipeline_mode<synchronous>, transform_indices = @transform_3, window_bounds = array<i64: 128, 128>}, {pipeline_mode = #tpu.pipeline_mode<synchronous>, transform_indices = @transform_4, window_bounds = array<i64: 1, 128>}, {transform_indices = @transform_5, window_bounds = array<i64: 1024, 128>}]} {
    %get3A = arith.constant 0 : index
    %get3A_0 = arith.constant 0 : index
    %get3A_1 = arith.constant 0 : index
    %get3A_2 = vector.load %arg3[%get3A, %get3A_0, %get3A_1] : memref<2x1024x128xf32, #tpu.memory_space<vmem>>, vector<2x1024x128xf32>
    %slice3A = vector.extract_strided_slice %get3A_2 {offsets = [0, 0, 0], sizes = [1, 1024, 1], strides = [1, 1, 1]} : vector<2x1024x128xf32> to vector<1x1024x1xf32>
    %squeeze3A = vector.shape_cast %slice3A : vector<1x1024x1xf32> to vector<1024x1xf32>
    %slice3A_3 = vector.extract_strided_slice %get3A_2 {offsets = [1, 0, 0], sizes = [1, 1024, 1], strides = [1, 1, 1]} : vector<2x1024x128xf32> to vector<1x1024x1xf32>
    %squeeze3A_4 = vector.shape_cast %slice3A_3 : vector<1x1024x1xf32> to vector<1024x1xf32>
    %add3A = arith.addf %squeeze3A, %squeeze3A_4 : vector<1024x1xf32>
    %add3A_5 = arith.constant 1.000000e+00 : f32
    %add3A_6 = vector.broadcast %add3A_5 : f32 to vector<1024x1xf32>
    %add3A_7 = arith.addf %add3A, %add3A_6 : vector<1024x1xf32>
    %rsqrt3A = math.rsqrt %add3A_7 : vector<1024x1xf32>
    %mul3A = arith.constant 1024 : i32
    %mul3A_8 = arith.muli %arg0, %mul3A : i32
    %iota3A = tpu.iota {dimensions = array<i32: 0>} : vector<1024x1xi32>
    %add3A_9 = vector.broadcast %mul3A_8 : i32 to vector<1024x1xi32>
    %add3A_10 = arith.addi %add3A_9, %iota3A : vector<1024x1xi32>
    %lt3A = arith.constant 10000 : i32
    %lt3A_11 = vector.broadcast %lt3A : i32 to vector<1024x1xi32>
    %lt3A_12 = arith.cmpi slt, %add3A_10, %lt3A_11 : vector<1024x1xi32>
    %jit3A = arith.constant 0.000000e+00 : f32
    %broadcast_in_dim3A = vector.broadcast %jit3A : f32 to vector<1024x1xf32>
    %select_n3A = arith.select %lt3A_12, %rsqrt3A, %broadcast_in_dim3A : vector<1024x1xi1>, vector<1024x1xf32>
    %get3A_13 = arith.constant 0 : index
    %get3A_14 = arith.constant 0 : index
    %get3A_15 = arith.constant 0 : index
    %get3A_16 = vector.load %arg1[%get3A_13, %get3A_14, %get3A_15] : memref<2x1024x128xf32, #tpu.memory_space<vmem>>, vector<2x1024x128xf32>
    %slice3A_17 = vector.extract_strided_slice %get3A_16 {offsets = [0, 0, 0], sizes = [1, 1024, 128], strides = [1, 1, 1]} : vector<2x1024x128xf32> to vector<1x1024x128xf32>
    %squeeze3A_18 = vector.shape_cast %slice3A_17 : vector<1x1024x128xf32> to vector<1024x128xf32>
    %slice3A_19 = vector.extract_strided_slice %get3A_16 {offsets = [1, 0, 0], sizes = [1, 1024, 128], strides = [1, 1, 1]} : vector<2x1024x128xf32> to vector<1x1024x128xf32>
    %squeeze3A_20 = vector.shape_cast %slice3A_19 : vector<1x1024x128xf32> to vector<1024x128xf32>
    %add3A_21 = arith.addf %squeeze3A_18, %squeeze3A_20 : vector<1024x128xf32>
    %get3A_22 = arith.constant 0 : index
    %get3A_23 = arith.constant 0 : index
    %get3A_24 = vector.load %arg2[%get3A_22, %get3A_23] : memref<1024x128xf32, #tpu.memory_space<vmem>>, vector<1024x128xf32>
    %add3A_25 = arith.addf %add3A_21, %get3A_24 : vector<1024x128xf32>
    %mul3A_26 = vector.broadcast %select_n3A : vector<1024x1xf32> to vector<1024x128xf32>
    %mul3A_27 = arith.mulf %mul3A_26, %add3A_25 : vector<1024x128xf32>
    %get3A_28 = arith.constant 0 : index
    %get3A_29 = arith.constant 0 : index
    %get3A_30 = vector.load %arg5[%get3A_28, %get3A_29] : memref<1x128xf32, #tpu.memory_space<vmem>>, vector<1x128xf32>
    %add3A_31 = vector.broadcast %get3A_30 : vector<1x128xf32> to vector<1024x128xf32>
    %add3A_32 = arith.addf %mul3A_27, %add3A_31 : vector<1024x128xf32>
    %max3A = arith.constant 0.000000e+00 : f32
    %max3A_33 = vector.broadcast %max3A : f32 to vector<1024x128xf32>
    %max3A_34 = arith.maximumf %add3A_32, %max3A_33 : vector<1024x128xf32>
    %get3A_35 = arith.constant 0 : index
    %get3A_36 = arith.constant 0 : index
    %get3A_37 = vector.load %arg4[%get3A_35, %get3A_36] : memref<128x128xf32, #tpu.memory_space<vmem>>, vector<128x128xf32>
    %dot_general3A = arith.constant dense<0.000000e+00> : vector<1024x128xf32>
    %dot_general3A_38 = tpu.matmul %max3A_34, %get3A_37, %dot_general3A {dimension_numbers = #tpu.dot_dimension_numbers<[1], [0], [0], [1], [0, 0, 1, 1], [], []>, transpose_lhs_hint = false} : vector<1024x128xf32>, vector<128x128xf32>, vector<1024x128xf32> -> vector<1024x128xf32>
    %mul3A_39 = vector.broadcast %select_n3A : vector<1024x1xf32> to vector<1024x128xf32>
    %mul3A_40 = arith.mulf %mul3A_39, %dot_general3A_38 : vector<1024x128xf32>
    %swap3A = arith.constant 0 : index
    %swap3A_41 = arith.constant 0 : index
    %swap3A_42 = vector.load %arg6[%swap3A, %swap3A_41] : memref<1024x128xf32, #tpu.memory_space<vmem>>, vector<1024x128xf32>
    tpu.vector_store %arg6[%swap3A, %swap3A_41], %mul3A_40 {strides = array<i32>} : memref<1024x128xf32, #tpu.memory_space<vmem>>, vector<1024x128xf32>,
    return
  }
  func.func @transform_0(%arg0: i32) -> (i32, i32, i32) {
    %c0_i32 = arith.constant 0 : i32
    %c0_i32_0 = arith.constant 0 : i32
    %c0_i32_1 = arith.constant 0 : i32
    return %c0_i32, %arg0, %c0_i32_0 : i32, i32, i32
  }
  func.func @transform_1(%arg0: i32) -> (i32, i32) {
    %c0_i32 = arith.constant 0 : i32
    %c0_i32_0 = arith.constant 0 : i32
    return %arg0, %c0_i32 : i32, i32
  }
  func.func @transform_2(%arg0: i32) -> (i32, i32, i32) {
    %c0_i32 = arith.constant 0 : i32
    %c0_i32_0 = arith.constant 0 : i32
    %c0_i32_1 = arith.constant 0 : i32
    return %c0_i32, %arg0, %c0_i32_0 : i32, i32, i32
  }
  func.func @transform_3(%arg0: i32) -> (i32, i32) {
    %c0_i32 = arith.constant 0 : i32
    %c0_i32_0 = arith.constant 0 : i32
    %c0_i32_1 = arith.constant 0 : i32
    return %c0_i32, %c0_i32_0 : i32, i32
  }
  func.func @transform_4(%arg0: i32) -> (i32, i32) {
    %c0_i32 = arith.constant 0 : i32
    %c0_i32_0 = arith.constant 0 : i32
    %c0_i32_1 = arith.constant 0 : i32
    return %c0_i32, %c0_i32_0 : i32, i32
  }
  func.func @transform_5(%arg0: i32) -> (i32, i32) {
    %c0_i32 = arith.constant 0 : i32
    %c0_i32_0 = arith.constant 0 : i32
    return %arg0, %c0_i32 : i32, i32
  }
}

module attributes {stable_mosaic.version = 14 : i64} {
  func.func @_fin_body(%arg0: i32, %arg1: memref<2x1024x128xf32, #tpu.memory_space<vmem>>, %arg2: memref<1024x128xf32, #tpu.memory_space<vmem>>, %arg3: memref<2x1024x128xf32, #tpu.memory_space<vmem>>, %arg4: memref<1x64xf32, #tpu.memory_space<vmem>>, %arg5: memref<1024x64xf32, #tpu.memory_space<vmem>>) attributes {dimension_semantics = [#tpu.dimension_semantics<arbitrary>], iteration_bounds = array<i64: 10>, scalar_prefetch = 0 : i64, scratch_operands = 0 : i64, tpu.core_type = #tpu.core_type<tc>, window_params = [{transform_indices = @transform_0, window_bounds = array<i64: 2, 1024, 128>}, {transform_indices = @transform_1, window_bounds = array<i64: 1024, 128>}, {transform_indices = @transform_2, window_bounds = array<i64: 2, 1024, 128>}, {pipeline_mode = #tpu.pipeline_mode<synchronous>, transform_indices = @transform_3, window_bounds = array<i64: 1, 64>}, {transform_indices = @transform_4, window_bounds = array<i64: 1024, 64>}]} {
    %get3A = arith.constant 0 : index
    %get3A_0 = arith.constant 0 : index
    %get3A_1 = arith.constant 0 : index
    %get3A_2 = vector.load %arg3[%get3A, %get3A_0, %get3A_1] : memref<2x1024x128xf32, #tpu.memory_space<vmem>>, vector<2x1024x128xf32>
    %slice3A = vector.extract_strided_slice %get3A_2 {offsets = [0, 0, 0], sizes = [1, 1024, 1], strides = [1, 1, 1]} : vector<2x1024x128xf32> to vector<1x1024x1xf32>
    %squeeze3A = vector.shape_cast %slice3A : vector<1x1024x1xf32> to vector<1024x1xf32>
    %slice3A_3 = vector.extract_strided_slice %get3A_2 {offsets = [1, 0, 0], sizes = [1, 1024, 1], strides = [1, 1, 1]} : vector<2x1024x128xf32> to vector<1x1024x1xf32>
    %squeeze3A_4 = vector.shape_cast %slice3A_3 : vector<1x1024x1xf32> to vector<1024x1xf32>
    %add3A = arith.addf %squeeze3A, %squeeze3A_4 : vector<1024x1xf32>
    %add3A_5 = arith.constant 1.000000e+00 : f32
    %add3A_6 = vector.broadcast %add3A_5 : f32 to vector<1024x1xf32>
    %add3A_7 = arith.addf %add3A, %add3A_6 : vector<1024x1xf32>
    %rsqrt3A = math.rsqrt %add3A_7 : vector<1024x1xf32>
    %mul3A = arith.constant 1024 : i32
    %mul3A_8 = arith.muli %arg0, %mul3A : i32
    %iota3A = tpu.iota {dimensions = array<i32: 0>} : vector<1024x1xi32>
    %add3A_9 = vector.broadcast %mul3A_8 : i32 to vector<1024x1xi32>
    %add3A_10 = arith.addi %add3A_9, %iota3A : vector<1024x1xi32>
    %lt3A = arith.constant 10000 : i32
    %lt3A_11 = vector.broadcast %lt3A : i32 to vector<1024x1xi32>
    %lt3A_12 = arith.cmpi slt, %add3A_10, %lt3A_11 : vector<1024x1xi32>
    %jit3A = arith.constant 0.000000e+00 : f32
    %broadcast_in_dim3A = vector.broadcast %jit3A : f32 to vector<1024x1xf32>
    %select_n3A = arith.select %lt3A_12, %rsqrt3A, %broadcast_in_dim3A : vector<1024x1xi1>, vector<1024x1xf32>
    %get3A_13 = arith.constant 0 : index
    %get3A_14 = arith.constant 0 : index
    %get3A_15 = arith.constant 0 : index
    %get3A_16 = vector.load %arg1[%get3A_13, %get3A_14, %get3A_15] : memref<2x1024x128xf32, #tpu.memory_space<vmem>>, vector<2x1024x128xf32>
    %slice3A_17 = vector.extract_strided_slice %get3A_16 {offsets = [0, 0, 0], sizes = [1, 1024, 128], strides = [1, 1, 1]} : vector<2x1024x128xf32> to vector<1x1024x128xf32>
    %squeeze3A_18 = vector.shape_cast %slice3A_17 : vector<1x1024x128xf32> to vector<1024x128xf32>
    %slice3A_19 = vector.extract_strided_slice %get3A_16 {offsets = [1, 0, 0], sizes = [1, 1024, 128], strides = [1, 1, 1]} : vector<2x1024x128xf32> to vector<1x1024x128xf32>
    %squeeze3A_20 = vector.shape_cast %slice3A_19 : vector<1x1024x128xf32> to vector<1024x128xf32>
    %add3A_21 = arith.addf %squeeze3A_18, %squeeze3A_20 : vector<1024x128xf32>
    %get3A_22 = arith.constant 0 : index
    %get3A_23 = arith.constant 0 : index
    %get3A_24 = vector.load %arg2[%get3A_22, %get3A_23] : memref<1024x128xf32, #tpu.memory_space<vmem>>, vector<1024x128xf32>
    %add3A_25 = arith.addf %add3A_21, %get3A_24 : vector<1024x128xf32>
    %mul3A_26 = vector.broadcast %select_n3A : vector<1024x1xf32> to vector<1024x128xf32>
    %mul3A_27 = arith.mulf %mul3A_26, %add3A_25 : vector<1024x128xf32>
    %slice3A_28 = vector.extract_strided_slice %mul3A_27 {offsets = [0, 0], sizes = [1024, 64], strides = [1, 1]} : vector<1024x128xf32> to vector<1024x64xf32>
    %get3A_29 = arith.constant 0 : index
    %get3A_30 = arith.constant 0 : index
    %get3A_31 = vector.load %arg4[%get3A_29, %get3A_30] : memref<1x64xf32, #tpu.memory_space<vmem>>, vector<1x64xf32>
    %add3A_32 = vector.broadcast %get3A_31 : vector<1x64xf32> to vector<1024x64xf32>
    %add3A_33 = arith.addf %slice3A_28, %add3A_32 : vector<1024x64xf32>
    %max3A = arith.constant 0.000000e+00 : f32
    %max3A_34 = vector.broadcast %max3A : f32 to vector<1024x64xf32>
    %max3A_35 = arith.maximumf %add3A_33, %max3A_34 : vector<1024x64xf32>
    %reduce_max3A = arith.constant dense<0xFF800000> : vector<1024xf32>
    %reduce_max3A_36 = vector.multi_reduction <maximumf>, %max3A_35, %reduce_max3A [1] : vector<1024x64xf32> to vector<1024xf32>
    %broadcast_in_dim3A_37 = vector.shape_cast %reduce_max3A_36 : vector<1024xf32> to vector<1024x1xf32>
    %sub3A = vector.broadcast %broadcast_in_dim3A_37 : vector<1024x1xf32> to vector<1024x64xf32>
    %sub3A_38 = arith.subf %max3A_35, %sub3A : vector<1024x64xf32>
    %exp3A = math.exp %sub3A_38 : vector<1024x64xf32>
    %reduce_sum3A = arith.constant dense<0.000000e+00> : vector<1024xf32>
    %reduce_sum3A_39 = vector.multi_reduction <add>, %exp3A, %reduce_sum3A [1] : vector<1024x64xf32> to vector<1024xf32>
    %broadcast_in_dim3A_40 = vector.shape_cast %reduce_sum3A_39 : vector<1024xf32> to vector<1024x1xf32>
    %log3A = math.log %broadcast_in_dim3A_40 : vector<1024x1xf32>
    %add3A_41 = arith.addf %broadcast_in_dim3A_37, %log3A : vector<1024x1xf32>
    %sub3A_42 = vector.broadcast %add3A_41 : vector<1024x1xf32> to vector<1024x64xf32>
    %sub3A_43 = arith.subf %max3A_35, %sub3A_42 : vector<1024x64xf32>
    %swap3A = arith.constant 0 : index
    %swap3A_44 = arith.constant 0 : index
    %swap3A_45 = vector.load %arg5[%swap3A, %swap3A_44] : memref<1024x64xf32, #tpu.memory_space<vmem>>, vector<1024x64xf32>
    tpu.vector_store %arg5[%swap3A, %swap3A_44], %sub3A_43 {strides = array<i32>} : memref<1024x64xf32, #tpu.memory_space<vmem>>, vector<1024x64xf32>,
    return
  }
  func.func @transform_0(%arg0: i32) -> (i32, i32, i32) {
    %c0_i32 = arith.constant 0 : i32
    %c0_i32_0 = arith.constant 0 : i32
    %c0_i32_1 = arith.constant 0 : i32
    return %c0_i32, %arg0, %c0_i32_0 : i32, i32, i32
  }
  func.func @transform_1(%arg0: i32) -> (i32, i32) {
    %c0_i32 = arith.constant 0 : i32
    %c0_i32_0 = arith.constant 0 : i32
    return %arg0, %c0_i32 : i32, i32
  }
  func.func @transform_2(%arg0: i32) -> (i32, i32, i32) {
    %c0_i32 = arith.constant 0 : i32
    %c0_i32_0 = arith.constant 0 : i32
    %c0_i32_1 = arith.constant 0 : i32
    return %c0_i32, %arg0, %c0_i32_0 : i32, i32, i32
  }
  func.func @transform_3(%arg0: i32) -> (i32, i32) {
    %c0_i32 = arith.constant 0 : i32
    %c0_i32_0 = arith.constant 0 : i32
    %c0_i32_1 = arith.constant 0 : i32
    return %c0_i32, %c0_i32_0 : i32, i32
  }
  func.func @transform_4(%arg0: i32) -> (i32, i32) {
    %c0_i32 = arith.constant 0 : i32
    %c0_i32_0 = arith.constant 0 : i32
    return %arg0, %c0_i32 : i32, i32
  }
}

</mosaic_0001>

<sc_bundles>
// kernel: _run.10.cloned.1.call-start
scs
__scs_entry_jumppad:
0x0: {  	(pc) =	sbr.rel $0x88, $3  }
0x1: {  	(tag) =	ssettag $0x0;
	lr =	simm.s32 $0x1  }
0x2: {  	[smem:$0x3F99] =	sst lr;
	_ =	strace $0xD0000000  }
0x3: {  	_ = 	snop  }
0x4: {  	_ = 	snop  }
0x5: {  	_ = 	snop  }
0x6: {  	_ = 	snop  }
0x7: {  	_ = 	snop  }
__scs_overlays_trampoline_lowered:
0x8: {  	[smem:$0x3FA8] =	sst s0  }
0x9: {  	[smem:$0x3FA9] =	sst s1  }
0xa: {  	[smem:$0x3FAA] =	sst s2  }
0xb: {  	[smem:$0x3FAB] =	sst s3  }
0xc: {  	[smem:$0x3FAC] =	sst s4  }
0xd: {  	[smem:$0x3FAD] =	sst s5  }
0xe: {  	[smem:$0x3FAE] =	sst s6  }
0xf: {  	[smem:$0x3FAF] =	sst s7  }
0x10: {  	[smem:$0x3FB0] =	sst s8  }
0x11: {  	[smem:$0x3FB1] =	sst s9;
	s0 =	simm.s32 @!p0 $0x0  }
0x12: {  	s1 =	sld [smem:$0x3F97];
	s0 =	simm.s32 @p0 $0x1  }
0x13: {  	[smem:$0x3FB2] =	sst s0;
	s0 =	simm.s32 @!p1 $0x0  }
0x14: {  	s2 =	sld [smem:$0x3F96];
	s0 =	simm.s32 @p1 $0x1  }
0x15: {  	[smem:$0x3FB3] =	sst s0;
	s0 =	simm.s32 @!p2 $0x0  }
0x16: {  	s3 =	sld [smem:$0x3FDB];
	s0 =	simm.s32 @p2 $0x1  }
0x17: {  	s4 =	simm.s32 $0x1BF5;
	[smem:$0x3FB5] =	sst s0  }
0x18: {  	s0 =	sld [smem:$0x3F98];
	_ =	swait.ge [sflag:s4], $0x0  }
0x19: {  	s7 =	sld [smem:$0x3F99]  }
0x1a: {  	s8 =	sadd.s32 $0xFFFFE003, lr  }
0x1b: {  	s9 =	sadd.s32 $0xFFFFFEF7, lr;
	s5 =	simm.s32 $0xFFFFFFFF;
	p2 =	slt.u32 s8, $0xFFFFF086  }
0x1c: {  	p1 =	slt.u32 s9, $0xF7A;
	s5 =	simm.s32 @!p2 $0x0  }
0x1d: {  	s5 =	simm.s32 @p1 $0x1;
	p0 =	seq.s32 s7, s2  }
0x1e: {  	s7 =	smul.u32 @!p0 $0xF7A, s2;
	p2 =	seq.s32 @!p0 s5, $0x0  }
0x1f: {  	s9 =	smul.u32 $0xF7A, s1;
	s8 =	simm.s32 @!p0 $0x1BF5;
	p2 =	por !p2, p0  }
0x20: {  	[sflag:s8] =	ssyncset.s32 @!p0 $0xFFFFF086;
	s6 =	sadd.s32 @!p0 s3, s7;
	s7 =	simm.s32 @!p0 $0x108  }
0x21: {  	s3 =	sadd.s32 s3, s9;
	s6 =	sadd.s32 @!p0 $0x88, s6;
	s7 =	simm.s32 @p2 $0x1082  }
0x22: {  	[simem:s7], [sflag:s8] =	dma.local @!p0 [hbm:s6], $0xF7A  }
0x23: {  	s9 =	sor.u32 $0xD0000000, s2;
	s6 =	simm.s32 $0x108;
	_ =	swait.ge @!p0 [sflag:s8], $0x0  }
0x24: {  	s3 =	sadd.s32 $0x88, s3;
	s6 =	simm.s32 @!p1 $0x1082;
	[sflag:s4] =	ssyncset.s32 $0xFFFFF086  }
0x25: {  	[simem:s6], [sflag:s4] =	dma.local [hbm:s3], $0xF7A  }
0x26: {  	[smem:$0x3F99] =	sst s1;
	(tag) =	ssettag s2;
	_ =	strace s9  }
0x27: {  	s1 =	sld [smem:$0x3FA9]  }
0x28: {  	s2 =	sld [smem:$0x3FAA]  }
0x29: {  	s4 =	sld [smem:$0x3FAC]  }
0x2a: {  	p0 =	seq.s32 s5, $0x0;
	s5 =	sld [smem:$0x3FAD]  }
0x2b: {  	s6 =	sld [smem:$0x3FAE]  }
0x2c: {  	s7 =	sld [smem:$0x3FAF]  }
0x2d: {  	s3 =	simm.s32 $0x108;
	s8 =	sld [smem:$0x3FB0]  }
0x2e: {  	s3 =	simm.s32 @!p0 $0x1082;
	s9 =	sld [smem:$0x3FB1]  }
0x2f: {  	lr =	sadd.s32 s0, s3;
	s0 =	sld [smem:$0x3FA8]  }
0x30: {  	s3 =	sld [smem:$0x3FAB]  }
0x31: {  	[smem:$0x3FB4] =	sst s10  }
0x32: {  	s10 =	sld [smem:$0x3FB2];
	_ =	sdelay $0x3  }
0x33: {  	p0 =	seq.s32 s10, $0x1;
	s10 =	sld [smem:$0x3FB4];
	_ =	sdelay $0x3  }
0x34: {  	[smem:$0x3FB4] =	sst s10  }
0x35: {  	s10 =	sld [smem:$0x3FB3];
	_ =	sdelay $0x3  }
0x36: {  	p1 =	seq.s32 s10, $0x1;
	s10 =	sld [smem:$0x3FB4];
	_ =	sdelay $0x3  }
0x37: {  	[smem:$0x3FB4] =	sst s10  }
0x38: {  	s10 =	sld [smem:$0x3FB5]  }
0x39: {  	_ = 	snop;
	(pc) =	sbr.ind lr, $3  }
0x3a: {  	_ = 	snop  }
0x3b: {  	_ = 	snop  }
0x3c: {  	p2 =	seq.s32 s10, $0x1;
	s10 =	sld [smem:$0x3FB4]  }
0x3d: {  	_ =	shalt  }
0x3e: {  	_ =	shalt  }
0x3f: {  	_ =	shalt  }
0x40: {  	_ =	shalt  }
0x41: {  	_ =	shalt  }
0x42: {  	_ =	shalt  }
0x43: {  	_ =	shalt  }
0x44: {  	_ =	shalt  }
0x45: {  	_ =	shalt  }
0x46: {  	_ =	shalt  }
0x47: {  	_ =	shalt  }
0x48: {  	_ =	shalt  }
0x49: {  	_ =	shalt  }
0x4a: {  	_ =	shalt  }
0x4b: {  	_ =	shalt  }
0x4c: {  	_ =	shalt  }
0x4d: {  	_ =	shalt  }
0x4e: {  	_ =	shalt  }
0x4f: {  	_ =	shalt  }
0x50: {  	_ =	shalt  }
0x51: {  	_ =	shalt  }
0x52: {  	_ =	shalt  }
0x53: {  	_ =	shalt  }
0x54: {  	_ =	shalt  }
0x55: {  	_ =	shalt  }
0x56: {  	_ =	shalt  }
0x57: {  	_ =	shalt  }
0x58: {  	_ =	shalt  }
0x59: {  	_ =	shalt  }
0x5a: {  	_ =	shalt  }
0x5b: {  	_ =	shalt  }
0x5c: {  	_ =	shalt  }
0x5d: {  	_ =	shalt  }
0x5e: {  	_ =	shalt  }
0x5f: {  	_ =	shalt  }
0x60: {  	_ =	shalt  }
0x61: {  	_ =	shalt  }
0x62: {  	_ =	shalt  }
0x63: {  	_ =	shalt  }
0x64: {  	_ =	shalt  }
0x65: {  	_ =	shalt  }
0x66: {  	_ =	shalt  }
0x67: {  	_ =	shalt  }
0x68: {  	_ =	shalt  }
0x69: {  	_ =	shalt  }
0x6a: {  	_ =	shalt  }
0x6b: {  	_ =	shalt  }
0x6c: {  	_ =	shalt  }
0x6d: {  	_ =	shalt  }
0x6e: {  	_ =	shalt  }
0x6f: {  	_ =	shalt  }
0x70: {  	_ =	shalt  }
0x71: {  	_ =	shalt  }
0x72: {  	_ =	shalt  }
0x73: {  	_ =	shalt  }
0x74: {  	_ =	shalt  }
0x75: {  	_ =	shalt  }
0x76: {  	_ =	shalt  }
0x77: {  	_ =	shalt  }
0x78: {  	_ =	shalt  }
0x79: {  	_ =	shalt  }
0x7a: {  	_ =	shalt  }
0x7b: {  	_ =	shalt  }
0x7c: {  	_ =	shalt  }
0x7d: {  	_ =	shalt  }
0x7e: {  	_ =	shalt  }
0x7f: {  	_ =	shalt  }
0x80: {  	_ =	shalt  }
0x81: {  	_ =	shalt  }
0x82: {  	_ =	shalt  }
0x83: {  	_ =	shalt  }
0x84: {  	_ =	shalt  }
0x85: {  	_ =	shalt  }
0x86: {  	_ =	shalt  }
0x87: {  	_ =	shalt  }
.Lfunc_end0:
.L_simem_size_0:
called_computation_lowered:
.L_overlay_start_0:
0x88: {  	s2 =	sld [smem:$0x3FD9]  }
0x89: {  	s3 =	sld [smem:$0x3FFE];
	_ =	sdelay $0x1  }
0x8a: {  	s1 =	srdreg.scid  }
0x8b: {  	s0 =	sand.u32 $0x1, s1  }
0x8c: {  	s17 =	sshll.u32 s0, $0xA;
	s2 =	sadd.s32 s3, s2  }
0x8d: {  	s2 =	sadd.s32 s2, s17  }
0x8e: {  	[smem:$0x3FC0] =	sst s2  }
0x8f: {  	_ = 	snop  }
0x90: {  	s2 =	sld [smem:$0x3FD0];
	(tm) =	ssettm $0x1  }
0x91: {  	s18 =	sld [smem:$0x3FFB];
	_ =	sdelay $0x3  }
0x92: {  	_ =	strace s18  }
0x93: {  	s3 =	sld [smem:$0x3FFC];
	_ =	sdelay $0x3  }
0x94: {  	_ =	strace s3  }
0x95: {  	s3 =	sld [smem:$0x3FFD];
	_ =	sdelay $0x3  }
0x96: {  	_ =	strace s3  }
0x97: {  	_ =	strace $0x8FFFFFFF  }
0x98: {  	s19 =	sld [smem:$0x3FDB];
	_ =	sdelay $0x1  }
0x99: {  	s4 =	simm.s32 $_scs_section_size  }
0x9a: {  	s5 =	simm.s32 $_size__tile_overlayer_lowered;
	s6 =	simm.s32 $_tile_overlayer_lowered  }
0x9b: {  	s22 =	simm.s32 $0x1BFF;
	s21 =	sshll.u32 s6, $0x1;
	s3 =	sadd.s32 s4, s19  }
0x9c: {  	s7 =	simm.s32 $0x0;
	s20 =	sshll.u32 s5, $0x1;
	s5 =	sadd.s32 s21, s3  }
0x9d: {  	[timem:s7], [sflag:s22] =	dma.local [hbm:s5], s20  }
0x9e: {  	_ =	swait.ge [sflag:s22], s20  }
0x9f: {  	s4 =	ssub.s32 $0x0, s20;
	[sflag:s22] =	ssyncset.done $0x0  }
0xa0: {  	[sflag:s22] =	ssyncadd.s32 s4;
	_ =	sdelay $0x1  }
0xa1: {  	s23 =	simm.s32 $0x1B8B  }
0xa2: {  	_ =	swait.ge [sflag:s23], $0x1  }
0xa3: {  	[sflag:s23] =	ssyncset.done $0x0  }
0xa4: {  	s25 =	simm.s32 $0x1B8E;
	s24 =	sld [smem:$0x3FFE];
	[sflag:s23] =	ssyncadd.s32 $0xFFFFFFFF  }
0xa5: {  	s26 =	simm.s32 $execute0_lowered;
	[smem:$0x3FD2] =	sst s25  }
0xa6: {  	s5 =	sshll.u32 s26, $0x1;
	_ =	strace $0x80000046;
	[dreg:$0x1] =	wrdreg $0xFFFFFFFF  }
0xa7: {  	s28 =	simm.s32 $_size_execute0_lowered;
	s3 =	sadd.s32 s3, s5;
	[dreg:$0x0] =	wrdreg $0x0  }
0xa8: {  	s5 =	sshll.u32 s28, $0x1;
	[dreg:$0x2] =	wrdreg s3  }
0xa9: {  	[dreg:$0x3] =	wrdreg s5  }
0xaa: {  	[dreg:$0x4] =	wrdreg $0xC0  }
0xab: {  	_ =	task [dreg:s7], $0x5FFFF  }
0xac: {  	[dreg:$0x1] =	wrdreg $0xFFFFFFFF  }
0xad: {  	[dreg:$0x0] =	wrdreg $0x60  }
0xae: {  	[dreg:$0x2] =	wrdreg s2  }
0xaf: {  	[dreg:$0x3] =	wrdreg s24  }
0xb0: {  	[dreg:$0x4] =	wrdreg $0x0  }
0xb1: {  	[dreg:$0x5] =	wrdreg $0x9  }
0xb2: {  	_ =	task.clear_ibuf [dreg:s7], $0x6FFFF;
	_ =	strace $0x90000046  }
0xb3: {  	s29 =	simm.s32 $0x9;
	_ =	strace $0x80000048  }
0xb4: {  	_ =	swait.ge [sflag:s29], $0x1  }
0xb5: {  	[sflag:s29] =	ssyncadd.s32 $0xFFFFFFFF  }
0xb6: {  	_ =	strace $0x90000048  }
0xb7: {  	_ =	sfence  }
0xb8: {  	s30 =	sld [smem:$0x0];
	_ =	sdelay $0x2  }
0xb9: {  	s31 =	sshll.u32 s1, $0xD;
	s1 =	sshrl.u32 s1, $0x2  }
0xba: {  	s3 =	sand.u32 $0x4000, s31;
	s1 =	sadd.s32 s1, s30  }
0xbb: {  	s0 =	sor.u32 s3, s0;
	s1 =	sshll.u32 s1, $0x11  }
0xbc: {  	s0 =	sor.u32 s1, s0  }
0xbd: {  	s0 =	sadd.s32 $0x8F2B, s0  }
0xbe: {  	[sflag:s0] =	ssyncadd.remote.s32 $0x1  }
0xbf: {  	_ =	sfence.sel $0xFFFF  }
0xc0: {  	[dreg:$0x0] =	wrdreg $0xFFFFFFFF;
	(pc) =	sbr.abs _section_cstart, $3  }
0xc1: {  	[dreg:$0x1] =	wrdreg $0xFFFFFFFF  }
0xc2: {  	_ =	task.clear_ibuf [dreg:s7], $0x2FFFF;
	_ =	strace $0x9FFFFFFF  }
0xc3: {  	(tm) =	ssettm $0x7FFFFFFF  }
tec
execute0_lowered:
.L_overlay_start_1:
0x0: {  	(tag) =	ssettag $0x1  }
0x1: {  	s7 =	rddreg [dreg:$0x0]  }
0x2: {  	s6 =	rddreg [dreg:$0x1]  }
0x3: {  	s1 =	rddreg [dreg:$0x2]  }
0x4: {  	s0 =	rddreg [dreg:$0x3];
	s2 =	simm.s32 $0x0;
	s3 =	srdreg.scid  }
0x5: {  	s12 =	simm.s32 $0x18000;
	s13 =	simm.s32 $0x80;
	[smem:$0x7FF] =	sst s2  }
0x6: {  	s8 =	sand.u32 $0x1, s3;
	s4 =	sadd.s32 $0x3600, s6;
	s3 =	stileid.u32  }
0x7: {  	s5 =	sadd.s32 $0x3E00, s6;
	_ =	strace $0x80000047;
	s9 =	smul.u32 $0x28000, s8  }
0x8: {  	s10 =	smul.u32 $0x50000, s3;
	s11 =	sshll.u32 s8, $0x4;
	s28 =	ssub.s32 $0x2, s8  }
0x9: {  	s31 =	sshll.u32 s3, $0x6;
	s15 =	smul.u32 $0x2800, s3;
	s29 =	sor.u32 s3, s11  }
0xa: {  	s30 =	sshrl.u32 s28, $0x1;
	s9 =	sadd.s32 s9, s6;
	s8 =	smul.u32 $0x500, s29  }
0xb: {  	s10 =	sshrl.u32 s10, $0x2;
	s11 =	ssub.s32 s28, s30;
	s6 =	sor.u32 $0x1C01, s31  }
0xc: {  	s10 =	sadd.s32 s10, s1;
	s14 =	sadd.s32 $0x6600, s9;
	s7 =	sadd.s32 s7, s8  }
0xd: {  	s8 =	smax.u32 s11, $0x1;
	s9 =	sshrl.u32 s10, $0x3;
	s10 =	simm.s32 $0x1  }
0xe: {  	s11 =	simm.s32 $0x14000;
	s14 =	sadd.s32 s15, s14;
	s15 =	simm.s32 $0x0  }
.LBB2_1:
0xf: {  	[spmem:s9], [sflag:s6] =	dma.local [hbm:s5], $0x2800  }
0x10: {  	_ =	swait.ge [sflag:s10], $0x2800  }
0x11: {  	[sflag:s10] =	ssyncset.done $0x0  }
0x12: {  	[sflag:s10] =	ssyncadd.s32 $0xFFFFD800  }
0x13: {  	[tilespmem:s11], [sflag:$0x1] =	stream.linear.gather [hbm4b:s4+s2], $0x4000, $0x38;
	[tilespmem:$0x1A800] =	vst v63  }
0x14: {  	_ =	swait.ge [sflag:s10], $0x4000  }
0x15: {  	[sflag:s10] =	ssyncset.done $0x0  }
0x16: {  	[sflag:s10] =	ssyncadd.s32 $0xFFFFC000  }
0x17: {  	[tilespmem:s12], [sflag:$0x1] =	stream.linear.gather [hbm4b:s7+s2], $0x2800, $0x38;
	[tilespmem:$0x1A800] =	vst v63  }
0x18: {  	_ =	swait.ge [sflag:s10], $0x2800  }
0x19: {  	[sflag:s10] =	ssyncset.done $0x0  }
0x1a: {  	[sflag:s10] =	ssyncadd.s32 $0xFFFFD800  }
0x1b: {  	s16 =	simm.s32 $0x18000;
	[bflag:$0x0] =	sbarrier.arrive $0xFFFF  }
0x1c: {  	[spmem:s1] =	stream.indirect.scatter.add.f32 [tilespmem:s11], [sflag:$0x1], $0x80, s16, s13, $0xb8;
	[tilespmem:$0x1A800] =	vst v63  }
0x1d: {  	s16 =	simm.s32 $0x200;
	_ =	swait.ge [sflag:s10], $0x4000  }
.LBB2_2:
0x1e: {  	s17 =	sshra.s32 s16, $0x2;
	[sflag:s10] =	ssyncset.done $0x0;
	p0 =	sne.s32 s16, $0x9E00  }
.Ltmp0:
0x1f: {  	s17 =	sadd.s32 $0x18000, s17;
	[sflag:s10] =	ssyncadd.s32 $0xFFFFC000;
	(pc) =	sbr.rel @p0 .LBB2_2-.Ltmp0, $3  }
0x20: {  	[spmem:s1] =	stream.indirect.scatter.add.f32 [tilespmem:s11], [sflag:$0x1], $0x80, s17, s13, $0xb8;
	[tilespmem:$0x1A800] =	vst v63  }
0x21: {  	s16 =	sadd.s32 $0x200, s16;
	_ =	sdelay $0x1  }
0x22: {  	_ =	swait.ge [sflag:s10], $0x4000  }
0x23: {  	[sflag:s10] =	ssyncset.done $0x0;
	s15 =	sadd.s32 $0x1, s15  }
0x24: {  	[sflag:s10] =	ssyncadd.s32 $0xFFFFC000;
	p0 =	sne.s32 s15, s8  }
.Ltmp1:
0x25: {  	[bflag:$0x0] =	sbarrier.arrive $0xFFFF;
	(pc) =	sbr.rel @p0 .LBB2_1-.Ltmp1, $4  }
0x26: {  	[hbm:s14], [sflag:s6] =	dma.local [spmem:s9], $0x2800  }
0x27: {  	_ =	swait.ge [sflag:s10], $0x2800  }
0x28: {  	[sflag:s10] =	ssyncset.done $0x0  }
0x29: {  	[sflag:s10] =	ssyncadd.s32 $0xFFFFD800  }
0x2a: {  	_ =	sfence.sel $0x180000  }
0x2b: {  	[bflag:$0x0] =	sbarrier.arrive $0xFFFF  }
0x2c: {  	p0 =	sne.s32 s3, $0x0;
	_ =	strace $0x90000047  }
0x2d: {  	s0 =	sadd.s32 @!p0 $0x100000, s0;
	[bflag:$0x2] =	sbarrier.arrive $0xFFFF  }
0x2e: {  	[sflag:s0] =	ssyncadd.tile.s32 @!p0 $0x1;
	_ =	shalt  }
.Lfunc_end2:
_tile_overlayer_lowered:
.L_overlay_start_2:
0x2f: {  	(tag) =	ssettag $0x2  }
0x30: {  	s0 =	rddreg [dreg:$0x0];
	s2 =	stileid.u32  }
0x31: {  	s1 =	rddreg [dreg:$0x1];
	p0 =	sne.s32 s2, $0x0  }
0x32: {  	s3 =	rddreg [dreg:$0x2];
	[bflag:$0x3] =	sbarrier.arrive $0xFFFF;
	s2 =	simm.s32 @!p0 $0x1C01  }
0x33: {  	[timem:s3], [sflag:s2] =	dma.local @!p0 [hbm:s0], s1  }
0x34: {  	s0 =	simm.s32 @!p0 $0x1  }
0x35: {  	_ =	swait.ge @!p0 [sflag:s0], s1  }
0x36: {  	s1 =	ssub.s32 @!p0 $0x0, s1;
	[sflag:s0] =	ssyncset.done @!p0 $0x0  }
0x37: {  	[sflag:s0] =	ssyncadd.s32 @!p0 s1  }
0x38: {  	[bflag:$0x3] =	sbarrier.arrive $0xFFFF  }
0x39: {  	_ =	shalt  }

// kernel: _run.13.cloned.1.call-start
scs
__scs_entry_jumppad:
0x0: {  	(pc) =	sbr.rel $0x88, $3  }
0x1: {  	(tag) =	ssettag $0x0;
	lr =	simm.s32 $0x1  }
0x2: {  	[smem:$0x3F99] =	sst lr;
	_ =	strace $0xD0000000  }
0x3: {  	_ = 	snop  }
0x4: {  	_ = 	snop  }
0x5: {  	_ = 	snop  }
0x6: {  	_ = 	snop  }
0x7: {  	_ = 	snop  }
__scs_overlays_trampoline_lowered:
0x8: {  	[smem:$0x3FA8] =	sst s0  }
0x9: {  	[smem:$0x3FA9] =	sst s1  }
0xa: {  	[smem:$0x3FAA] =	sst s2  }
0xb: {  	[smem:$0x3FAB] =	sst s3  }
0xc: {  	[smem:$0x3FAC] =	sst s4  }
0xd: {  	[smem:$0x3FAD] =	sst s5  }
0xe: {  	[smem:$0x3FAE] =	sst s6  }
0xf: {  	[smem:$0x3FAF] =	sst s7  }
0x10: {  	[smem:$0x3FB0] =	sst s8  }
0x11: {  	[smem:$0x3FB1] =	sst s9;
	s0 =	simm.s32 @!p0 $0x0  }
0x12: {  	s1 =	sld [smem:$0x3F97];
	s0 =	simm.s32 @p0 $0x1  }
0x13: {  	[smem:$0x3FB2] =	sst s0;
	s0 =	simm.s32 @!p1 $0x0  }
0x14: {  	s2 =	sld [smem:$0x3F96];
	s0 =	simm.s32 @p1 $0x1  }
0x15: {  	[smem:$0x3FB3] =	sst s0;
	s0 =	simm.s32 @!p2 $0x0  }
0x16: {  	s3 =	sld [smem:$0x3FDB];
	s0 =	simm.s32 @p2 $0x1  }
0x17: {  	s4 =	simm.s32 $0x1BF5;
	[smem:$0x3FB5] =	sst s0  }
0x18: {  	s0 =	sld [smem:$0x3F98];
	_ =	swait.ge [sflag:s4], $0x0  }
0x19: {  	s7 =	sld [smem:$0x3F99]  }
0x1a: {  	s8 =	sadd.s32 $0xFFFFE003, lr  }
0x1b: {  	s9 =	sadd.s32 $0xFFFFFEF7, lr;
	s5 =	simm.s32 $0xFFFFFFFF;
	p2 =	slt.u32 s8, $0xFFFFF086  }
0x1c: {  	p1 =	slt.u32 s9, $0xF7A;
	s5 =	simm.s32 @!p2 $0x0  }
0x1d: {  	s5 =	simm.s32 @p1 $0x1;
	p0 =	seq.s32 s7, s2  }
0x1e: {  	s7 =	smul.u32 @!p0 $0xF7A, s2;
	p2 =	seq.s32 @!p0 s5, $0x0  }
0x1f: {  	s9 =	smul.u32 $0xF7A, s1;
	s8 =	simm.s32 @!p0 $0x1BF5;
	p2 =	por !p2, p0  }
0x20: {  	[sflag:s8] =	ssyncset.s32 @!p0 $0xFFFFF086;
	s6 =	sadd.s32 @!p0 s3, s7;
	s7 =	simm.s32 @!p0 $0x108  }
0x21: {  	s3 =	sadd.s32 s3, s9;
	s6 =	sadd.s32 @!p0 $0x88, s6;
	s7 =	simm.s32 @p2 $0x1082  }
0x22: {  	[simem:s7], [sflag:s8] =	dma.local @!p0 [hbm:s6], $0xF7A  }
0x23: {  	s9 =	sor.u32 $0xD0000000, s2;
	s6 =	simm.s32 $0x108;
	_ =	swait.ge @!p0 [sflag:s8], $0x0  }
0x24: {  	s3 =	sadd.s32 $0x88, s3;
	s6 =	simm.s32 @!p1 $0x1082;
	[sflag:s4] =	ssyncset.s32 $0xFFFFF086  }
0x25: {  	[simem:s6], [sflag:s4] =	dma.local [hbm:s3], $0xF7A  }
0x26: {  	[smem:$0x3F99] =	sst s1;
	(tag) =	ssettag s2;
	_ =	strace s9  }
0x27: {  	s1 =	sld [smem:$0x3FA9]  }
0x28: {  	s2 =	sld [smem:$0x3FAA]  }
0x29: {  	s4 =	sld [smem:$0x3FAC]  }
0x2a: {  	p0 =	seq.s32 s5, $0x0;
	s5 =	sld [smem:$0x3FAD]  }
0x2b: {  	s6 =	sld [smem:$0x3FAE]  }
0x2c: {  	s7 =	sld [smem:$0x3FAF]  }
0x2d: {  	s3 =	simm.s32 $0x108;
	s8 =	sld [smem:$0x3FB0]  }
0x2e: {  	s3 =	simm.s32 @!p0 $0x1082;
	s9 =	sld [smem:$0x3FB1]  }
0x2f: {  	lr =	sadd.s32 s0, s3;
	s0 =	sld [smem:$0x3FA8]  }
0x30: {  	s3 =	sld [smem:$0x3FAB]  }
0x31: {  	[smem:$0x3FB4] =	sst s10  }
0x32: {  	s10 =	sld [smem:$0x3FB2];
	_ =	sdelay $0x3  }
0x33: {  	p0 =	seq.s32 s10, $0x1;
	s10 =	sld [smem:$0x3FB4];
	_ =	sdelay $0x3  }
0x34: {  	[smem:$0x3FB4] =	sst s10  }
0x35: {  	s10 =	sld [smem:$0x3FB3];
	_ =	sdelay $0x3  }
0x36: {  	p1 =	seq.s32 s10, $0x1;
	s10 =	sld [smem:$0x3FB4];
	_ =	sdelay $0x3  }
0x37: {  	[smem:$0x3FB4] =	sst s10  }
0x38: {  	s10 =	sld [smem:$0x3FB5]  }
0x39: {  	_ = 	snop;
	(pc) =	sbr.ind lr, $3  }
0x3a: {  	_ = 	snop  }
0x3b: {  	_ = 	snop  }
0x3c: {  	p2 =	seq.s32 s10, $0x1;
	s10 =	sld [smem:$0x3FB4]  }
0x3d: {  	_ =	shalt  }
0x3e: {  	_ =	shalt  }
0x3f: {  	_ =	shalt  }
0x40: {  	_ =	shalt  }
0x41: {  	_ =	shalt  }
0x42: {  	_ =	shalt  }
0x43: {  	_ =	shalt  }
0x44: {  	_ =	shalt  }
0x45: {  	_ =	shalt  }
0x46: {  	_ =	shalt  }
0x47: {  	_ =	shalt  }
0x48: {  	_ =	shalt  }
0x49: {  	_ =	shalt  }
0x4a: {  	_ =	shalt  }
0x4b: {  	_ =	shalt  }
0x4c: {  	_ =	shalt  }
0x4d: {  	_ =	shalt  }
0x4e: {  	_ =	shalt  }
0x4f: {  	_ =	shalt  }
0x50: {  	_ =	shalt  }
0x51: {  	_ =	shalt  }
0x52: {  	_ =	shalt  }
0x53: {  	_ =	shalt  }
0x54: {  	_ =	shalt  }
0x55: {  	_ =	shalt  }
0x56: {  	_ =	shalt  }
0x57: {  	_ =	shalt  }
0x58: {  	_ =	shalt  }
0x59: {  	_ =	shalt  }
0x5a: {  	_ =	shalt  }
0x5b: {  	_ =	shalt  }
0x5c: {  	_ =	shalt  }
0x5d: {  	_ =	shalt  }
0x5e: {  	_ =	shalt  }
0x5f: {  	_ =	shalt  }
0x60: {  	_ =	shalt  }
0x61: {  	_ =	shalt  }
0x62: {  	_ =	shalt  }
0x63: {  	_ =	shalt  }
0x64: {  	_ =	shalt  }
0x65: {  	_ =	shalt  }
0x66: {  	_ =	shalt  }
0x67: {  	_ =	shalt  }
0x68: {  	_ =	shalt  }
0x69: {  	_ =	shalt  }
0x6a: {  	_ =	shalt  }
0x6b: {  	_ =	shalt  }
0x6c: {  	_ =	shalt  }
0x6d: {  	_ =	shalt  }
0x6e: {  	_ =	shalt  }
0x6f: {  	_ =	shalt  }
0x70: {  	_ =	shalt  }
0x71: {  	_ =	shalt  }
0x72: {  	_ =	shalt  }
0x73: {  	_ =	shalt  }
0x74: {  	_ =	shalt  }
0x75: {  	_ =	shalt  }
0x76: {  	_ =	shalt  }
0x77: {  	_ =	shalt  }
0x78: {  	_ =	shalt  }
0x79: {  	_ =	shalt  }
0x7a: {  	_ =	shalt  }
0x7b: {  	_ =	shalt  }
0x7c: {  	_ =	shalt  }
0x7d: {  	_ =	shalt  }
0x7e: {  	_ =	shalt  }
0x7f: {  	_ =	shalt  }
0x80: {  	_ =	shalt  }
0x81: {  	_ =	shalt  }
0x82: {  	_ =	shalt  }
0x83: {  	_ =	shalt  }
0x84: {  	_ =	shalt  }
0x85: {  	_ =	shalt  }
0x86: {  	_ =	shalt  }
0x87: {  	_ =	shalt  }
.Lfunc_end0:
.L_simem_size_0:
called_computation.1_lowered:
.L_overlay_start_0:
0x88: {  	s2 =	sld [smem:$0x3FD9]  }
0x89: {  	s3 =	sld [smem:$0x3FFE];
	_ =	sdelay $0x1  }
0x8a: {  	s1 =	srdreg.scid  }
0x8b: {  	s0 =	sand.u32 $0x1, s1  }
0x8c: {  	s17 =	sshll.u32 s0, $0xA;
	s2 =	sadd.s32 s3, s2  }
0x8d: {  	s2 =	sadd.s32 s2, s17  }
0x8e: {  	[smem:$0x3FC0] =	sst s2  }
0x8f: {  	_ = 	snop  }
0x90: {  	s2 =	sld [smem:$0x3FD0];
	(tm) =	ssettm $0x1  }
0x91: {  	s18 =	sld [smem:$0x3FFB];
	_ =	sdelay $0x3  }
0x92: {  	_ =	strace s18  }
0x93: {  	s3 =	sld [smem:$0x3FFC];
	_ =	sdelay $0x3  }
0x94: {  	_ =	strace s3  }
0x95: {  	s3 =	sld [smem:$0x3FFD];
	_ =	sdelay $0x3  }
0x96: {  	_ =	strace s3  }
0x97: {  	_ =	strace $0x8FFFFFFF  }
0x98: {  	s19 =	sld [smem:$0x3FDB];
	_ =	sdelay $0x1  }
0x99: {  	s4 =	simm.s32 $_scs_section_size  }
0x9a: {  	s5 =	simm.s32 $_size__tile_overlayer_lowered;
	s6 =	simm.s32 $_tile_overlayer_lowered  }
0x9b: {  	s22 =	simm.s32 $0x1BFF;
	s21 =	sshll.u32 s6, $0x1;
	s3 =	sadd.s32 s4, s19  }
0x9c: {  	s7 =	simm.s32 $0x0;
	s20 =	sshll.u32 s5, $0x1;
	s5 =	sadd.s32 s21, s3  }
0x9d: {  	[timem:s7], [sflag:s22] =	dma.local [hbm:s5], s20  }
0x9e: {  	_ =	swait.ge [sflag:s22], s20  }
0x9f: {  	s4 =	ssub.s32 $0x0, s20;
	[sflag:s22] =	ssyncset.done $0x0  }
0xa0: {  	[sflag:s22] =	ssyncadd.s32 s4;
	_ =	sdelay $0x1  }
0xa1: {  	s23 =	simm.s32 $0x1B8B  }
0xa2: {  	_ =	swait.ge [sflag:s23], $0x1  }
0xa3: {  	[sflag:s23] =	ssyncset.done $0x0  }
0xa4: {  	s25 =	simm.s32 $0x1B8E;
	s24 =	sld [smem:$0x3FFE];
	[sflag:s23] =	ssyncadd.s32 $0xFFFFFFFF  }
0xa5: {  	s26 =	simm.s32 $execute0_lowered;
	[smem:$0x3FD2] =	sst s25  }
0xa6: {  	s5 =	sshll.u32 s26, $0x1;
	_ =	strace $0x80000049;
	[dreg:$0x1] =	wrdreg $0xFFFFFFFF  }
0xa7: {  	s28 =	simm.s32 $_size_execute0_lowered;
	s3 =	sadd.s32 s3, s5;
	[dreg:$0x0] =	wrdreg $0x0  }
0xa8: {  	s5 =	sshll.u32 s28, $0x1;
	[dreg:$0x2] =	wrdreg s3  }
0xa9: {  	[dreg:$0x3] =	wrdreg s5  }
0xaa: {  	[dreg:$0x4] =	wrdreg $0xC0  }
0xab: {  	_ =	task [dreg:s7], $0x5FFFF  }
0xac: {  	[dreg:$0x1] =	wrdreg $0xFFFFFFFF  }
0xad: {  	[dreg:$0x0] =	wrdreg $0x60  }
0xae: {  	[dreg:$0x2] =	wrdreg s24  }
0xaf: {  	[dreg:$0x3] =	wrdreg s2  }
0xb0: {  	[dreg:$0x4] =	wrdreg $0x0  }
0xb1: {  	[dreg:$0x5] =	wrdreg $0x9  }
0xb2: {  	_ =	task.clear_ibuf [dreg:s7], $0x6FFFF;
	_ =	strace $0x90000049  }
0xb3: {  	s29 =	simm.s32 $0x9;
	_ =	strace $0x8000004B  }
0xb4: {  	_ =	swait.ge [sflag:s29], $0x1  }
0xb5: {  	[sflag:s29] =	ssyncadd.s32 $0xFFFFFFFF  }
0xb6: {  	_ =	strace $0x9000004B  }
0xb7: {  	_ =	sfence  }
0xb8: {  	s30 =	sld [smem:$0x0];
	_ =	sdelay $0x2  }
0xb9: {  	s31 =	sshll.u32 s1, $0xD;
	s1 =	sshrl.u32 s1, $0x2  }
0xba: {  	s3 =	sand.u32 $0x4000, s31;
	s1 =	sadd.s32 s1, s30  }
0xbb: {  	s0 =	sor.u32 s3, s0;
	s1 =	sshll.u32 s1, $0x11  }
0xbc: {  	s0 =	sor.u32 s1, s0  }
0xbd: {  	s0 =	sadd.s32 $0x8F2B, s0  }
0xbe: {  	[sflag:s0] =	ssyncadd.remote.s32 $0x1  }
0xbf: {  	_ =	sfence.sel $0xFFFF  }
0xc0: {  	[dreg:$0x0] =	wrdreg $0xFFFFFFFF;
	(pc) =	sbr.abs _section_cstart, $3  }
0xc1: {  	[dreg:$0x1] =	wrdreg $0xFFFFFFFF  }
0xc2: {  	_ =	task.clear_ibuf [dreg:s7], $0x2FFFF;
	_ =	strace $0x9FFFFFFF  }
0xc3: {  	(tm) =	ssettm $0x7FFFFFFF  }
tec
execute0_lowered:
.L_overlay_start_1:
0x0: {  	(tag) =	ssettag $0x1  }
0x1: {  	s0 =	rddreg [dreg:$0x0]  }
0x2: {  	s1 =	srdreg.scid;
	s8 =	rddreg [dreg:$0x1]  }
0x3: {  	s2 =	rddreg [dreg:$0x2];
	s22 =	stileid.u32  }
0x4: {  	s3 =	simm.s32 $0x0;
	s13 =	simm.s32 $0x16800;
	s15 =	simm.s32 $0x16880  }
0x5: {  	s17 =	simm.s32 $0x16900;
	s18 =	simm.s32 $0x80;
	s19 =	simm.s32 $0x16A00  }
0x6: {  	s20 =	simm.s32 $0x1AA00;
	s21 =	simm.s32 $0x3;
	s28 =	simm.s32 $0x5  }
0x7: {  	s29 =	simm.s32 $0x6;
	s30 =	simm.s32 $0x0;
	s5 =	sand.u32 $0x1, s1  }
0x8: {  	[smem:$0x7FF] =	sst s3;
	s11 =	smul.u32 $0x50000, s22;
	s23 =	sadd.s32 $0x3E00, s0  }
0x9: {  	s26 =	sshll.u32 s22, $0x6;
	s4 =	sshll.u32 s5, $0x4;
	_ =	strace $0x8000004A  }
0xa: {  	s6 =	smul.u32 $0x28000, s5;
	s10 =	ssub.s32 $0x2, s5;
	[dreg:$0x4] =	wrdreg s23  }
0xb: {  	s23 =	simm.s32 $0x16980;
	s4 =	sor.u32 s22, s4;
	s24 =	sshrl.u32 s10, $0x1  }
0xc: {  	s25 =	sshrl.u32 s11, $0x2;
	s11 =	simm.s32 $0x7;
	s9 =	smul.u32 $0x500, s4  }
0xd: {  	s4 =	sadd.s32 $0x60600, s0;
	s10 =	ssub.s32 s10, s24;
	s12 =	sadd.s32 s25, s2  }
0xe: {  	s24 =	smul.u32 $0x2800, s22;
	s22 =	simm.s32 $0x1;
	s25 =	simm.s32 $0x4  }
.Ltmp0:
0xf: {  	s7 =	sadd.s32 s9, s0;
	s0 =	sadd.s32 s6, s0;
	(pc) =	sbr.rel .LBB2_1-.Ltmp0, $4  }
0x10: {  	s6 =	sor.u32 $0x1C07, s26;
	s8 =	sadd.s32 s8, s9;
	s9 =	smax.u32 s10, $0x1  }
0x11: {  	s10 =	sshrl.u32 s12, $0x3;
	s12 =	simm.s32 $0x14000;
	s26 =	simm.s32 $0x2  }
0x12: {  	s31 =	sadd.s32 $0x56600, s7;
	s0 =	sadd.s32 $0x88600, s0;
	s14 =	sadd.s32 $0x10, s8  }
0x13: {  	s16 =	sadd.s32 $0x20, s8;
	[dreg:$0x5] =	wrdreg s31;
	s24 =	sadd.s32 s24, s0  }
.LBB2_4:
0x14: {  	_ =	swait.ge [sflag:s29], $0x80  }
0x15: {  	[sflag:s29] =	ssyncset.done $0x0  }
0x16: {  	[sflag:s29] =	ssyncadd.s32 $0xFFFFFF80  }
0x17: {  	_ =	swait.ge [sflag:s26], $0x4000  }
0x18: {  	[sflag:s26] =	ssyncset.done $0x0  }
0x19: {  	[sflag:s26] =	ssyncadd.s32 $0xFFFFC000  }
0x1a: {  	[spmem:s2] =	stream.indirect.scatter.add.f32 [tilespmem:s20], [sflag:$0x7], $0x80, s23, s18, $0xb8;
	[tilespmem:$0x1EA00] =	vst v63  }
0x1b: {  	_ =	swait.ge [sflag:s11], $0x4000  }
0x1c: {  	s30 =	sadd.s32 $0x1, s30;
	[sflag:s11] =	ssyncset.done $0x0  }
0x1d: {  	p0 =	sne.s32 s30, s9;
	[sflag:s11] =	ssyncadd.s32 $0xFFFFC000  }
.Ltmp1:
0x1e: {  	[bflag:$0x0] =	sbarrier.arrive $0xFFFF;
	(pc) =	sbr.rel @!p0 .LBB2_5-.Ltmp1, $4  }
0x1f: {  	[hbm:s24], [sflag:s6] =	dma.local [spmem:s10], $0x2800  }
0x20: {  	_ =	swait.ge [sflag:s11], $0x2800  }
0x21: {  	[sflag:s11] =	ssyncset.done $0x0  }
0x22: {  	[sflag:s11] =	ssyncadd.s32 $0xFFFFD800  }
.LBB2_1:
0x23: {  	s0 =	rddreg [dreg:$0x4]  }
0x24: {  	[spmem:s10], [sflag:s6] =	dma.local [hbm:s0], $0x2800  }
0x25: {  	_ =	swait.ge [sflag:s11], $0x2800  }
0x26: {  	[sflag:s11] =	ssyncset.done $0x0  }
0x27: {  	s7 =	rddreg [dreg:$0x5];
	[sflag:s11] =	ssyncadd.s32 $0xFFFFD800  }
0x28: {  	[tilespmem:s12], [sflag:$0x7] =	stream.linear.gather [hbm4b:s7+s3], $0x2800, $0x38;
	[tilespmem:$0x1EA00] =	vst v63  }
0x29: {  	_ =	swait.ge [sflag:s11], $0x2800  }
0x2a: {  	[sflag:s11] =	ssyncset.done $0x0  }
0x2b: {  	[sflag:s11] =	ssyncadd.s32 $0xFFFFD800  }
0x2c: {  	[tilespmem:s13], [sflag:$0x3] =	stream.linear.gather [hbm4b:s8+s3], $0x80, $0x38;
	[tilespmem:$0x1EA00] =	vst v63  }
0x2d: {  	_ = 	snop  }
0x2e: {  	[tilespmem:s15], [sflag:$0x4] =	stream.linear.gather [hbm4b:s14+s3], $0x80, $0x38;
	[tilespmem:$0x1EA00] =	vst v63  }
0x2f: {  	_ = 	snop  }
0x30: {  	[tilespmem:s17], [sflag:$0x5] =	stream.linear.gather [hbm4b:s16+s3], $0x80, $0x38;
	[tilespmem:$0x1EA00] =	vst v63  }
0x31: {  	s31 =	simm.s32 $0x14200;
	s0 =	simm.s32 $0x0;
	[bflag:$0x0] =	sbarrier.arrive $0xFFFF  }
0x32: {  	[tilespmem:s19], [sflag:$0x1] =	stream.indirect.gather [hbm4b:s4+s18], $0x80, s12, s18, $0xb8;
	[tilespmem:$0x1EA00] =	vst v63  }
.LBB2_2:
0x33: {  	s1 =	sadd.s32 $0xFFFFFE80, s31  }
0x34: {  	[tilespmem:s20], [sflag:$0x2] =	stream.indirect.gather [hbm4b:s4+s18], $0x80, s1, s18, $0xb8;
	[tilespmem:$0x1EA00] =	vst v63  }
0x35: {  	_ =	swait.ge [sflag:s21], $0x80  }
0x36: {  	[sflag:s21] =	ssyncset.done $0x0  }
0x37: {  	[sflag:s21] =	ssyncadd.s32 $0xFFFFFF80  }
0x38: {  	_ =	swait.ge [sflag:s22], $0x4000  }
0x39: {  	[sflag:s22] =	ssyncset.done $0x0  }
0x3a: {  	[sflag:s22] =	ssyncadd.s32 $0xFFFFC000  }
0x3b: {  	[spmem:s2] =	stream.indirect.scatter.add.f32 [tilespmem:s19], [sflag:$0x7], $0x80, s13, s18, $0xb8;
	[tilespmem:$0x1EA00] =	vst v63  }
0x3c: {  	s7 =	sand.u32 $0x780, s0;
	s5 =	sadd.s32 $0x30, s0;
	_ =	swait.ge [sflag:s11], $0x4000  }
0x3d: {  	s5 =	sand.u32 $0x70, s5;
	s1 =	sadd.s32 s8, s7;
	[sflag:s11] =	ssyncset.done $0x0  }
0x3e: {  	s1 =	sadd.s32 s5, s1;
	[sflag:s11] =	ssyncadd.s32 $0xFFFFC000  }
0x3f: {  	[tilespmem:s23], [sflag:$0x6] =	stream.linear.gather [hbm4b:s1+s3], $0x80, $0x38;
	[tilespmem:$0x1EA00] =	vst v63  }
0x40: {  	s5 =	sadd.s32 $0xFFFFFF00, s31  }
0x41: {  	[tilespmem:s19], [sflag:$0x1] =	stream.indirect.gather [hbm4b:s4+s18], $0x80, s5, s18, $0xb8;
	[tilespmem:$0x1EA00] =	vst v63  }
0x42: {  	_ =	swait.ge [sflag:s25], $0x80  }
0x43: {  	[sflag:s25] =	ssyncset.done $0x0  }
0x44: {  	[sflag:s25] =	ssyncadd.s32 $0xFFFFFF80  }
0x45: {  	_ =	swait.ge [sflag:s26], $0x4000  }
0x46: {  	[sflag:s26] =	ssyncset.done $0x0  }
0x47: {  	[sflag:s26] =	ssyncadd.s32 $0xFFFFC000  }
0x48: {  	[spmem:s2] =	stream.indirect.scatter.add.f32 [tilespmem:s20], [sflag:$0x7], $0x80, s15, s18, $0xb8;
	[tilespmem:$0x1EA00] =	vst v63  }
0x49: {  	p0 =	seq.s32 s0, $0x4C0;
	_ =	swait.ge [sflag:s11], $0x4000  }
0x4a: {  	s7 =	simm.s32 @!p0 $0x16800;
	s1 =	sadd.s32 @!p0 s0, s8;
	[sflag:s11] =	ssyncset.done $0x0  }
0x4b: {  	s1 =	sadd.s32 @!p0 $0x40, s1;
	s5 =	simm.s32 @!p0 $0x0;
	[sflag:s11] =	ssyncadd.s32 $0xFFFFC000  }
0x4c: {  	[tilespmem:s7], [sflag:$0x3] =	stream.linear.gather @!p0 [hbm4b:s1+s5], $0x80, $0x38;
	[tilespmem:$0x1EA00] =	vst v63  }
0x4d: {  	s7 =	sadd.s32 $0xFFFFFF80, s31  }
0x4e: {  	[tilespmem:s20], [sflag:$0x2] =	stream.indirect.gather [hbm4b:s4+s18], $0x80, s7, s18, $0xb8;
	[tilespmem:$0x1EA00] =	vst v63  }
0x4f: {  	_ =	swait.ge [sflag:s28], $0x80  }
0x50: {  	[sflag:s28] =	ssyncset.done $0x0  }
0x51: {  	[sflag:s28] =	ssyncadd.s32 $0xFFFFFF80  }
0x52: {  	_ =	swait.ge [sflag:s22], $0x4000  }
0x53: {  	[sflag:s22] =	ssyncset.done $0x0  }
.Ltmp2:
0x54: {  	[sflag:s22] =	ssyncadd.s32 $0xFFFFC000;
	(pc) =	sbr.rel @p0 .LBB2_4-.Ltmp2, $4  }
0x55: {  	[spmem:s2] =	stream.indirect.scatter.add.f32 [tilespmem:s19], [sflag:$0x7], $0x80, s17, s18, $0xb8;
	[tilespmem:$0x1EA00] =	vst v63  }
0x56: {  	_ =	swait.ge [sflag:s11], $0x4000  }
0x57: {  	[sflag:s11] =	ssyncset.done $0x0  }
0x58: {  	[sflag:s11] =	ssyncadd.s32 $0xFFFFC000  }
0x59: {  	s1 =	sadd.s32 s0, s8  }
0x5a: {  	s5 =	sadd.s32 $0x50, s1  }
0x5b: {  	[tilespmem:s15], [sflag:$0x4] =	stream.linear.gather [hbm4b:s5+s3], $0x80, $0x38;
	[tilespmem:$0x1EA00] =	vst v63  }
0x5c: {  	_ = 	snop  }
0x5d: {  	[tilespmem:s19], [sflag:$0x1] =	stream.indirect.gather [hbm4b:s4+s18], $0x80, s31, s18, $0xb8;
	[tilespmem:$0x1EA00] =	vst v63  }
0x5e: {  	_ =	swait.ge [sflag:s29], $0x80  }
0x5f: {  	[sflag:s29] =	ssyncset.done $0x0  }
0x60: {  	[sflag:s29] =	ssyncadd.s32 $0xFFFFFF80  }
0x61: {  	_ =	swait.ge [sflag:s26], $0x4000  }
0x62: {  	[sflag:s26] =	ssyncset.done $0x0  }
0x63: {  	[sflag:s26] =	ssyncadd.s32 $0xFFFFC000  }
0x64: {  	[spmem:s2] =	stream.indirect.scatter.add.f32 [tilespmem:s20], [sflag:$0x7], $0x80, s23, s18, $0xb8;
	[tilespmem:$0x1EA00] =	vst v63  }
.Ltmp3:
0x65: {  	_ = 	snop;
	(pc) =	sbr.rel .LBB2_2-.Ltmp3, $4  }
0x66: {  	_ =	swait.ge [sflag:s11], $0x4000  }
0x67: {  	s0 =	sadd.s32 $0x40, s0;
	[sflag:s11] =	ssyncset.done $0x0  }
0x68: {  	s1 =	sadd.s32 $0x60, s1;
	s31 =	sadd.s32 $0x200, s31;
	[sflag:s11] =	ssyncadd.s32 $0xFFFFC000  }
0x69: {  	[tilespmem:s17], [sflag:$0x5] =	stream.linear.gather [hbm4b:s1+s3], $0x80, $0x38;
	[tilespmem:$0x1EA00] =	vst v63  }
.LBB2_5:
0x6a: {  	_ =	sfence.sel $0x180000  }
0x6b: {  	[bflag:$0x0] =	sbarrier.arrive $0xFFFF  }
0x6c: {  	_ =	strace $0x9000004A  }
0x6d: {  	s0 =	stileid.u32;
	[bflag:$0x2] =	sbarrier.arrive $0xFFFF  }
0x6e: {  	p0 =	sne.s32 s0, $0x0;
	s0 =	rddreg [dreg:$0x3]  }
0x6f: {  	s0 =	sadd.s32 @!p0 $0x100000, s0  }
0x70: {  	[sflag:s0] =	ssyncadd.tile.s32 @!p0 $0x1;
	_ =	shalt  }
.Lfunc_end2:
_tile_overlayer_lowered:
.L_overlay_start_2:
0x71: {  	(tag) =	ssettag $0x2  }
0x72: {  	s0 =	rddreg [dreg:$0x0];
	s2 =	stileid.u32  }
0x73: {  	s1 =	rddreg [dreg:$0x1];
	p0 =	sne.s32 s2, $0x0  }
0x74: {  	s3 =	rddreg [dreg:$0x2];
	[bflag:$0x3] =	sbarrier.arrive $0xFFFF;
	s2 =	simm.s32 @!p0 $0x1C07  }
0x75: {  	[timem:s3], [sflag:s2] =	dma.local @!p0 [hbm:s0], s1  }
0x76: {  	s0 =	simm.s32 @!p0 $0x7  }
0x77: {  	_ =	swait.ge @!p0 [sflag:s0], s1  }
0x78: {  	s1 =	ssub.s32 @!p0 $0x0, s1;
	[sflag:s0] =	ssyncset.done @!p0 $0x0  }
0x79: {  	[sflag:s0] =	ssyncadd.s32 @!p0 s1  }
0x7a: {  	[bflag:$0x3] =	sbarrier.arrive $0xFFFF  }
0x7b: {  	_ =	shalt  }

// kernel: _run.16.cloned.1.call-start
scs
__scs_entry_jumppad:
0x0: {  	(pc) =	sbr.rel $0x88, $3  }
0x1: {  	(tag) =	ssettag $0x0;
	lr =	simm.s32 $0x1  }
0x2: {  	[smem:$0x3F99] =	sst lr;
	_ =	strace $0xD0000000  }
0x3: {  	_ = 	snop  }
0x4: {  	_ = 	snop  }
0x5: {  	_ = 	snop  }
0x6: {  	_ = 	snop  }
0x7: {  	_ = 	snop  }
__scs_overlays_trampoline_lowered:
0x8: {  	[smem:$0x3FA8] =	sst s0  }
0x9: {  	[smem:$0x3FA9] =	sst s1  }
0xa: {  	[smem:$0x3FAA] =	sst s2  }
0xb: {  	[smem:$0x3FAB] =	sst s3  }
0xc: {  	[smem:$0x3FAC] =	sst s4  }
0xd: {  	[smem:$0x3FAD] =	sst s5  }
0xe: {  	[smem:$0x3FAE] =	sst s6  }
0xf: {  	[smem:$0x3FAF] =	sst s7  }
0x10: {  	[smem:$0x3FB0] =	sst s8  }
0x11: {  	[smem:$0x3FB1] =	sst s9;
	s0 =	simm.s32 @!p0 $0x0  }
0x12: {  	s1 =	sld [smem:$0x3F97];
	s0 =	simm.s32 @p0 $0x1  }
0x13: {  	[smem:$0x3FB2] =	sst s0;
	s0 =	simm.s32 @!p1 $0x0  }
0x14: {  	s2 =	sld [smem:$0x3F96];
	s0 =	simm.s32 @p1 $0x1  }
0x15: {  	[smem:$0x3FB3] =	sst s0;
	s0 =	simm.s32 @!p2 $0x0  }
0x16: {  	s3 =	sld [smem:$0x3FDB];
	s0 =	simm.s32 @p2 $0x1  }
0x17: {  	s4 =	simm.s32 $0x1BF5;
	[smem:$0x3FB5] =	sst s0  }
0x18: {  	s0 =	sld [smem:$0x3F98];
	_ =	swait.ge [sflag:s4], $0x0  }
0x19: {  	s7 =	sld [smem:$0x3F99]  }
0x1a: {  	s8 =	sadd.s32 $0xFFFFE003, lr  }
0x1b: {  	s9 =	sadd.s32 $0xFFFFFEF7, lr;
	s5 =	simm.s32 $0xFFFFFFFF;
	p2 =	slt.u32 s8, $0xFFFFF086  }
0x1c: {  	p1 =	slt.u32 s9, $0xF7A;
	s5 =	simm.s32 @!p2 $0x0  }
0x1d: {  	s5 =	simm.s32 @p1 $0x1;
	p0 =	seq.s32 s7, s2  }
0x1e: {  	s7 =	smul.u32 @!p0 $0xF7A, s2;
	p2 =	seq.s32 @!p0 s5, $0x0  }
0x1f: {  	s9 =	smul.u32 $0xF7A, s1;
	s8 =	simm.s32 @!p0 $0x1BF5;
	p2 =	por !p2, p0  }
0x20: {  	[sflag:s8] =	ssyncset.s32 @!p0 $0xFFFFF086;
	s6 =	sadd.s32 @!p0 s3, s7;
	s7 =	simm.s32 @!p0 $0x108  }
0x21: {  	s3 =	sadd.s32 s3, s9;
	s6 =	sadd.s32 @!p0 $0x88, s6;
	s7 =	simm.s32 @p2 $0x1082  }
0x22: {  	[simem:s7], [sflag:s8] =	dma.local @!p0 [hbm:s6], $0xF7A  }
0x23: {  	s9 =	sor.u32 $0xD0000000, s2;
	s6 =	simm.s32 $0x108;
	_ =	swait.ge @!p0 [sflag:s8], $0x0  }
0x24: {  	s3 =	sadd.s32 $0x88, s3;
	s6 =	simm.s32 @!p1 $0x1082;
	[sflag:s4] =	ssyncset.s32 $0xFFFFF086  }
0x25: {  	[simem:s6], [sflag:s4] =	dma.local [hbm:s3], $0xF7A  }
0x26: {  	[smem:$0x3F99] =	sst s1;
	(tag) =	ssettag s2;
	_ =	strace s9  }
0x27: {  	s1 =	sld [smem:$0x3FA9]  }
0x28: {  	s2 =	sld [smem:$0x3FAA]  }
0x29: {  	s4 =	sld [smem:$0x3FAC]  }
0x2a: {  	p0 =	seq.s32 s5, $0x0;
	s5 =	sld [smem:$0x3FAD]  }
0x2b: {  	s6 =	sld [smem:$0x3FAE]  }
0x2c: {  	s7 =	sld [smem:$0x3FAF]  }
0x2d: {  	s3 =	simm.s32 $0x108;
	s8 =	sld [smem:$0x3FB0]  }
0x2e: {  	s3 =	simm.s32 @!p0 $0x1082;
	s9 =	sld [smem:$0x3FB1]  }
0x2f: {  	lr =	sadd.s32 s0, s3;
	s0 =	sld [smem:$0x3FA8]  }
0x30: {  	s3 =	sld [smem:$0x3FAB]  }
0x31: {  	[smem:$0x3FB4] =	sst s10  }
0x32: {  	s10 =	sld [smem:$0x3FB2];
	_ =	sdelay $0x3  }
0x33: {  	p0 =	seq.s32 s10, $0x1;
	s10 =	sld [smem:$0x3FB4];
	_ =	sdelay $0x3  }
0x34: {  	[smem:$0x3FB4] =	sst s10  }
0x35: {  	s10 =	sld [smem:$0x3FB3];
	_ =	sdelay $0x3  }
0x36: {  	p1 =	seq.s32 s10, $0x1;
	s10 =	sld [smem:$0x3FB4];
	_ =	sdelay $0x3  }
0x37: {  	[smem:$0x3FB4] =	sst s10  }
0x38: {  	s10 =	sld [smem:$0x3FB5]  }
0x39: {  	_ = 	snop;
	(pc) =	sbr.ind lr, $3  }
0x3a: {  	_ = 	snop  }
0x3b: {  	_ = 	snop  }
0x3c: {  	p2 =	seq.s32 s10, $0x1;
	s10 =	sld [smem:$0x3FB4]  }
0x3d: {  	_ =	shalt  }
0x3e: {  	_ =	shalt  }
0x3f: {  	_ =	shalt  }
0x40: {  	_ =	shalt  }
0x41: {  	_ =	shalt  }
0x42: {  	_ =	shalt  }
0x43: {  	_ =	shalt  }
0x44: {  	_ =	shalt  }
0x45: {  	_ =	shalt  }
0x46: {  	_ =	shalt  }
0x47: {  	_ =	shalt  }
0x48: {  	_ =	shalt  }
0x49: {  	_ =	shalt  }
0x4a: {  	_ =	shalt  }
0x4b: {  	_ =	shalt  }
0x4c: {  	_ =	shalt  }
0x4d: {  	_ =	shalt  }
0x4e: {  	_ =	shalt  }
0x4f: {  	_ =	shalt  }
0x50: {  	_ =	shalt  }
0x51: {  	_ =	shalt  }
0x52: {  	_ =	shalt  }
0x53: {  	_ =	shalt  }
0x54: {  	_ =	shalt  }
0x55: {  	_ =	shalt  }
0x56: {  	_ =	shalt  }
0x57: {  	_ =	shalt  }
0x58: {  	_ =	shalt  }
0x59: {  	_ =	shalt  }
0x5a: {  	_ =	shalt  }
0x5b: {  	_ =	shalt  }
0x5c: {  	_ =	shalt  }
0x5d: {  	_ =	shalt  }
0x5e: {  	_ =	shalt  }
0x5f: {  	_ =	shalt  }
0x60: {  	_ =	shalt  }
0x61: {  	_ =	shalt  }
0x62: {  	_ =	shalt  }
0x63: {  	_ =	shalt  }
0x64: {  	_ =	shalt  }
0x65: {  	_ =	shalt  }
0x66: {  	_ =	shalt  }
0x67: {  	_ =	shalt  }
0x68: {  	_ =	shalt  }
0x69: {  	_ =	shalt  }
0x6a: {  	_ =	shalt  }
0x6b: {  	_ =	shalt  }
0x6c: {  	_ =	shalt  }
0x6d: {  	_ =	shalt  }
0x6e: {  	_ =	shalt  }
0x6f: {  	_ =	shalt  }
0x70: {  	_ =	shalt  }
0x71: {  	_ =	shalt  }
0x72: {  	_ =	shalt  }
0x73: {  	_ =	shalt  }
0x74: {  	_ =	shalt  }
0x75: {  	_ =	shalt  }
0x76: {  	_ =	shalt  }
0x77: {  	_ =	shalt  }
0x78: {  	_ =	shalt  }
0x79: {  	_ =	shalt  }
0x7a: {  	_ =	shalt  }
0x7b: {  	_ =	shalt  }
0x7c: {  	_ =	shalt  }
0x7d: {  	_ =	shalt  }
0x7e: {  	_ =	shalt  }
0x7f: {  	_ =	shalt  }
0x80: {  	_ =	shalt  }
0x81: {  	_ =	shalt  }
0x82: {  	_ =	shalt  }
0x83: {  	_ =	shalt  }
0x84: {  	_ =	shalt  }
0x85: {  	_ =	shalt  }
0x86: {  	_ =	shalt  }
0x87: {  	_ =	shalt  }
.Lfunc_end0:
.L_simem_size_0:
called_computation.2_lowered:
.L_overlay_start_0:
0x88: {  	s2 =	sld [smem:$0x3FD9]  }
0x89: {  	s3 =	sld [smem:$0x3FFE];
	_ =	sdelay $0x1  }
0x8a: {  	s1 =	srdreg.scid  }
0x8b: {  	s0 =	sand.u32 $0x1, s1  }
0x8c: {  	s17 =	sshll.u32 s0, $0xA;
	s2 =	sadd.s32 s3, s2  }
0x8d: {  	s2 =	sadd.s32 s2, s17  }
0x8e: {  	[smem:$0x3FC0] =	sst s2  }
0x8f: {  	_ = 	snop  }
0x90: {  	s2 =	sld [smem:$0x3FD0];
	(tm) =	ssettm $0x1  }
0x91: {  	s18 =	sld [smem:$0x3FFB];
	_ =	sdelay $0x3  }
0x92: {  	_ =	strace s18  }
0x93: {  	s3 =	sld [smem:$0x3FFC];
	_ =	sdelay $0x3  }
0x94: {  	_ =	strace s3  }
0x95: {  	s3 =	sld [smem:$0x3FFD];
	_ =	sdelay $0x3  }
0x96: {  	_ =	strace s3  }
0x97: {  	_ =	strace $0x8FFFFFFF  }
0x98: {  	s19 =	sld [smem:$0x3FDB];
	_ =	sdelay $0x1  }
0x99: {  	s4 =	simm.s32 $_scs_section_size  }
0x9a: {  	s5 =	simm.s32 $_size__tile_overlayer_lowered;
	s6 =	simm.s32 $_tile_overlayer_lowered  }
0x9b: {  	s22 =	simm.s32 $0x1BFF;
	s21 =	sshll.u32 s6, $0x1;
	s3 =	sadd.s32 s4, s19  }
0x9c: {  	s7 =	simm.s32 $0x0;
	s20 =	sshll.u32 s5, $0x1;
	s5 =	sadd.s32 s21, s3  }
0x9d: {  	[timem:s7], [sflag:s22] =	dma.local [hbm:s5], s20  }
0x9e: {  	_ =	swait.ge [sflag:s22], s20  }
0x9f: {  	s4 =	ssub.s32 $0x0, s20;
	[sflag:s22] =	ssyncset.done $0x0  }
0xa0: {  	[sflag:s22] =	ssyncadd.s32 s4;
	_ =	sdelay $0x1  }
0xa1: {  	s23 =	simm.s32 $0x1B8B  }
0xa2: {  	_ =	swait.ge [sflag:s23], $0x1  }
0xa3: {  	[sflag:s23] =	ssyncset.done $0x0  }
0xa4: {  	s25 =	simm.s32 $0x1B8E;
	s24 =	sld [smem:$0x3FFE];
	[sflag:s23] =	ssyncadd.s32 $0xFFFFFFFF  }
0xa5: {  	s26 =	simm.s32 $execute0_lowered;
	[smem:$0x3FD2] =	sst s25  }
0xa6: {  	s5 =	sshll.u32 s26, $0x1;
	_ =	strace $0x8000004C;
	[dreg:$0x1] =	wrdreg $0xFFFFFFFF  }
0xa7: {  	s28 =	simm.s32 $_size_execute0_lowered;
	s3 =	sadd.s32 s3, s5;
	[dreg:$0x0] =	wrdreg $0x0  }
0xa8: {  	s5 =	sshll.u32 s28, $0x1;
	[dreg:$0x2] =	wrdreg s3  }
0xa9: {  	[dreg:$0x3] =	wrdreg s5  }
0xaa: {  	[dreg:$0x4] =	wrdreg $0xC0  }
0xab: {  	_ =	task [dreg:s7], $0x5FFFF  }
0xac: {  	[dreg:$0x1] =	wrdreg $0xFFFFFFFF  }
0xad: {  	[dreg:$0x0] =	wrdreg $0x60  }
0xae: {  	[dreg:$0x2] =	wrdreg s24  }
0xaf: {  	[dreg:$0x3] =	wrdreg s2  }
0xb0: {  	[dreg:$0x4] =	wrdreg $0x0  }
0xb1: {  	[dreg:$0x5] =	wrdreg $0x9  }
0xb2: {  	_ =	task.clear_ibuf [dreg:s7], $0x6FFFF;
	_ =	strace $0x9000004C  }
0xb3: {  	s29 =	simm.s32 $0x9;
	_ =	strace $0x8000004E  }
0xb4: {  	_ =	swait.ge [sflag:s29], $0x1  }
0xb5: {  	[sflag:s29] =	ssyncadd.s32 $0xFFFFFFFF  }
0xb6: {  	_ =	strace $0x9000004E  }
0xb7: {  	_ =	sfence  }
0xb8: {  	s30 =	sld [smem:$0x0];
	_ =	sdelay $0x2  }
0xb9: {  	s31 =	sshll.u32 s1, $0xD;
	s1 =	sshrl.u32 s1, $0x2  }
0xba: {  	s3 =	sand.u32 $0x4000, s31;
	s1 =	sadd.s32 s1, s30  }
0xbb: {  	s0 =	sor.u32 s3, s0;
	s1 =	sshll.u32 s1, $0x11  }
0xbc: {  	s0 =	sor.u32 s1, s0  }
0xbd: {  	s0 =	sadd.s32 $0x8F2B, s0  }
0xbe: {  	[sflag:s0] =	ssyncadd.remote.s32 $0x1  }
0xbf: {  	_ =	sfence.sel $0xFFFF  }
0xc0: {  	[dreg:$0x0] =	wrdreg $0xFFFFFFFF;
	(pc) =	sbr.abs _section_cstart, $3  }
0xc1: {  	[dreg:$0x1] =	wrdreg $0xFFFFFFFF  }
0xc2: {  	_ =	task.clear_ibuf [dreg:s7], $0x2FFFF;
	_ =	strace $0x9FFFFFFF  }
0xc3: {  	(tm) =	ssettm $0x7FFFFFFF  }
tec
execute0_lowered:
.L_overlay_start_1:
0x0: {  	(tag) =	ssettag $0x1  }
0x1: {  	s0 =	rddreg [dreg:$0x0]  }
0x2: {  	s1 =	srdreg.scid;
	s8 =	rddreg [dreg:$0x1]  }
0x3: {  	s2 =	rddreg [dreg:$0x2];
	s22 =	stileid.u32  }
0x4: {  	s3 =	simm.s32 $0x0;
	s13 =	simm.s32 $0x16800;
	s15 =	simm.s32 $0x16880  }
0x5: {  	s17 =	simm.s32 $0x16900;
	s18 =	simm.s32 $0x80;
	s19 =	simm.s32 $0x16A00  }
0x6: {  	s20 =	simm.s32 $0x1AA00;
	s21 =	simm.s32 $0x3;
	s28 =	simm.s32 $0x5  }
0x7: {  	s29 =	simm.s32 $0x6;
	s30 =	simm.s32 $0x0;
	s5 =	sand.u32 $0x1, s1  }
0x8: {  	[smem:$0x7FF] =	sst s3;
	s11 =	smul.u32 $0x50000, s22;
	s23 =	sadd.s32 $0x3E00, s0  }
0x9: {  	s26 =	sshll.u32 s22, $0x6;
	s4 =	sshll.u32 s5, $0x4;
	_ =	strace $0x8000004D  }
0xa: {  	s6 =	smul.u32 $0x28000, s5;
	s10 =	ssub.s32 $0x2, s5;
	[dreg:$0x4] =	wrdreg s23  }
0xb: {  	s23 =	simm.s32 $0x16980;
	s4 =	sor.u32 s22, s4;
	s24 =	sshrl.u32 s10, $0x1  }
0xc: {  	s25 =	sshrl.u32 s11, $0x2;
	s11 =	simm.s32 $0x7;
	s9 =	smul.u32 $0x500, s4  }
0xd: {  	s4 =	sadd.s32 $0x60600, s0;
	s10 =	ssub.s32 s10, s24;
	s12 =	sadd.s32 s25, s2  }
0xe: {  	s24 =	smul.u32 $0x2800, s22;
	s22 =	simm.s32 $0x1;
	s25 =	simm.s32 $0x4  }
.Ltmp0:
0xf: {  	s7 =	sadd.s32 s9, s0;
	s0 =	sadd.s32 s6, s0;
	(pc) =	sbr.rel .LBB2_1-.Ltmp0, $4  }
0x10: {  	s6 =	sor.u32 $0x1C07, s26;
	s8 =	sadd.s32 s8, s9;
	s9 =	smax.u32 s10, $0x1  }
0x11: {  	s10 =	sshrl.u32 s12, $0x3;
	s12 =	simm.s32 $0x14000;
	s26 =	simm.s32 $0x2  }
0x12: {  	s31 =	sadd.s32 $0x56600, s7;
	s0 =	sadd.s32 $0x88600, s0;
	s14 =	sadd.s32 $0x10, s8  }
0x13: {  	s16 =	sadd.s32 $0x20, s8;
	[dreg:$0x5] =	wrdreg s31;
	s24 =	sadd.s32 s24, s0  }
.LBB2_4:
0x14: {  	_ =	swait.ge [sflag:s29], $0x80  }
0x15: {  	[sflag:s29] =	ssyncset.done $0x0  }
0x16: {  	[sflag:s29] =	ssyncadd.s32 $0xFFFFFF80  }
0x17: {  	_ =	swait.ge [sflag:s26], $0x4000  }
0x18: {  	[sflag:s26] =	ssyncset.done $0x0  }
0x19: {  	[sflag:s26] =	ssyncadd.s32 $0xFFFFC000  }
0x1a: {  	[spmem:s2] =	stream.indirect.scatter.add.f32 [tilespmem:s20], [sflag:$0x7], $0x80, s23, s18, $0xb8;
	[tilespmem:$0x1EA00] =	vst v63  }
0x1b: {  	_ =	swait.ge [sflag:s11], $0x4000  }
0x1c: {  	s30 =	sadd.s32 $0x1, s30;
	[sflag:s11] =	ssyncset.done $0x0  }
0x1d: {  	p0 =	sne.s32 s30, s9;
	[sflag:s11] =	ssyncadd.s32 $0xFFFFC000  }
.Ltmp1:
0x1e: {  	[bflag:$0x0] =	sbarrier.arrive $0xFFFF;
	(pc) =	sbr.rel @!p0 .LBB2_5-.Ltmp1, $4  }
0x1f: {  	[hbm:s24], [sflag:s6] =	dma.local [spmem:s10], $0x2800  }
0x20: {  	_ =	swait.ge [sflag:s11], $0x2800  }
0x21: {  	[sflag:s11] =	ssyncset.done $0x0  }
0x22: {  	[sflag:s11] =	ssyncadd.s32 $0xFFFFD800  }
.LBB2_1:
0x23: {  	s0 =	rddreg [dreg:$0x4]  }
0x24: {  	[spmem:s10], [sflag:s6] =	dma.local [hbm:s0], $0x2800  }
0x25: {  	_ =	swait.ge [sflag:s11], $0x2800  }
0x26: {  	[sflag:s11] =	ssyncset.done $0x0  }
0x27: {  	s7 =	rddreg [dreg:$0x5];
	[sflag:s11] =	ssyncadd.s32 $0xFFFFD800  }
0x28: {  	[tilespmem:s12], [sflag:$0x7] =	stream.linear.gather [hbm4b:s7+s3], $0x2800, $0x38;
	[tilespmem:$0x1EA00] =	vst v63  }
0x29: {  	_ =	swait.ge [sflag:s11], $0x2800  }
0x2a: {  	[sflag:s11] =	ssyncset.done $0x0  }
0x2b: {  	[sflag:s11] =	ssyncadd.s32 $0xFFFFD800  }
0x2c: {  	[tilespmem:s13], [sflag:$0x3] =	stream.linear.gather [hbm4b:s8+s3], $0x80, $0x38;
	[tilespmem:$0x1EA00] =	vst v63  }
0x2d: {  	_ = 	snop  }
0x2e: {  	[tilespmem:s15], [sflag:$0x4] =	stream.linear.gather [hbm4b:s14+s3], $0x80, $0x38;
	[tilespmem:$0x1EA00] =	vst v63  }
0x2f: {  	_ = 	snop  }
0x30: {  	[tilespmem:s17], [sflag:$0x5] =	stream.linear.gather [hbm4b:s16+s3], $0x80, $0x38;
	[tilespmem:$0x1EA00] =	vst v63  }
0x31: {  	s31 =	simm.s32 $0x14200;
	s0 =	simm.s32 $0x0;
	[bflag:$0x0] =	sbarrier.arrive $0xFFFF  }
0x32: {  	[tilespmem:s19], [sflag:$0x1] =	stream.indirect.gather [hbm4b:s4+s18], $0x80, s12, s18, $0xb8;
	[tilespmem:$0x1EA00] =	vst v63  }
.LBB2_2:
0x33: {  	s1 =	sadd.s32 $0xFFFFFE80, s31  }
0x34: {  	[tilespmem:s20], [sflag:$0x2] =	stream.indirect.gather [hbm4b:s4+s18], $0x80, s1, s18, $0xb8;
	[tilespmem:$0x1EA00] =	vst v63  }
0x35: {  	_ =	swait.ge [sflag:s21], $0x80  }
0x36: {  	[sflag:s21] =	ssyncset.done $0x0  }
0x37: {  	[sflag:s21] =	ssyncadd.s32 $0xFFFFFF80  }
0x38: {  	_ =	swait.ge [sflag:s22], $0x4000  }
0x39: {  	[sflag:s22] =	ssyncset.done $0x0  }
0x3a: {  	[sflag:s22] =	ssyncadd.s32 $0xFFFFC000  }
0x3b: {  	[spmem:s2] =	stream.indirect.scatter.add.f32 [tilespmem:s19], [sflag:$0x7], $0x80, s13, s18, $0xb8;
	[tilespmem:$0x1EA00] =	vst v63  }
0x3c: {  	s7 =	sand.u32 $0x780, s0;
	s5 =	sadd.s32 $0x30, s0;
	_ =	swait.ge [sflag:s11], $0x4000  }
0x3d: {  	s5 =	sand.u32 $0x70, s5;
	s1 =	sadd.s32 s8, s7;
	[sflag:s11] =	ssyncset.done $0x0  }
0x3e: {  	s1 =	sadd.s32 s5, s1;
	[sflag:s11] =	ssyncadd.s32 $0xFFFFC000  }
0x3f: {  	[tilespmem:s23], [sflag:$0x6] =	stream.linear.gather [hbm4b:s1+s3], $0x80, $0x38;
	[tilespmem:$0x1EA00] =	vst v63  }
0x40: {  	s5 =	sadd.s32 $0xFFFFFF00, s31  }
0x41: {  	[tilespmem:s19], [sflag:$0x1] =	stream.indirect.gather [hbm4b:s4+s18], $0x80, s5, s18, $0xb8;
	[tilespmem:$0x1EA00] =	vst v63  }
0x42: {  	_ =	swait.ge [sflag:s25], $0x80  }
0x43: {  	[sflag:s25] =	ssyncset.done $0x0  }
0x44: {  	[sflag:s25] =	ssyncadd.s32 $0xFFFFFF80  }
0x45: {  	_ =	swait.ge [sflag:s26], $0x4000  }
0x46: {  	[sflag:s26] =	ssyncset.done $0x0  }
0x47: {  	[sflag:s26] =	ssyncadd.s32 $0xFFFFC000  }
0x48: {  	[spmem:s2] =	stream.indirect.scatter.add.f32 [tilespmem:s20], [sflag:$0x7], $0x80, s15, s18, $0xb8;
	[tilespmem:$0x1EA00] =	vst v63  }
0x49: {  	p0 =	seq.s32 s0, $0x4C0;
	_ =	swait.ge [sflag:s11], $0x4000  }
0x4a: {  	s7 =	simm.s32 @!p0 $0x16800;
	s1 =	sadd.s32 @!p0 s0, s8;
	[sflag:s11] =	ssyncset.done $0x0  }
0x4b: {  	s1 =	sadd.s32 @!p0 $0x40, s1;
	s5 =	simm.s32 @!p0 $0x0;
	[sflag:s11] =	ssyncadd.s32 $0xFFFFC000  }
0x4c: {  	[tilespmem:s7], [sflag:$0x3] =	stream.linear.gather @!p0 [hbm4b:s1+s5], $0x80, $0x38;
	[tilespmem:$0x1EA00] =	vst v63  }
0x4d: {  	s7 =	sadd.s32 $0xFFFFFF80, s31  }
0x4e: {  	[tilespmem:s20], [sflag:$0x2] =	stream.indirect.gather [hbm4b:s4+s18], $0x80, s7, s18, $0xb8;
	[tilespmem:$0x1EA00] =	vst v63  }
0x4f: {  	_ =	swait.ge [sflag:s28], $0x80  }
0x50: {  	[sflag:s28] =	ssyncset.done $0x0  }
0x51: {  	[sflag:s28] =	ssyncadd.s32 $0xFFFFFF80  }
0x52: {  	_ =	swait.ge [sflag:s22], $0x4000  }
0x53: {  	[sflag:s22] =	ssyncset.done $0x0  }
.Ltmp2:
0x54: {  	[sflag:s22] =	ssyncadd.s32 $0xFFFFC000;
	(pc) =	sbr.rel @p0 .LBB2_4-.Ltmp2, $4  }
0x55: {  	[spmem:s2] =	stream.indirect.scatter.add.f32 [tilespmem:s19], [sflag:$0x7], $0x80, s17, s18, $0xb8;
	[tilespmem:$0x1EA00] =	vst v63  }
0x56: {  	_ =	swait.ge [sflag:s11], $0x4000  }
0x57: {  	[sflag:s11] =	ssyncset.done $0x0  }
0x58: {  	[sflag:s11] =	ssyncadd.s32 $0xFFFFC000  }
0x59: {  	s1 =	sadd.s32 s0, s8  }
0x5a: {  	s5 =	sadd.s32 $0x50, s1  }
0x5b: {  	[tilespmem:s15], [sflag:$0x4] =	stream.linear.gather [hbm4b:s5+s3], $0x80, $0x38;
	[tilespmem:$0x1EA00] =	vst v63  }
0x5c: {  	_ = 	snop  }
0x5d: {  	[tilespmem:s19], [sflag:$0x1] =	stream.indirect.gather [hbm4b:s4+s18], $0x80, s31, s18, $0xb8;
	[tilespmem:$0x1EA00] =	vst v63  }
0x5e: {  	_ =	swait.ge [sflag:s29], $0x80  }
0x5f: {  	[sflag:s29] =	ssyncset.done $0x0  }
0x60: {  	[sflag:s29] =	ssyncadd.s32 $0xFFFFFF80  }
0x61: {  	_ =	swait.ge [sflag:s26], $0x4000  }
0x62: {  	[sflag:s26] =	ssyncset.done $0x0  }
0x63: {  	[sflag:s26] =	ssyncadd.s32 $0xFFFFC000  }
0x64: {  	[spmem:s2] =	stream.indirect.scatter.add.f32 [tilespmem:s20], [sflag:$0x7], $0x80, s23, s18, $0xb8;
	[tilespmem:$0x1EA00] =	vst v63  }
.Ltmp3:
0x65: {  	_ = 	snop;
	(pc) =	sbr.rel .LBB2_2-.Ltmp3, $4  }
0x66: {  	_ =	swait.ge [sflag:s11], $0x4000  }
0x67: {  	s0 =	sadd.s32 $0x40, s0;
	[sflag:s11] =	ssyncset.done $0x0  }
0x68: {  	s1 =	sadd.s32 $0x60, s1;
	s31 =	sadd.s32 $0x200, s31;
	[sflag:s11] =	ssyncadd.s32 $0xFFFFC000  }
0x69: {  	[tilespmem:s17], [sflag:$0x5] =	stream.linear.gather [hbm4b:s1+s3], $0x80, $0x38;
	[tilespmem:$0x1EA00] =	vst v63  }
.LBB2_5:
0x6a: {  	_ =	sfence.sel $0x180000  }
0x6b: {  	[bflag:$0x0] =	sbarrier.arrive $0xFFFF  }
0x6c: {  	_ =	strace $0x9000004D  }
0x6d: {  	s0 =	stileid.u32;
	[bflag:$0x2] =	sbarrier.arrive $0xFFFF  }
0x6e: {  	p0 =	sne.s32 s0, $0x0;
	s0 =	rddreg [dreg:$0x3]  }
0x6f: {  	s0 =	sadd.s32 @!p0 $0x100000, s0  }
0x70: {  	[sflag:s0] =	ssyncadd.tile.s32 @!p0 $0x1;
	_ =	shalt  }
.Lfunc_end2:
_tile_overlayer_lowered:
.L_overlay_start_2:
0x71: {  	(tag) =	ssettag $0x2  }
0x72: {  	s0 =	rddreg [dreg:$0x0];
	s2 =	stileid.u32  }
0x73: {  	s1 =	rddreg [dreg:$0x1];
	p0 =	sne.s32 s2, $0x0  }
0x74: {  	s3 =	rddreg [dreg:$0x2];
	[bflag:$0x3] =	sbarrier.arrive $0xFFFF;
	s2 =	simm.s32 @!p0 $0x1C07  }
0x75: {  	[timem:s3], [sflag:s2] =	dma.local @!p0 [hbm:s0], s1  }
0x76: {  	s0 =	simm.s32 @!p0 $0x7  }
0x77: {  	_ =	swait.ge @!p0 [sflag:s0], s1  }
0x78: {  	s1 =	ssub.s32 @!p0 $0x0, s1;
	[sflag:s0] =	ssyncset.done @!p0 $0x0  }
0x79: {  	[sflag:s0] =	ssyncadd.s32 @!p0 s1  }
0x7a: {  	[bflag:$0x3] =	sbarrier.arrive $0xFFFF  }
0x7b: {  	_ =	shalt  }

// kernel: _run.19.cloned.1.call-start
scs
__scs_entry_jumppad:
0x0: {  	(pc) =	sbr.rel $0x88, $3  }
0x1: {  	(tag) =	ssettag $0x0;
	lr =	simm.s32 $0x1  }
0x2: {  	[smem:$0x3F99] =	sst lr;
	_ =	strace $0xD0000000  }
0x3: {  	_ = 	snop  }
0x4: {  	_ = 	snop  }
0x5: {  	_ = 	snop  }
0x6: {  	_ = 	snop  }
0x7: {  	_ = 	snop  }
__scs_overlays_trampoline_lowered:
0x8: {  	[smem:$0x3FA8] =	sst s0  }
0x9: {  	[smem:$0x3FA9] =	sst s1  }
0xa: {  	[smem:$0x3FAA] =	sst s2  }
0xb: {  	[smem:$0x3FAB] =	sst s3  }
0xc: {  	[smem:$0x3FAC] =	sst s4  }
0xd: {  	[smem:$0x3FAD] =	sst s5  }
0xe: {  	[smem:$0x3FAE] =	sst s6  }
0xf: {  	[smem:$0x3FAF] =	sst s7  }
0x10: {  	[smem:$0x3FB0] =	sst s8  }
0x11: {  	[smem:$0x3FB1] =	sst s9;
	s0 =	simm.s32 @!p0 $0x0  }
0x12: {  	s1 =	sld [smem:$0x3F97];
	s0 =	simm.s32 @p0 $0x1  }
0x13: {  	[smem:$0x3FB2] =	sst s0;
	s0 =	simm.s32 @!p1 $0x0  }
0x14: {  	s2 =	sld [smem:$0x3F96];
	s0 =	simm.s32 @p1 $0x1  }
0x15: {  	[smem:$0x3FB3] =	sst s0;
	s0 =	simm.s32 @!p2 $0x0  }
0x16: {  	s3 =	sld [smem:$0x3FDB];
	s0 =	simm.s32 @p2 $0x1  }
0x17: {  	s4 =	simm.s32 $0x1BF5;
	[smem:$0x3FB5] =	sst s0  }
0x18: {  	s0 =	sld [smem:$0x3F98];
	_ =	swait.ge [sflag:s4], $0x0  }
0x19: {  	s7 =	sld [smem:$0x3F99]  }
0x1a: {  	s8 =	sadd.s32 $0xFFFFE003, lr  }
0x1b: {  	s9 =	sadd.s32 $0xFFFFFEF7, lr;
	s5 =	simm.s32 $0xFFFFFFFF;
	p2 =	slt.u32 s8, $0xFFFFF086  }
0x1c: {  	p1 =	slt.u32 s9, $0xF7A;
	s5 =	simm.s32 @!p2 $0x0  }
0x1d: {  	s5 =	simm.s32 @p1 $0x1;
	p0 =	seq.s32 s7, s2  }
0x1e: {  	s7 =	smul.u32 @!p0 $0xF7A, s2;
	p2 =	seq.s32 @!p0 s5, $0x0  }
0x1f: {  	s9 =	smul.u32 $0xF7A, s1;
	s8 =	simm.s32 @!p0 $0x1BF5;
	p2 =	por !p2, p0  }
0x20: {  	[sflag:s8] =	ssyncset.s32 @!p0 $0xFFFFF086;
	s6 =	sadd.s32 @!p0 s3, s7;
	s7 =	simm.s32 @!p0 $0x108  }
0x21: {  	s3 =	sadd.s32 s3, s9;
	s6 =	sadd.s32 @!p0 $0x88, s6;
	s7 =	simm.s32 @p2 $0x1082  }
0x22: {  	[simem:s7], [sflag:s8] =	dma.local @!p0 [hbm:s6], $0xF7A  }
0x23: {  	s9 =	sor.u32 $0xD0000000, s2;
	s6 =	simm.s32 $0x108;
	_ =	swait.ge @!p0 [sflag:s8], $0x0  }
0x24: {  	s3 =	sadd.s32 $0x88, s3;
	s6 =	simm.s32 @!p1 $0x1082;
	[sflag:s4] =	ssyncset.s32 $0xFFFFF086  }
0x25: {  	[simem:s6], [sflag:s4] =	dma.local [hbm:s3], $0xF7A  }
0x26: {  	[smem:$0x3F99] =	sst s1;
	(tag) =	ssettag s2;
	_ =	strace s9  }
0x27: {  	s1 =	sld [smem:$0x3FA9]  }
0x28: {  	s2 =	sld [smem:$0x3FAA]  }
0x29: {  	s4 =	sld [smem:$0x3FAC]  }
0x2a: {  	p0 =	seq.s32 s5, $0x0;
	s5 =	sld [smem:$0x3FAD]  }
0x2b: {  	s6 =	sld [smem:$0x3FAE]  }
0x2c: {  	s7 =	sld [smem:$0x3FAF]  }
0x2d: {  	s3 =	simm.s32 $0x108;
	s8 =	sld [smem:$0x3FB0]  }
0x2e: {  	s3 =	simm.s32 @!p0 $0x1082;
	s9 =	sld [smem:$0x3FB1]  }
0x2f: {  	lr =	sadd.s32 s0, s3;
	s0 =	sld [smem:$0x3FA8]  }
0x30: {  	s3 =	sld [smem:$0x3FAB]  }
0x31: {  	[smem:$0x3FB4] =	sst s10  }
0x32: {  	s10 =	sld [smem:$0x3FB2];
	_ =	sdelay $0x3  }
0x33: {  	p0 =	seq.s32 s10, $0x1;
	s10 =	sld [smem:$0x3FB4];
	_ =	sdelay $0x3  }
0x34: {  	[smem:$0x3FB4] =	sst s10  }
0x35: {  	s10 =	sld [smem:$0x3FB3];
	_ =	sdelay $0x3  }
0x36: {  	p1 =	seq.s32 s10, $0x1;
	s10 =	sld [smem:$0x3FB4];
	_ =	sdelay $0x3  }
0x37: {  	[smem:$0x3FB4] =	sst s10  }
0x38: {  	s10 =	sld [smem:$0x3FB5]  }
0x39: {  	_ = 	snop;
	(pc) =	sbr.ind lr, $3  }
0x3a: {  	_ = 	snop  }
0x3b: {  	_ = 	snop  }
0x3c: {  	p2 =	seq.s32 s10, $0x1;
	s10 =	sld [smem:$0x3FB4]  }
0x3d: {  	_ =	shalt  }
0x3e: {  	_ =	shalt  }
0x3f: {  	_ =	shalt  }
0x40: {  	_ =	shalt  }
0x41: {  	_ =	shalt  }
0x42: {  	_ =	shalt  }
0x43: {  	_ =	shalt  }
0x44: {  	_ =	shalt  }
0x45: {  	_ =	shalt  }
0x46: {  	_ =	shalt  }
0x47: {  	_ =	shalt  }
0x48: {  	_ =	shalt  }
0x49: {  	_ =	shalt  }
0x4a: {  	_ =	shalt  }
0x4b: {  	_ =	shalt  }
0x4c: {  	_ =	shalt  }
0x4d: {  	_ =	shalt  }
0x4e: {  	_ =	shalt  }
0x4f: {  	_ =	shalt  }
0x50: {  	_ =	shalt  }
0x51: {  	_ =	shalt  }
0x52: {  	_ =	shalt  }
0x53: {  	_ =	shalt  }
0x54: {  	_ =	shalt  }
0x55: {  	_ =	shalt  }
0x56: {  	_ =	shalt  }
0x57: {  	_ =	shalt  }
0x58: {  	_ =	shalt  }
0x59: {  	_ =	shalt  }
0x5a: {  	_ =	shalt  }
0x5b: {  	_ =	shalt  }
0x5c: {  	_ =	shalt  }
0x5d: {  	_ =	shalt  }
0x5e: {  	_ =	shalt  }
0x5f: {  	_ =	shalt  }
0x60: {  	_ =	shalt  }
0x61: {  	_ =	shalt  }
0x62: {  	_ =	shalt  }
0x63: {  	_ =	shalt  }
0x64: {  	_ =	shalt  }
0x65: {  	_ =	shalt  }
0x66: {  	_ =	shalt  }
0x67: {  	_ =	shalt  }
0x68: {  	_ =	shalt  }
0x69: {  	_ =	shalt  }
0x6a: {  	_ =	shalt  }
0x6b: {  	_ =	shalt  }
0x6c: {  	_ =	shalt  }
0x6d: {  	_ =	shalt  }
0x6e: {  	_ =	shalt  }
0x6f: {  	_ =	shalt  }
0x70: {  	_ =	shalt  }
0x71: {  	_ =	shalt  }
0x72: {  	_ =	shalt  }
0x73: {  	_ =	shalt  }
0x74: {  	_ =	shalt  }
0x75: {  	_ =	shalt  }
0x76: {  	_ =	shalt  }
0x77: {  	_ =	shalt  }
0x78: {  	_ =	shalt  }
0x79: {  	_ =	shalt  }
0x7a: {  	_ =	shalt  }
0x7b: {  	_ =	shalt  }
0x7c: {  	_ =	shalt  }
0x7d: {  	_ =	shalt  }
0x7e: {  	_ =	shalt  }
0x7f: {  	_ =	shalt  }
0x80: {  	_ =	shalt  }
0x81: {  	_ =	shalt  }
0x82: {  	_ =	shalt  }
0x83: {  	_ =	shalt  }
0x84: {  	_ =	shalt  }
0x85: {  	_ =	shalt  }
0x86: {  	_ =	shalt  }
0x87: {  	_ =	shalt  }
.Lfunc_end0:
.L_simem_size_0:
called_computation.3_lowered:
.L_overlay_start_0:
0x88: {  	s2 =	sld [smem:$0x3FD9]  }
0x89: {  	s3 =	sld [smem:$0x3FFE];
	_ =	sdelay $0x1  }
0x8a: {  	s1 =	srdreg.scid  }
0x8b: {  	s0 =	sand.u32 $0x1, s1  }
0x8c: {  	s17 =	sshll.u32 s0, $0xA;
	s2 =	sadd.s32 s3, s2  }
0x8d: {  	s2 =	sadd.s32 s2, s17  }
0x8e: {  	[smem:$0x3FC0] =	sst s2  }
0x8f: {  	_ = 	snop  }
0x90: {  	s2 =	sld [smem:$0x3FD0];
	(tm) =	ssettm $0x1  }
0x91: {  	s18 =	sld [smem:$0x3FFB];
	_ =	sdelay $0x3  }
0x92: {  	_ =	strace s18  }
0x93: {  	s3 =	sld [smem:$0x3FFC];
	_ =	sdelay $0x3  }
0x94: {  	_ =	strace s3  }
0x95: {  	s3 =	sld [smem:$0x3FFD];
	_ =	sdelay $0x3  }
0x96: {  	_ =	strace s3  }
0x97: {  	_ =	strace $0x8FFFFFFF  }
0x98: {  	s19 =	sld [smem:$0x3FDB];
	_ =	sdelay $0x1  }
0x99: {  	s4 =	simm.s32 $_scs_section_size  }
0x9a: {  	s5 =	simm.s32 $_size__tile_overlayer_lowered;
	s6 =	simm.s32 $_tile_overlayer_lowered  }
0x9b: {  	s22 =	simm.s32 $0x1BFF;
	s21 =	sshll.u32 s6, $0x1;
	s3 =	sadd.s32 s4, s19  }
0x9c: {  	s7 =	simm.s32 $0x0;
	s20 =	sshll.u32 s5, $0x1;
	s5 =	sadd.s32 s21, s3  }
0x9d: {  	[timem:s7], [sflag:s22] =	dma.local [hbm:s5], s20  }
0x9e: {  	_ =	swait.ge [sflag:s22], s20  }
0x9f: {  	s4 =	ssub.s32 $0x0, s20;
	[sflag:s22] =	ssyncset.done $0x0  }
0xa0: {  	[sflag:s22] =	ssyncadd.s32 s4;
	_ =	sdelay $0x1  }
0xa1: {  	s23 =	simm.s32 $0x1B8B  }
0xa2: {  	_ =	swait.ge [sflag:s23], $0x1  }
0xa3: {  	[sflag:s23] =	ssyncset.done $0x0  }
0xa4: {  	s25 =	simm.s32 $0x1B8E;
	s24 =	sld [smem:$0x3FFE];
	[sflag:s23] =	ssyncadd.s32 $0xFFFFFFFF  }
0xa5: {  	s26 =	simm.s32 $execute0_lowered;
	[smem:$0x3FD2] =	sst s25  }
0xa6: {  	s5 =	sshll.u32 s26, $0x1;
	_ =	strace $0x8000004F;
	[dreg:$0x1] =	wrdreg $0xFFFFFFFF  }
0xa7: {  	s28 =	simm.s32 $_size_execute0_lowered;
	s3 =	sadd.s32 s3, s5;
	[dreg:$0x0] =	wrdreg $0x0  }
0xa8: {  	s5 =	sshll.u32 s28, $0x1;
	[dreg:$0x2] =	wrdreg s3  }
0xa9: {  	[dreg:$0x3] =	wrdreg s5  }
0xaa: {  	[dreg:$0x4] =	wrdreg $0xC0  }
0xab: {  	_ =	task [dreg:s7], $0x5FFFF  }
0xac: {  	[dreg:$0x1] =	wrdreg $0xFFFFFFFF  }
0xad: {  	[dreg:$0x0] =	wrdreg $0x60  }
0xae: {  	[dreg:$0x2] =	wrdreg s24  }
0xaf: {  	[dreg:$0x3] =	wrdreg s2  }
0xb0: {  	[dreg:$0x4] =	wrdreg $0x0  }
0xb1: {  	[dreg:$0x5] =	wrdreg $0x9  }
0xb2: {  	_ =	task.clear_ibuf [dreg:s7], $0x6FFFF;
	_ =	strace $0x9000004F  }
0xb3: {  	s29 =	simm.s32 $0x9;
	_ =	strace $0x80000051  }
0xb4: {  	_ =	swait.ge [sflag:s29], $0x1  }
0xb5: {  	[sflag:s29] =	ssyncadd.s32 $0xFFFFFFFF  }
0xb6: {  	_ =	strace $0x90000051  }
0xb7: {  	_ =	sfence  }
0xb8: {  	s30 =	sld [smem:$0x0];
	_ =	sdelay $0x2  }
0xb9: {  	s31 =	sshll.u32 s1, $0xD;
	s1 =	sshrl.u32 s1, $0x2  }
0xba: {  	s3 =	sand.u32 $0x4000, s31;
	s1 =	sadd.s32 s1, s30  }
0xbb: {  	s0 =	sor.u32 s3, s0;
	s1 =	sshll.u32 s1, $0x11  }
0xbc: {  	s0 =	sor.u32 s1, s0  }
0xbd: {  	s0 =	sadd.s32 $0x8F2B, s0  }
0xbe: {  	[sflag:s0] =	ssyncadd.remote.s32 $0x1  }
0xbf: {  	_ =	sfence.sel $0xFFFF  }
0xc0: {  	[dreg:$0x0] =	wrdreg $0xFFFFFFFF;
	(pc) =	sbr.abs _section_cstart, $3  }
0xc1: {  	[dreg:$0x1] =	wrdreg $0xFFFFFFFF  }
0xc2: {  	_ =	task.clear_ibuf [dreg:s7], $0x2FFFF;
	_ =	strace $0x9FFFFFFF  }
0xc3: {  	(tm) =	ssettm $0x7FFFFFFF  }
tec
execute0_lowered:
.L_overlay_start_1:
0x0: {  	(tag) =	ssettag $0x1  }
0x1: {  	s0 =	rddreg [dreg:$0x0]  }
0x2: {  	s1 =	srdreg.scid;
	s8 =	rddreg [dreg:$0x1]  }
0x3: {  	s2 =	rddreg [dreg:$0x2];
	s22 =	stileid.u32  }
0x4: {  	s3 =	simm.s32 $0x0;
	s13 =	simm.s32 $0x16800;
	s15 =	simm.s32 $0x16880  }
0x5: {  	s17 =	simm.s32 $0x16900;
	s18 =	simm.s32 $0x80;
	s19 =	simm.s32 $0x16A00  }
0x6: {  	s20 =	simm.s32 $0x1AA00;
	s21 =	simm.s32 $0x3;
	s28 =	simm.s32 $0x5  }
0x7: {  	s29 =	simm.s32 $0x6;
	s30 =	simm.s32 $0x0;
	s5 =	sand.u32 $0x1, s1  }
0x8: {  	[smem:$0x7FF] =	sst s3;
	s11 =	smul.u32 $0x50000, s22;
	s23 =	sadd.s32 $0x3E00, s0  }
0x9: {  	s26 =	sshll.u32 s22, $0x6;
	s4 =	sshll.u32 s5, $0x4;
	_ =	strace $0x80000050  }
0xa: {  	s6 =	smul.u32 $0x28000, s5;
	s10 =	ssub.s32 $0x2, s5;
	[dreg:$0x4] =	wrdreg s23  }
0xb: {  	s23 =	simm.s32 $0x16980;
	s4 =	sor.u32 s22, s4;
	s24 =	sshrl.u32 s10, $0x1  }
0xc: {  	s25 =	sshrl.u32 s11, $0x2;
	s11 =	simm.s32 $0x7;
	s9 =	smul.u32 $0x500, s4  }
0xd: {  	s4 =	sadd.s32 $0x60600, s0;
	s10 =	ssub.s32 s10, s24;
	s12 =	sadd.s32 s25, s2  }
0xe: {  	s24 =	smul.u32 $0x2800, s22;
	s22 =	simm.s32 $0x1;
	s25 =	simm.s32 $0x4  }
.Ltmp0:
0xf: {  	s7 =	sadd.s32 s9, s0;
	s0 =	sadd.s32 s6, s0;
	(pc) =	sbr.rel .LBB2_1-.Ltmp0, $4  }
0x10: {  	s6 =	sor.u32 $0x1C07, s26;
	s8 =	sadd.s32 s8, s9;
	s9 =	smax.u32 s10, $0x1  }
0x11: {  	s10 =	sshrl.u32 s12, $0x3;
	s12 =	simm.s32 $0x14000;
	s26 =	simm.s32 $0x2  }
0x12: {  	s31 =	sadd.s32 $0x56600, s7;
	s0 =	sadd.s32 $0x88600, s0;
	s14 =	sadd.s32 $0x10, s8  }
0x13: {  	s16 =	sadd.s32 $0x20, s8;
	[dreg:$0x5] =	wrdreg s31;
	s24 =	sadd.s32 s24, s0  }
.LBB2_4:
0x14: {  	_ =	swait.ge [sflag:s29], $0x80  }
0x15: {  	[sflag:s29] =	ssyncset.done $0x0  }
0x16: {  	[sflag:s29] =	ssyncadd.s32 $0xFFFFFF80  }
0x17: {  	_ =	swait.ge [sflag:s26], $0x4000  }
0x18: {  	[sflag:s26] =	ssyncset.done $0x0  }
0x19: {  	[sflag:s26] =	ssyncadd.s32 $0xFFFFC000  }
0x1a: {  	[spmem:s2] =	stream.indirect.scatter.add.f32 [tilespmem:s20], [sflag:$0x7], $0x80, s23, s18, $0xb8;
	[tilespmem:$0x1EA00] =	vst v63  }
0x1b: {  	_ =	swait.ge [sflag:s11], $0x4000  }
0x1c: {  	s30 =	sadd.s32 $0x1, s30;
	[sflag:s11] =	ssyncset.done $0x0  }
0x1d: {  	p0 =	sne.s32 s30, s9;
	[sflag:s11] =	ssyncadd.s32 $0xFFFFC000  }
.Ltmp1:
0x1e: {  	[bflag:$0x0] =	sbarrier.arrive $0xFFFF;
	(pc) =	sbr.rel @!p0 .LBB2_5-.Ltmp1, $4  }
0x1f: {  	[hbm:s24], [sflag:s6] =	dma.local [spmem:s10], $0x2800  }
0x20: {  	_ =	swait.ge [sflag:s11], $0x2800  }
0x21: {  	[sflag:s11] =	ssyncset.done $0x0  }
0x22: {  	[sflag:s11] =	ssyncadd.s32 $0xFFFFD800  }
.LBB2_1:
0x23: {  	s0 =	rddreg [dreg:$0x4]  }
0x24: {  	[spmem:s10], [sflag:s6] =	dma.local [hbm:s0], $0x2800  }
0x25: {  	_ =	swait.ge [sflag:s11], $0x2800  }
0x26: {  	[sflag:s11] =	ssyncset.done $0x0  }
0x27: {  	s7 =	rddreg [dreg:$0x5];
	[sflag:s11] =	ssyncadd.s32 $0xFFFFD800  }
0x28: {  	[tilespmem:s12], [sflag:$0x7] =	stream.linear.gather [hbm4b:s7+s3], $0x2800, $0x38;
	[tilespmem:$0x1EA00] =	vst v63  }
0x29: {  	_ =	swait.ge [sflag:s11], $0x2800  }
0x2a: {  	[sflag:s11] =	ssyncset.done $0x0  }
0x2b: {  	[sflag:s11] =	ssyncadd.s32 $0xFFFFD800  }
0x2c: {  	[tilespmem:s13], [sflag:$0x3] =	stream.linear.gather [hbm4b:s8+s3], $0x80, $0x38;
	[tilespmem:$0x1EA00] =	vst v63  }
0x2d: {  	_ = 	snop  }
0x2e: {  	[tilespmem:s15], [sflag:$0x4] =	stream.linear.gather [hbm4b:s14+s3], $0x80, $0x38;
	[tilespmem:$0x1EA00] =	vst v63  }
0x2f: {  	_ = 	snop  }
0x30: {  	[tilespmem:s17], [sflag:$0x5] =	stream.linear.gather [hbm4b:s16+s3], $0x80, $0x38;
	[tilespmem:$0x1EA00] =	vst v63  }
0x31: {  	s31 =	simm.s32 $0x14200;
	s0 =	simm.s32 $0x0;
	[bflag:$0x0] =	sbarrier.arrive $0xFFFF  }
0x32: {  	[tilespmem:s19], [sflag:$0x1] =	stream.indirect.gather [hbm4b:s4+s18], $0x80, s12, s18, $0xb8;
	[tilespmem:$0x1EA00] =	vst v63  }
.LBB2_2:
0x33: {  	s1 =	sadd.s32 $0xFFFFFE80, s31  }
0x34: {  	[tilespmem:s20], [sflag:$0x2] =	stream.indirect.gather [hbm4b:s4+s18], $0x80, s1, s18, $0xb8;
	[tilespmem:$0x1EA00] =	vst v63  }
0x35: {  	_ =	swait.ge [sflag:s21], $0x80  }
0x36: {  	[sflag:s21] =	ssyncset.done $0x0  }
0x37: {  	[sflag:s21] =	ssyncadd.s32 $0xFFFFFF80  }
0x38: {  	_ =	swait.ge [sflag:s22], $0x4000  }
0x39: {  	[sflag:s22] =	ssyncset.done $0x0  }
0x3a: {  	[sflag:s22] =	ssyncadd.s32 $0xFFFFC000  }
0x3b: {  	[spmem:s2] =	stream.indirect.scatter.add.f32 [tilespmem:s19], [sflag:$0x7], $0x80, s13, s18, $0xb8;
	[tilespmem:$0x1EA00] =	vst v63  }
0x3c: {  	s7 =	sand.u32 $0x780, s0;
	s5 =	sadd.s32 $0x30, s0;
	_ =	swait.ge [sflag:s11], $0x4000  }
0x3d: {  	s5 =	sand.u32 $0x70, s5;
	s1 =	sadd.s32 s8, s7;
	[sflag:s11] =	ssyncset.done $0x0  }
0x3e: {  	s1 =	sadd.s32 s5, s1;
	[sflag:s11] =	ssyncadd.s32 $0xFFFFC000  }
0x3f: {  	[tilespmem:s23], [sflag:$0x6] =	stream.linear.gather [hbm4b:s1+s3], $0x80, $0x38;
	[tilespmem:$0x1EA00] =	vst v63  }
0x40: {  	s5 =	sadd.s32 $0xFFFFFF00, s31  }
0x41: {  	[tilespmem:s19], [sflag:$0x1] =	stream.indirect.gather [hbm4b:s4+s18], $0x80, s5, s18, $0xb8;
	[tilespmem:$0x1EA00] =	vst v63  }
0x42: {  	_ =	swait.ge [sflag:s25], $0x80  }
0x43: {  	[sflag:s25] =	ssyncset.done $0x0  }
0x44: {  	[sflag:s25] =	ssyncadd.s32 $0xFFFFFF80  }
0x45: {  	_ =	swait.ge [sflag:s26], $0x4000  }
0x46: {  	[sflag:s26] =	ssyncset.done $0x0  }
0x47: {  	[sflag:s26] =	ssyncadd.s32 $0xFFFFC000  }
0x48: {  	[spmem:s2] =	stream.indirect.scatter.add.f32 [tilespmem:s20], [sflag:$0x7], $0x80, s15, s18, $0xb8;
	[tilespmem:$0x1EA00] =	vst v63  }
0x49: {  	p0 =	seq.s32 s0, $0x4C0;
	_ =	swait.ge [sflag:s11], $0x4000  }
0x4a: {  	s7 =	simm.s32 @!p0 $0x16800;
	s1 =	sadd.s32 @!p0 s0, s8;
	[sflag:s11] =	ssyncset.done $0x0  }
0x4b: {  	s1 =	sadd.s32 @!p0 $0x40, s1;
	s5 =	simm.s32 @!p0 $0x0;
	[sflag:s11] =	ssyncadd.s32 $0xFFFFC000  }
0x4c: {  	[tilespmem:s7], [sflag:$0x3] =	stream.linear.gather @!p0 [hbm4b:s1+s5], $0x80, $0x38;
	[tilespmem:$0x1EA00] =	vst v63  }
0x4d: {  	s7 =	sadd.s32 $0xFFFFFF80, s31  }
0x4e: {  	[tilespmem:s20], [sflag:$0x2] =	stream.indirect.gather [hbm4b:s4+s18], $0x80, s7, s18, $0xb8;
	[tilespmem:$0x1EA00] =	vst v63  }
0x4f: {  	_ =	swait.ge [sflag:s28], $0x80  }
0x50: {  	[sflag:s28] =	ssyncset.done $0x0  }
0x51: {  	[sflag:s28] =	ssyncadd.s32 $0xFFFFFF80  }
0x52: {  	_ =	swait.ge [sflag:s22], $0x4000  }
0x53: {  	[sflag:s22] =	ssyncset.done $0x0  }
.Ltmp2:
0x54: {  	[sflag:s22] =	ssyncadd.s32 $0xFFFFC000;
	(pc) =	sbr.rel @p0 .LBB2_4-.Ltmp2, $4  }
0x55: {  	[spmem:s2] =	stream.indirect.scatter.add.f32 [tilespmem:s19], [sflag:$0x7], $0x80, s17, s18, $0xb8;
	[tilespmem:$0x1EA00] =	vst v63  }
0x56: {  	_ =	swait.ge [sflag:s11], $0x4000  }
0x57: {  	[sflag:s11] =	ssyncset.done $0x0  }
0x58: {  	[sflag:s11] =	ssyncadd.s32 $0xFFFFC000  }
0x59: {  	s1 =	sadd.s32 s0, s8  }
0x5a: {  	s5 =	sadd.s32 $0x50, s1  }
0x5b: {  	[tilespmem:s15], [sflag:$0x4] =	stream.linear.gather [hbm4b:s5+s3], $0x80, $0x38;
	[tilespmem:$0x1EA00] =	vst v63  }
0x5c: {  	_ = 	snop  }
0x5d: {  	[tilespmem:s19], [sflag:$0x1] =	stream.indirect.gather [hbm4b:s4+s18], $0x80, s31, s18, $0xb8;
	[tilespmem:$0x1EA00] =	vst v63  }
0x5e: {  	_ =	swait.ge [sflag:s29], $0x80  }
0x5f: {  	[sflag:s29] =	ssyncset.done $0x0  }
0x60: {  	[sflag:s29] =	ssyncadd.s32 $0xFFFFFF80  }
0x61: {  	_ =	swait.ge [sflag:s26], $0x4000  }
0x62: {  	[sflag:s26] =	ssyncset.done $0x0  }
0x63: {  	[sflag:s26] =	ssyncadd.s32 $0xFFFFC000  }
0x64: {  	[spmem:s2] =	stream.indirect.scatter.add.f32 [tilespmem:s20], [sflag:$0x7], $0x80, s23, s18, $0xb8;
	[tilespmem:$0x1EA00] =	vst v63  }
.Ltmp3:
0x65: {  	_ = 	snop;
	(pc) =	sbr.rel .LBB2_2-.Ltmp3, $4  }
0x66: {  	_ =	swait.ge [sflag:s11], $0x4000  }
0x67: {  	s0 =	sadd.s32 $0x40, s0;
	[sflag:s11] =	ssyncset.done $0x0  }
0x68: {  	s1 =	sadd.s32 $0x60, s1;
	s31 =	sadd.s32 $0x200, s31;
	[sflag:s11] =	ssyncadd.s32 $0xFFFFC000  }
0x69: {  	[tilespmem:s17], [sflag:$0x5] =	stream.linear.gather [hbm4b:s1+s3], $0x80, $0x38;
	[tilespmem:$0x1EA00] =	vst v63  }
.LBB2_5:
0x6a: {  	_ =	sfence.sel $0x180000  }
0x6b: {  	[bflag:$0x0] =	sbarrier.arrive $0xFFFF  }
0x6c: {  	_ =	strace $0x90000050  }
0x6d: {  	s0 =	stileid.u32;
	[bflag:$0x2] =	sbarrier.arrive $0xFFFF  }
0x6e: {  	p0 =	sne.s32 s0, $0x0;
	s0 =	rddreg [dreg:$0x3]  }
0x6f: {  	s0 =	sadd.s32 @!p0 $0x100000, s0  }
0x70: {  	[sflag:s0] =	ssyncadd.tile.s32 @!p0 $0x1;
	_ =	shalt  }
.Lfunc_end2:
_tile_overlayer_lowered:
.L_overlay_start_2:
0x71: {  	(tag) =	ssettag $0x2  }
0x72: {  	s0 =	rddreg [dreg:$0x0];
	s2 =	stileid.u32  }
0x73: {  	s1 =	rddreg [dreg:$0x1];
	p0 =	sne.s32 s2, $0x0  }
0x74: {  	s3 =	rddreg [dreg:$0x2];
	[bflag:$0x3] =	sbarrier.arrive $0xFFFF;
	s2 =	simm.s32 @!p0 $0x1C07  }
0x75: {  	[timem:s3], [sflag:s2] =	dma.local @!p0 [hbm:s0], s1  }
0x76: {  	s0 =	simm.s32 @!p0 $0x7  }
0x77: {  	_ =	swait.ge @!p0 [sflag:s0], s1  }
0x78: {  	s1 =	ssub.s32 @!p0 $0x0, s1;
	[sflag:s0] =	ssyncset.done @!p0 $0x0  }
0x79: {  	[sflag:s0] =	ssyncadd.s32 @!p0 s1  }
0x7a: {  	[bflag:$0x3] =	sbarrier.arrive $0xFFFF  }
0x7b: {  	_ =	shalt  }

</sc_bundles>
